<compile_context>
chip_gen: v7x
topology: tpu7x:2x2x1
jax: 0.10.2.dev20260603
libtpu: 0.0.44.dev20260713+nightly
codegen_flags: <defaults>
</compile_context>

<pallas_src>
import functools

import jax
import jax.numpy as jnp
from jax import lax
from jax.experimental import pallas as pl
from jax.experimental.pallas import tpu as pltpu
from jax.experimental.pallas import tpu_sc as plsc

N = 10000
K = 32
D = 128
NC = 2
NS = 16
NW = NC * NS
NP = 10240
RPW = NP // NW
CH = 4
NCHUNK = RPW // CH
TC_BLK = 512


def _tc_body(h_ref, wi_ref, wj_ref, aw_ref, ab_ref, wh_ref, sc_ref):
    h = h_ref[...]
    wj = wj_ref[...]
    a_i = aw_ref[0:D, :]
    a_j = aw_ref[D:2 * D, :]
    u_i = lax.dot_general(wi_ref[...], a_i, (((1,), (0,)), ((), ())),
                          preferred_element_type=jnp.float32)
    u_j = lax.dot_general(wj, a_j, (((1,), (0,)), ((), ())),
                          preferred_element_type=jnp.float32)
    B = jnp.concatenate([wj, u_i, u_j, jnp.zeros((D, 6), jnp.float32)],
                        axis=1)
    P = lax.dot_general(h, B, (((1,), (0,)), ((), ())),
                        preferred_element_type=jnp.float32)
    wh_ref[...] = P[:, 0:D].astype(jnp.bfloat16)
    siT = jnp.transpose(P[:, D:D + 1]) + ab_ref[...]
    sjT = jnp.transpose(P[:, D + 1:D + 2])
    sc_ref[...] = jnp.concatenate(
        [siT, sjT, jnp.zeros((6, TC_BLK), jnp.float32)], axis=0)


_tc_call = pl.pallas_call(
    _tc_body,
    grid=(NP // TC_BLK,),
    in_specs=[
        pl.BlockSpec((TC_BLK, D), lambda i: (i, 0)),
        pl.BlockSpec((D, D), lambda i: (0, 0)),
        pl.BlockSpec((D, D), lambda i: (0, 0)),
        pl.BlockSpec((2 * D, 1), lambda i: (0, 0)),
        pl.BlockSpec((1, 1), lambda i: (0, 0)),
    ],
    out_specs=[
        pl.BlockSpec((TC_BLK, D), lambda i: (i, 0)),
        pl.BlockSpec((8, TC_BLK), lambda i: (0, i)),
    ],
    out_shape=[
        jax.ShapeDtypeStruct((NP, D), jnp.bfloat16),
        jax.ShapeDtypeStruct((8, NP), jnp.float32),
    ],
)


_sc_mesh = plsc.VectorSubcoreMesh(core_axis_name="c", subcore_axis_name="s")


@functools.partial(
    pl.kernel,
    out_type=jax.ShapeDtypeStruct((N, D), jnp.float32),
    mesh=_sc_mesh,
    compiler_params=pltpu.CompilerParams(
        needs_layout_passes=False, use_tc_tiling_on_sc=False),
    scratch_types=[
        pltpu.VMEM((RPW * K,), jnp.int32),
        pltpu.VMEM((NP,), jnp.float32),
        pltpu.VMEM((RPW,), jnp.float32),
        pltpu.VMEM((RPW // 16, K, 16), jnp.float32),
        pltpu.VMEM((K, 16), jnp.float32),
        pltpu.VMEM((CH * K, D), jnp.bfloat16),
        pltpu.VMEM((CH * K, D), jnp.bfloat16),
        pltpu.VMEM((RPW, D), jnp.float32),
        pltpu.VMEM_SHARED((NP, D), jnp.bfloat16),
        pltpu.SemaphoreType.DMA,
        pltpu.SemaphoreType.DMA,
    ],
)
def _sc_kernel(wh_hbm, si_hbm, sj_hbm, idxf_hbm, out_hbm,
               idxf_v, sj_v, si_v, w_v, e_v, g0, g1, out_v, wh_sh,
               sem0, sem1):
    sid = lax.axis_index("s")
    wid = sid * NC + lax.axis_index("c")
    base = wid * RPW

    pltpu.sync_copy(idxf_hbm.at[pl.ds(base * K, RPW * K)], idxf_v)
    shard = NP // NS
    pltpu.sync_copy(wh_hbm.at[pl.ds(sid * shard, shard), :],
                    wh_sh.at[pl.ds(sid * shard, shard), :])
    plsc.subcore_barrier()

    def start(c, gb, sem):
        pltpu.async_copy(wh_sh.at[idxf_v.at[pl.ds(c * CH * K, CH * K)]],
                         gb, sem)

    def drain(gb, sem):
        pltpu.make_async_copy(wh_hbm.at[pl.ds(0, CH * K), :], gb, sem).wait()

    start(0, g0, sem0)
    start(1, g1, sem1)

    pltpu.sync_copy(sj_hbm, sj_v)
    pltpu.sync_copy(si_hbm.at[pl.ds(base, RPW)], si_v)

    lanes = lax.iota(jnp.int32, 16)

    def weights_body(rb, _):
        si_vec = si_v[pl.ds(rb * 16, 16)]
        rb512 = jnp.full((16,), rb * 512, jnp.int32)
        m = jnp.full((16,), -3.0e38, jnp.float32)
        for k in range(K):
            lin = rb512 + (lanes * K + k)
            ik = plsc.load_gather(idxf_v, [lin])
            sjk = plsc.load_gather(sj_v, [ik])
            e = si_vec + sjk
            e = jnp.where(e > 0, e, jnp.float32(0.2) * e)
            m = jnp.maximum(m, e)
            e_v[k] = e
        s = jnp.zeros((16,), jnp.float32)
        for k in range(K):
            wk = jnp.exp(e_v[k] - m)
            s = s + wk
            e_v[k] = wk
        inv = jnp.float32(1.0) / s
        for k in range(K):
            w_v[rb, k] = e_v[k] * inv
        return _

    lax.fori_loop(0, RPW // 16, weights_body, None)

    def accum(c, gb):
        def rr_body(rr, _):
            r = c * CH + rr
            rbv = jnp.full((16,), jnp.right_shift(r, 4), jnp.int32)
            riv = jnp.full((16,), jnp.bitwise_and(r, 15), jnp.int32)
            rv = jnp.full((16,), r, jnp.int32)

            def k_body(kk, acc):
                accl = list(acc)
                for j in range(4):
                    k = kk * 4 + j
                    wv = plsc.load_gather(
                        w_v, [rbv, jnp.full((16,), k, jnp.int32), riv])
                    gr = rr * K + k
                    for d in range(D // 32):
                        ev, od = plsc.unpack(
                            gb[gr, pl.ds(d * 32, 32)],
                            format=plsc.PackFormat.INTERLEAVED)
                        accl[2 * d] = accl[2 * d] + wv * ev
                        accl[2 * d + 1] = accl[2 * d + 1] + wv * od
                return tuple(accl)

            acc = lax.fori_loop(
                0, K // 4, k_body,
                tuple(jnp.zeros((16,), jnp.float32) for _ in range(D // 16)))
            for d in range(D // 32):
                cols = d * 32 + 2 * lanes
                plsc.store_scatter(out_v, [rv, cols], acc[2 * d])
                plsc.store_scatter(out_v, [rv, cols + 1], acc[2 * d + 1])
            return _

        lax.fori_loop(0, CH, rr_body, None)

    def chunk_body(g, _):
        for b, (gb, sem) in enumerate(((g0, sem0), (g1, sem1))):
            c = 2 * g + b
            drain(gb, sem)
            accum(c, gb)

            @pl.when(c + 2 < NCHUNK)
            def _start_next():
                start(c + 2, gb, sem)
        return _

    lax.fori_loop(0, NCHUNK // 2, chunk_body, None)

    @pl.when(wid < NW - 1)
    def _write_full():
        pltpu.sync_copy(out_v, out_hbm.at[pl.ds(base, RPW), :])

    @pl.when(wid == NW - 1)
    def _write_tail():
        pltpu.sync_copy(out_v.at[pl.ds(0, N - (NW - 1) * RPW), :],
                        out_hbm.at[pl.ds(base, N - (NW - 1) * RPW), :])


def kernel(h_i, context_indices, W_i, W_j, attn_w, attn_b):
    idx = context_indices.astype(jnp.int32)
    h_pad = jnp.pad(h_i.astype(jnp.float32), ((0, NP - N), (0, 0)))
    idx_pad = jnp.pad(idx, ((0, NP - N), (0, 0)))
    wh, sc = _tc_call(h_pad, W_i, W_j, attn_w,
                      attn_b.reshape(1, 1).astype(jnp.float32))
    return _sc_kernel(wh, sc[0], sc[1], idx_pad.reshape(NP * K))

# --- scband reference (transcript-rebuilt; emitter-appended) ---
"""Pipeline reference for scband-graph-attention-layer-47236050321750 (READ-ONLY COPY).

The authoritative reference and input builder live on the scoring server;
editing this copy changes nothing except your own understanding.
"""

import jax, jax.numpy as jnp
import numpy as np

N = 10000
N_CONTEXT = 32
IN_FEATURES = 128
HIDDEN_DIM = 128
ALPHA = 0.2


def setup_inputs(seed: int = 0) -> dict:
    key = jax.random.key(seed)
    k1, k2, k3, k4, k5 = jax.random.split(key, 5)
    h_i = jax.random.normal(k1, (N, IN_FEATURES), dtype=jnp.float32)
    context_indices = jax.random.randint(k2, (N, N_CONTEXT), 0, N).astype(jnp.int64)
    # Learned params (stored as [in, out] so forward uses x @ W, matching nn.Linear math)
    W_i = jax.random.normal(k3, (IN_FEATURES, HIDDEN_DIM), dtype=jnp.float32) / np.sqrt(IN_FEATURES)
    W_j = jax.random.normal(k4, (IN_FEATURES, HIDDEN_DIM), dtype=jnp.float32) / np.sqrt(IN_FEATURES)
    attn_w = jax.random.normal(k5, (2 * HIDDEN_DIM, 1), dtype=jnp.float32) / np.sqrt(2 * HIDDEN_DIM)
    attn_b = jnp.zeros((1,), dtype=jnp.float32)
    return {"h_i": h_i, "context_indices": context_indices, "W_i": W_i, "W_j": W_j, "attn_w": attn_w, "attn_b": attn_b}


def reference(h_i, context_indices, W_i, W_j, attn_w, attn_b):
    n, n_context = context_indices.shape
    in_features = h_i.shape[1]
    # pad with a zero row; -1 indices map to the pad row (torch's -1 indexes the last row,
    # which is exactly the zero pad row)
    zero_feat = jnp.zeros((1, in_features), dtype=h_i.dtype)
    h_i_padded = jnp.concatenate([h_i, zero_feat], axis=0)
    idx = jnp.where(context_indices >= 0, context_indices, n)
    h_j = jnp.take(h_i_padded, idx.reshape(-1), axis=0).reshape(n, n_context, in_features)
    Wh_i = h_i @ W_i
    Wh_i_repeated = jnp.broadcast_to(Wh_i[:, None, :], (n, n_context, Wh_i.shape[-1]))
    Wh_j = h_j @ W_j
    cat = jnp.concatenate([Wh_i_repeated, Wh_j], axis=2)
    attention_wts = (cat @ attn_w + attn_b).squeeze(2)
    # LeakyReLU(alpha)
    attention_wts = jnp.where(attention_wts > 0, attention_wts, ALPHA * attention_wts)
    minus_inf = -9000000000000000.0 * jnp.ones_like(attention_wts)
    attention_wts = jnp.where(context_indices >= 0, attention_wts, minus_inf)
    attention_wts = jax.nn.softmax(attention_wts, axis=1)
    h_prime = (attention_wts[:, :, None] * Wh_j).sum(axis=1)
    return h_prime

if __name__ == "__main__":
    import jax
    _d = setup_inputs()
    print(jax.jit(kernel)(*tuple(_d.values())))

</pallas_src>

<mosaic_0001>
#map = affine_map<(d0, d1) -> (0, 0)>
#map1 = affine_map<(d0, d1) -> (0)>
module attributes {stable_mosaic.version = 14 : i64} {
  func.func @_sc_kernel(%arg0: i32, %arg1: i32, %arg2: memref<10240x128xbf16, #tpu.memory_space<hbm>>, %arg3: memref<10240xf32, #tpu.memory_space<hbm>>, %arg4: memref<10240xf32, #tpu.memory_space<hbm>>, %arg5: memref<327680xi32, #tpu.memory_space<hbm>>, %arg6: memref<10000x128xf32, #tpu.memory_space<hbm>>, %arg7: memref<10240xi32, #tpu.memory_space<vmem>>, %arg8: memref<10240xf32, #tpu.memory_space<vmem>>, %arg9: memref<320xf32, #tpu.memory_space<vmem>>, %arg10: memref<20x32x16xf32, #tpu.memory_space<vmem>>, %arg11: memref<32x16xf32, #tpu.memory_space<vmem>>, %arg12: memref<128x128xbf16, #tpu.memory_space<vmem>>, %arg13: memref<128x128xbf16, #tpu.memory_space<vmem>>, %arg14: memref<320x128xf32, #tpu.memory_space<vmem>>, %arg15: memref<10240x128xbf16, #tpu.memory_space<vmem_shared>>, %arg16: memref<!tpu.dma_semaphore, #tpu.memory_space<semaphore_mem>>, %arg17: memref<!tpu.dma_semaphore, #tpu.memory_space<semaphore_mem>>) attributes {dimension_semantics = [#tpu.dimension_semantics<core_parallel>, #tpu.dimension_semantics<subcore_parallel>], iteration_bounds = array<i64: 2, 16>, scalar_prefetch = 0 : i64, scratch_operands = 11 : i64, tpu.core_type = #tpu.core_type<sc_vector_subcore>, window_params = [{transform_indices = #map}, {transform_indices = #map1}, {transform_indices = #map1}, {transform_indices = #map1}, {transform_indices = #map}]} {
    %mul3A = arith.constant 2 : i32
    %mul3A_0 = arith.muli %arg1, %mul3A : i32
    %add3A = arith.addi %mul3A_0, %arg0 : i32
    %mul3A_1 = arith.constant 320 : i32
    %mul3A_2 = arith.muli %add3A, %mul3A_1 : i32
    %mul3A_3 = arith.constant 32 : i32
    %mul3A_4 = arith.muli %mul3A_2, %mul3A_3 : i32
    "tpu.region"() ({
      %run_scoped3A = tpu.sem_alloc : memref<!tpu.dma_semaphore, #tpu.memory_space<semaphore_mem>>
      %dma_start3A_33 = tpu.memref_slice %arg5[%mul3A_4] : memref<327680xi32, #tpu.memory_space<hbm>> -> memref<10240xi32, #tpu.memory_space<hbm>>
      %dma_start3A_34 = tpu.memref_slice %arg5[%mul3A_4] : memref<327680xi32, #tpu.memory_space<hbm>> -> memref<10240xi32, #tpu.memory_space<hbm>>
      tpu.enqueue_dma source(%dma_start3A_34 : memref<10240xi32, #tpu.memory_space<hbm>>) target(%arg7 : memref<10240xi32, #tpu.memory_space<vmem>>) target_semaphore(%run_scoped3A : memref<!tpu.dma_semaphore, #tpu.memory_space<semaphore_mem>>)
      %dma_wait3A = tpu.memref_slice %arg5[%mul3A_4] : memref<327680xi32, #tpu.memory_space<hbm>> -> memref<10240xi32, #tpu.memory_space<hbm>>
      %dma_wait3A_35 = tpu.memref_slice %arg5[%mul3A_4] : memref<327680xi32, #tpu.memory_space<hbm>> -> memref<10240xi32, #tpu.memory_space<hbm>>
      tpu.wait_dma2 semaphore(%run_scoped3A : memref<!tpu.dma_semaphore, #tpu.memory_space<semaphore_mem>>) src(%dma_wait3A_35 : memref<10240xi32, #tpu.memory_space<hbm>>) dst(%arg7 : memref<10240xi32, #tpu.memory_space<vmem>>)
      tpu.yield
    }) : () -> ()
    %mul3A_5 = arith.constant 640 : i32
    %mul3A_6 = arith.muli %arg1, %mul3A_5 : i32
    %mul3A_7 = arith.constant 640 : i32
    %mul3A_8 = arith.muli %arg1, %mul3A_7 : i32
    "tpu.region"() ({
      %run_scoped3A = tpu.sem_alloc : memref<!tpu.dma_semaphore, #tpu.memory_space<semaphore_mem>>
      %dma_start3A_33 = arith.constant 0 : i32
      %dma_start3A_34 = tpu.memref_slice %arg15[%mul3A_8, %dma_start3A_33] : memref<10240x128xbf16, #tpu.memory_space<vmem_shared>> -> memref<640x128xbf16, #tpu.memory_space<vmem_shared>>
      %dma_start3A_35 = arith.constant 0 : i32
      %dma_start3A_36 = tpu.memref_slice %arg2[%mul3A_6, %dma_start3A_35] : memref<10240x128xbf16, #tpu.memory_space<hbm>> -> memref<640x128xbf16, #tpu.memory_space<hbm>>
      tpu.enqueue_dma source(%dma_start3A_36 : memref<640x128xbf16, #tpu.memory_space<hbm>>) target(%dma_start3A_34 : memref<640x128xbf16, #tpu.memory_space<vmem_shared>>) target_semaphore(%run_scoped3A : memref<!tpu.dma_semaphore, #tpu.memory_space<semaphore_mem>>)
      %dma_wait3A = arith.constant 0 : i32
      %dma_wait3A_37 = tpu.memref_slice %arg15[%mul3A_8, %dma_wait3A] : memref<10240x128xbf16, #tpu.memory_space<vmem_shared>> -> memref<640x128xbf16, #tpu.memory_space<vmem_shared>>
      %dma_wait3A_38 = arith.constant 0 : i32
      %dma_wait3A_39 = tpu.memref_slice %arg2[%mul3A_6, %dma_wait3A_38] : memref<10240x128xbf16, #tpu.memory_space<hbm>> -> memref<640x128xbf16, #tpu.memory_space<hbm>>
      tpu.wait_dma2 semaphore(%run_scoped3A : memref<!tpu.dma_semaphore, #tpu.memory_space<semaphore_mem>>) src(%dma_wait3A_39 : memref<640x128xbf16, #tpu.memory_space<hbm>>) dst(%dma_wait3A_37 : memref<640x128xbf16, #tpu.memory_space<vmem_shared>>)
      tpu.yield
    }) : () -> ()
    %barrier3A = arith.constant 0 : index
    tpu.barrier barrier_id(%barrier3A)
    %dma_start3A = arith.constant 0 : i32
    %dma_start3A_9 = tpu.memref_slice %arg7[%dma_start3A] : memref<10240xi32, #tpu.memory_space<vmem>> -> memref<128xi32, #tpu.memory_space<vmem>>
    %dma_start3A_10 = arith.constant 0 : i32
    %dma_start3A_11 = arith.constant 0 : i32
    %dma_start3A_12 = tpu.memref_slice %arg15[%dma_start3A_10, %dma_start3A_11] : memref<10240x128xbf16, #tpu.memory_space<vmem_shared>> -> memref<10240x128xbf16, #tpu.memory_space<vmem_shared>>
    tpu.enqueue_indirect_dma source(%dma_start3A_12 : memref<10240x128xbf16, #tpu.memory_space<vmem_shared>>) target(%arg12 : memref<128x128xbf16, #tpu.memory_space<vmem>>) offsets(%dma_start3A_9 : memref<128xi32, #tpu.memory_space<vmem>>) semaphore(%arg16 : memref<!tpu.dma_semaphore, #tpu.memory_space<semaphore_mem>>)
    %dma_start3A_13 = arith.constant 128 : i32
    %dma_start3A_14 = tpu.memref_slice %arg7[%dma_start3A_13] : memref<10240xi32, #tpu.memory_space<vmem>> -> memref<128xi32, #tpu.memory_space<vmem>>
    %dma_start3A_15 = arith.constant 0 : i32
    %dma_start3A_16 = arith.constant 0 : i32
    %dma_start3A_17 = tpu.memref_slice %arg15[%dma_start3A_15, %dma_start3A_16] : memref<10240x128xbf16, #tpu.memory_space<vmem_shared>> -> memref<10240x128xbf16, #tpu.memory_space<vmem_shared>>
    tpu.enqueue_indirect_dma source(%dma_start3A_17 : memref<10240x128xbf16, #tpu.memory_space<vmem_shared>>) target(%arg13 : memref<128x128xbf16, #tpu.memory_space<vmem>>) offsets(%dma_start3A_14 : memref<128xi32, #tpu.memory_space<vmem>>) semaphore(%arg17 : memref<!tpu.dma_semaphore, #tpu.memory_space<semaphore_mem>>)
    "tpu.region"() ({
      %run_scoped3A = tpu.sem_alloc : memref<!tpu.dma_semaphore, #tpu.memory_space<semaphore_mem>>
      tpu.enqueue_dma source(%arg4 : memref<10240xf32, #tpu.memory_space<hbm>>) target(%arg8 : memref<10240xf32, #tpu.memory_space<vmem>>) target_semaphore(%run_scoped3A : memref<!tpu.dma_semaphore, #tpu.memory_space<semaphore_mem>>)
      tpu.wait_dma2 semaphore(%run_scoped3A : memref<!tpu.dma_semaphore, #tpu.memory_space<semaphore_mem>>) src(%arg4 : memref<10240xf32, #tpu.memory_space<hbm>>) dst(%arg8 : memref<10240xf32, #tpu.memory_space<vmem>>)
      tpu.yield
    }) : () -> ()
    "tpu.region"() ({
      %run_scoped3A = tpu.sem_alloc : memref<!tpu.dma_semaphore, #tpu.memory_space<semaphore_mem>>
      %dma_start3A_33 = tpu.memref_slice %arg3[%mul3A_2] : memref<10240xf32, #tpu.memory_space<hbm>> -> memref<320xf32, #tpu.memory_space<hbm>>
      %dma_start3A_34 = tpu.memref_slice %arg3[%mul3A_2] : memref<10240xf32, #tpu.memory_space<hbm>> -> memref<320xf32, #tpu.memory_space<hbm>>
      tpu.enqueue_dma source(%dma_start3A_34 : memref<320xf32, #tpu.memory_space<hbm>>) target(%arg9 : memref<320xf32, #tpu.memory_space<vmem>>) target_semaphore(%run_scoped3A : memref<!tpu.dma_semaphore, #tpu.memory_space<semaphore_mem>>)
      %dma_wait3A = tpu.memref_slice %arg3[%mul3A_2] : memref<10240xf32, #tpu.memory_space<hbm>> -> memref<320xf32, #tpu.memory_space<hbm>>
      %dma_wait3A_35 = tpu.memref_slice %arg3[%mul3A_2] : memref<10240xf32, #tpu.memory_space<hbm>> -> memref<320xf32, #tpu.memory_space<hbm>>
      tpu.wait_dma2 semaphore(%run_scoped3A : memref<!tpu.dma_semaphore, #tpu.memory_space<semaphore_mem>>) src(%dma_wait3A_35 : memref<320xf32, #tpu.memory_space<hbm>>) dst(%arg9 : memref<320xf32, #tpu.memory_space<vmem>>)
      tpu.yield
    }) : () -> ()
    %iota3A = tpu.iota {dimensions = array<i32: 0>} : vector<16xi32>
    %scan3A = arith.constant 0 : i32
    %scan3A_18 = arith.constant 20 : i32
    %scan3A_19 = arith.addi %scan3A, %scan3A_18 : i32
    %scan3A_20 = arith.constant 1 : i32
    scf.for %scan3A_33 = %scan3A to %scan3A_19 step %scan3A_20  : i32 {
      %mul3A_34 = arith.constant 16 : i32
      %mul3A_35 = arith.muli %scan3A_33, %mul3A_34 : i32
      %get3A = arith.index_cast %mul3A_35 : i32 to index
      %get3A_36 = tpu.vector_load %arg9[%get3A] {strides = array<i32>} : memref<320xf32, #tpu.memory_space<vmem>>, vector<16xf32>,
      %mul3A_37 = arith.constant 512 : i32
      %mul3A_38 = arith.muli %scan3A_33, %mul3A_37 : i32
      %broadcast_in_dim3A = vector.broadcast %mul3A_38 : i32 to vector<16xi32>
      %broadcast_in_dim3A_39 = arith.constant -3.000000e+38 : f32
      %broadcast_in_dim3A_40 = vector.broadcast %broadcast_in_dim3A_39 : f32 to vector<16xf32>
      %mul3A_41 = arith.constant 32 : i32
      %mul3A_42 = vector.broadcast %mul3A_41 : i32 to vector<16xi32>
      %mul3A_43 = arith.muli %iota3A, %mul3A_42 : vector<16xi32>
      %add3A_44 = arith.constant 0 : i32
      %add3A_45 = vector.broadcast %add3A_44 : i32 to vector<16xi32>
      %add3A_46 = arith.addi %mul3A_43, %add3A_45 : vector<16xi32>
      %add3A_47 = arith.addi %broadcast_in_dim3A, %add3A_46 : vector<16xi32>
      %gather3A = tpu.vector_load_idx %arg7[%add3A_47] : memref<10240xi32, #tpu.memory_space<vmem>>[vector<16xi32>], vector<16xi32>,
      %gather3A_48 = tpu.vector_load_idx %arg8[%gather3A] : memref<10240xf32, #tpu.memory_space<vmem>>[vector<16xi32>], vector<16xf32>,
      %add3A_49 = arith.addf %get3A_36, %gather3A_48 : vector<16xf32>
      %gt3A = arith.constant 0.000000e+00 : f32
      %gt3A_50 = vector.broadcast %gt3A : f32 to vector<16xf32>
      %gt3A_51 = arith.cmpf ogt, %add3A_49, %gt3A_50 : vector<16xf32>
      %mul3A_52 = arith.constant 2.000000e-01 : f32
      %mul3A_53 = vector.broadcast %mul3A_52 : f32 to vector<16xf32>
      %mul3A_54 = arith.mulf %mul3A_53, %add3A_49 : vector<16xf32>
      %select_n3A = arith.select %gt3A_51, %add3A_49, %mul3A_54 : vector<16xi1>, vector<16xf32>
      %max3A = arith.maximumf %broadcast_in_dim3A_40, %select_n3A : vector<16xf32>
      %swap3A = arith.constant 0 : i32
      %swap3A_55 = arith.index_cast %swap3A : i32 to index
      %swap3A_56 = arith.constant 0 : index
      %swap3A_57 = tpu.vector_load %arg11[%swap3A_55, %swap3A_56] {strides = array<i32>} : memref<32x16xf32, #tpu.memory_space<vmem>>, vector<16xf32>,
      tpu.vector_store %arg11[%swap3A_55, %swap3A_56], %select_n3A {strides = array<i32>} : memref<32x16xf32, #tpu.memory_space<vmem>>, vector<16xf32>,
      %mul3A_58 = arith.constant 32 : i32
      %mul3A_59 = vector.broadcast %mul3A_58 : i32 to vector<16xi32>
      %mul3A_60 = arith.muli %iota3A, %mul3A_59 : vector<16xi32>
      %add3A_61 = arith.constant 1 : i32
      %add3A_62 = vector.broadcast %add3A_61 : i32 to vector<16xi32>
      %add3A_63 = arith.addi %mul3A_60, %add3A_62 : vector<16xi32>
      %add3A_64 = arith.addi %broadcast_in_dim3A, %add3A_63 : vector<16xi32>
      %gather3A_65 = tpu.vector_load_idx %arg7[%add3A_64] : memref<10240xi32, #tpu.memory_space<vmem>>[vector<16xi32>], vector<16xi32>,
      %gather3A_66 = tpu.vector_load_idx %arg8[%gather3A_65] : memref<10240xf32, #tpu.memory_space<vmem>>[vector<16xi32>], vector<16xf32>,
      %add3A_67 = arith.addf %get3A_36, %gather3A_66 : vector<16xf32>
      %gt3A_68 = arith.constant 0.000000e+00 : f32
      %gt3A_69 = vector.broadcast %gt3A_68 : f32 to vector<16xf32>
      %gt3A_70 = arith.cmpf ogt, %add3A_67, %gt3A_69 : vector<16xf32>
      %mul3A_71 = arith.constant 2.000000e-01 : f32
      %mul3A_72 = vector.broadcast %mul3A_71 : f32 to vector<16xf32>
      %mul3A_73 = arith.mulf %mul3A_72, %add3A_67 : vector<16xf32>
      %select_n3A_74 = arith.select %gt3A_70, %add3A_67, %mul3A_73 : vector<16xi1>, vector<16xf32>
      %max3A_75 = arith.maximumf %max3A, %select_n3A_74 : vector<16xf32>
      %swap3A_76 = arith.constant 1 : i32
      %swap3A_77 = arith.index_cast %swap3A_76 : i32 to index
      %swap3A_78 = arith.constant 0 : index
      %swap3A_79 = tpu.vector_load %arg11[%swap3A_77, %swap3A_78] {strides = array<i32>} : memref<32x16xf32, #tpu.memory_space<vmem>>, vector<16xf32>,
      tpu.vector_store %arg11[%swap3A_77, %swap3A_78], %select_n3A_74 {strides = array<i32>} : memref<32x16xf32, #tpu.memory_space<vmem>>, vector<16xf32>,
      %mul3A_80 = arith.constant 32 : i32
      %mul3A_81 = vector.broadcast %mul3A_80 : i32 to vector<16xi32>
      %mul3A_82 = arith.muli %iota3A, %mul3A_81 : vector<16xi32>
      %add3A_83 = arith.constant 2 : i32
      %add3A_84 = vector.broadcast %add3A_83 : i32 to vector<16xi32>
      %add3A_85 = arith.addi %mul3A_82, %add3A_84 : vector<16xi32>
      %add3A_86 = arith.addi %broadcast_in_dim3A, %add3A_85 : vector<16xi32>
      %gather3A_87 = tpu.vector_load_idx %arg7[%add3A_86] : memref<10240xi32, #tpu.memory_space<vmem>>[vector<16xi32>], vector<16xi32>,
      %gather3A_88 = tpu.vector_load_idx %arg8[%gather3A_87] : memref<10240xf32, #tpu.memory_space<vmem>>[vector<16xi32>], vector<16xf32>,
      %add3A_89 = arith.addf %get3A_36, %gather3A_88 : vector<16xf32>
      %gt3A_90 = arith.constant 0.000000e+00 : f32
      %gt3A_91 = vector.broadcast %gt3A_90 : f32 to vector<16xf32>
      %gt3A_92 = arith.cmpf ogt, %add3A_89, %gt3A_91 : vector<16xf32>
      %mul3A_93 = arith.constant 2.000000e-01 : f32
      %mul3A_94 = vector.broadcast %mul3A_93 : f32 to vector<16xf32>
      %mul3A_95 = arith.mulf %mul3A_94, %add3A_89 : vector<16xf32>
      %select_n3A_96 = arith.select %gt3A_92, %add3A_89, %mul3A_95 : vector<16xi1>, vector<16xf32>
      %max3A_97 = arith.maximumf %max3A_75, %select_n3A_96 : vector<16xf32>
      %swap3A_98 = arith.constant 2 : i32
      %swap3A_99 = arith.index_cast %swap3A_98 : i32 to index
      %swap3A_100 = arith.constant 0 : index
      %swap3A_101 = tpu.vector_load %arg11[%swap3A_99, %swap3A_100] {strides = array<i32>} : memref<32x16xf32, #tpu.memory_space<vmem>>, vector<16xf32>,
      tpu.vector_store %arg11[%swap3A_99, %swap3A_100], %select_n3A_96 {strides = array<i32>} : memref<32x16xf32, #tpu.memory_space<vmem>>, vector<16xf32>,
      %mul3A_102 = arith.constant 32 : i32
      %mul3A_103 = vector.broadcast %mul3A_102 : i32 to vector<16xi32>
      %mul3A_104 = arith.muli %iota3A, %mul3A_103 : vector<16xi32>
      %add3A_105 = arith.constant 3 : i32
      %add3A_106 = vector.broadcast %add3A_105 : i32 to vector<16xi32>
      %add3A_107 = arith.addi %mul3A_104, %add3A_106 : vector<16xi32>
      %add3A_108 = arith.addi %broadcast_in_dim3A, %add3A_107 : vector<16xi32>
      %gather3A_109 = tpu.vector_load_idx %arg7[%add3A_108] : memref<10240xi32, #tpu.memory_space<vmem>>[vector<16xi32>], vector<16xi32>,
      %gather3A_110 = tpu.vector_load_idx %arg8[%gather3A_109] : memref<10240xf32, #tpu.memory_space<vmem>>[vector<16xi32>], vector<16xf32>,
      %add3A_111 = arith.addf %get3A_36, %gather3A_110 : vector<16xf32>
      %gt3A_112 = arith.constant 0.000000e+00 : f32
      %gt3A_113 = vector.broadcast %gt3A_112 : f32 to vector<16xf32>
      %gt3A_114 = arith.cmpf ogt, %add3A_111, %gt3A_113 : vector<16xf32>
      %mul3A_115 = arith.constant 2.000000e-01 : f32
      %mul3A_116 = vector.broadcast %mul3A_115 : f32 to vector<16xf32>
      %mul3A_117 = arith.mulf %mul3A_116, %add3A_111 : vector<16xf32>
      %select_n3A_118 = arith.select %gt3A_114, %add3A_111, %mul3A_117 : vector<16xi1>, vector<16xf32>
      %max3A_119 = arith.maximumf %max3A_97, %select_n3A_118 : vector<16xf32>
      %swap3A_120 = arith.constant 3 : i32
      %swap3A_121 = arith.index_cast %swap3A_120 : i32 to index
      %swap3A_122 = arith.constant 0 : index
      %swap3A_123 = tpu.vector_load %arg11[%swap3A_121, %swap3A_122] {strides = array<i32>} : memref<32x16xf32, #tpu.memory_space<vmem>>, vector<16xf32>,
      tpu.vector_store %arg11[%swap3A_121, %swap3A_122], %select_n3A_118 {strides = array<i32>} : memref<32x16xf32, #tpu.memory_space<vmem>>, vector<16xf32>,
      %mul3A_124 = arith.constant 32 : i32
      %mul3A_125 = vector.broadcast %mul3A_124 : i32 to vector<16xi32>
      %mul3A_126 = arith.muli %iota3A, %mul3A_125 : vector<16xi32>
      %add3A_127 = arith.constant 4 : i32
      %add3A_128 = vector.broadcast %add3A_127 : i32 to vector<16xi32>
      %add3A_129 = arith.addi %mul3A_126, %add3A_128 : vector<16xi32>
      %add3A_130 = arith.addi %broadcast_in_dim3A, %add3A_129 : vector<16xi32>
      %gather3A_131 = tpu.vector_load_idx %arg7[%add3A_130] : memref<10240xi32, #tpu.memory_space<vmem>>[vector<16xi32>], vector<16xi32>,
      %gather3A_132 = tpu.vector_load_idx %arg8[%gather3A_131] : memref<10240xf32, #tpu.memory_space<vmem>>[vector<16xi32>], vector<16xf32>,
      %add3A_133 = arith.addf %get3A_36, %gather3A_132 : vector<16xf32>
      %gt3A_134 = arith.constant 0.000000e+00 : f32
      %gt3A_135 = vector.broadcast %gt3A_134 : f32 to vector<16xf32>
      %gt3A_136 = arith.cmpf ogt, %add3A_133, %gt3A_135 : vector<16xf32>
      %mul3A_137 = arith.constant 2.000000e-01 : f32
      %mul3A_138 = vector.broadcast %mul3A_137 : f32 to vector<16xf32>
      %mul3A_139 = arith.mulf %mul3A_138, %add3A_133 : vector<16xf32>
      %select_n3A_140 = arith.select %gt3A_136, %add3A_133, %mul3A_139 : vector<16xi1>, vector<16xf32>
      %max3A_141 = arith.maximumf %max3A_119, %select_n3A_140 : vector<16xf32>
      %swap3A_142 = arith.constant 4 : i32
      %swap3A_143 = arith.index_cast %swap3A_142 : i32 to index
      %swap3A_144 = arith.constant 0 : index
      %swap3A_145 = tpu.vector_load %arg11[%swap3A_143, %swap3A_144] {strides = array<i32>} : memref<32x16xf32, #tpu.memory_space<vmem>>, vector<16xf32>,
      tpu.vector_store %arg11[%swap3A_143, %swap3A_144], %select_n3A_140 {strides = array<i32>} : memref<32x16xf32, #tpu.memory_space<vmem>>, vector<16xf32>,
      %mul3A_146 = arith.constant 32 : i32
      %mul3A_147 = vector.broadcast %mul3A_146 : i32 to vector<16xi32>
      %mul3A_148 = arith.muli %iota3A, %mul3A_147 : vector<16xi32>
      %add3A_149 = arith.constant 5 : i32
      %add3A_150 = vector.broadcast %add3A_149 : i32 to vector<16xi32>
      %add3A_151 = arith.addi %mul3A_148, %add3A_150 : vector<16xi32>
      %add3A_152 = arith.addi %broadcast_in_dim3A, %add3A_151 : vector<16xi32>
      %gather3A_153 = tpu.vector_load_idx %arg7[%add3A_152] : memref<10240xi32, #tpu.memory_space<vmem>>[vector<16xi32>], vector<16xi32>,
      %gather3A_154 = tpu.vector_load_idx %arg8[%gather3A_153] : memref<10240xf32, #tpu.memory_space<vmem>>[vector<16xi32>], vector<16xf32>,
      %add3A_155 = arith.addf %get3A_36, %gather3A_154 : vector<16xf32>
      %gt3A_156 = arith.constant 0.000000e+00 : f32
      %gt3A_157 = vector.broadcast %gt3A_156 : f32 to vector<16xf32>
      %gt3A_158 = arith.cmpf ogt, %add3A_155, %gt3A_157 : vector<16xf32>
      %mul3A_159 = arith.constant 2.000000e-01 : f32
      %mul3A_160 = vector.broadcast %mul3A_159 : f32 to vector<16xf32>
      %mul3A_161 = arith.mulf %mul3A_160, %add3A_155 : vector<16xf32>
      %select_n3A_162 = arith.select %gt3A_158, %add3A_155, %mul3A_161 : vector<16xi1>, vector<16xf32>
      %max3A_163 = arith.maximumf %max3A_141, %select_n3A_162 : vector<16xf32>
      %swap3A_164 = arith.constant 5 : i32
      %swap3A_165 = arith.index_cast %swap3A_164 : i32 to index
      %swap3A_166 = arith.constant 0 : index
      %swap3A_167 = tpu.vector_load %arg11[%swap3A_165, %swap3A_166] {strides = array<i32>} : memref<32x16xf32, #tpu.memory_space<vmem>>, vector<16xf32>,
      tpu.vector_store %arg11[%swap3A_165, %swap3A_166], %select_n3A_162 {strides = array<i32>} : memref<32x16xf32, #tpu.memory_space<vmem>>, vector<16xf32>,
      %mul3A_168 = arith.constant 32 : i32
      %mul3A_169 = vector.broadcast %mul3A_168 : i32 to vector<16xi32>
      %mul3A_170 = arith.muli %iota3A, %mul3A_169 : vector<16xi32>
      %add3A_171 = arith.constant 6 : i32
      %add3A_172 = vector.broadcast %add3A_171 : i32 to vector<16xi32>
      %add3A_173 = arith.addi %mul3A_170, %add3A_172 : vector<16xi32>
      %add3A_174 = arith.addi %broadcast_in_dim3A, %add3A_173 : vector<16xi32>
      %gather3A_175 = tpu.vector_load_idx %arg7[%add3A_174] : memref<10240xi32, #tpu.memory_space<vmem>>[vector<16xi32>], vector<16xi32>,
      %gather3A_176 = tpu.vector_load_idx %arg8[%gather3A_175] : memref<10240xf32, #tpu.memory_space<vmem>>[vector<16xi32>], vector<16xf32>,
      %add3A_177 = arith.addf %get3A_36, %gather3A_176 : vector<16xf32>
      %gt3A_178 = arith.constant 0.000000e+00 : f32
      %gt3A_179 = vector.broadcast %gt3A_178 : f32 to vector<16xf32>
      %gt3A_180 = arith.cmpf ogt, %add3A_177, %gt3A_179 : vector<16xf32>
      %mul3A_181 = arith.constant 2.000000e-01 : f32
      %mul3A_182 = vector.broadcast %mul3A_181 : f32 to vector<16xf32>
      %mul3A_183 = arith.mulf %mul3A_182, %add3A_177 : vector<16xf32>
      %select_n3A_184 = arith.select %gt3A_180, %add3A_177, %mul3A_183 : vector<16xi1>, vector<16xf32>
      %max3A_185 = arith.maximumf %max3A_163, %select_n3A_184 : vector<16xf32>
      %swap3A_186 = arith.constant 6 : i32
      %swap3A_187 = arith.index_cast %swap3A_186 : i32 to index
      %swap3A_188 = arith.constant 0 : index
      %swap3A_189 = tpu.vector_load %arg11[%swap3A_187, %swap3A_188] {strides = array<i32>} : memref<32x16xf32, #tpu.memory_space<vmem>>, vector<16xf32>,
      tpu.vector_store %arg11[%swap3A_187, %swap3A_188], %select_n3A_184 {strides = array<i32>} : memref<32x16xf32, #tpu.memory_space<vmem>>, vector<16xf32>,
      %mul3A_190 = arith.constant 32 : i32
      %mul3A_191 = vector.broadcast %mul3A_190 : i32 to vector<16xi32>
      %mul3A_192 = arith.muli %iota3A, %mul3A_191 : vector<16xi32>
      %add3A_193 = arith.constant 7 : i32
      %add3A_194 = vector.broadcast %add3A_193 : i32 to vector<16xi32>
      %add3A_195 = arith.addi %mul3A_192, %add3A_194 : vector<16xi32>
      %add3A_196 = arith.addi %broadcast_in_dim3A, %add3A_195 : vector<16xi32>
      %gather3A_197 = tpu.vector_load_idx %arg7[%add3A_196] : memref<10240xi32, #tpu.memory_space<vmem>>[vector<16xi32>], vector<16xi32>,
      %gather3A_198 = tpu.vector_load_idx %arg8[%gather3A_197] : memref<10240xf32, #tpu.memory_space<vmem>>[vector<16xi32>], vector<16xf32>,
      %add3A_199 = arith.addf %get3A_36, %gather3A_198 : vector<16xf32>
      %gt3A_200 = arith.constant 0.000000e+00 : f32
      %gt3A_201 = vector.broadcast %gt3A_200 : f32 to vector<16xf32>
      %gt3A_202 = arith.cmpf ogt, %add3A_199, %gt3A_201 : vector<16xf32>
      %mul3A_203 = arith.constant 2.000000e-01 : f32
      %mul3A_204 = vector.broadcast %mul3A_203 : f32 to vector<16xf32>
      %mul3A_205 = arith.mulf %mul3A_204, %add3A_199 : vector<16xf32>
      %select_n3A_206 = arith.select %gt3A_202, %add3A_199, %mul3A_205 : vector<16xi1>, vector<16xf32>
      %max3A_207 = arith.maximumf %max3A_185, %select_n3A_206 : vector<16xf32>
      %swap3A_208 = arith.constant 7 : i32
      %swap3A_209 = arith.index_cast %swap3A_208 : i32 to index
      %swap3A_210 = arith.constant 0 : index
      %swap3A_211 = tpu.vector_load %arg11[%swap3A_209, %swap3A_210] {strides = array<i32>} : memref<32x16xf32, #tpu.memory_space<vmem>>, vector<16xf32>,
      tpu.vector_store %arg11[%swap3A_209, %swap3A_210], %select_n3A_206 {strides = array<i32>} : memref<32x16xf32, #tpu.memory_space<vmem>>, vector<16xf32>,
      %mul3A_212 = arith.constant 32 : i32
      %mul3A_213 = vector.broadcast %mul3A_212 : i32 to vector<16xi32>
      %mul3A_214 = arith.muli %iota3A, %mul3A_213 : vector<16xi32>
      %add3A_215 = arith.constant 8 : i32
      %add3A_216 = vector.broadcast %add3A_215 : i32 to vector<16xi32>
      %add3A_217 = arith.addi %mul3A_214, %add3A_216 : vector<16xi32>
      %add3A_218 = arith.addi %broadcast_in_dim3A, %add3A_217 : vector<16xi32>
      %gather3A_219 = tpu.vector_load_idx %arg7[%add3A_218] : memref<10240xi32, #tpu.memory_space<vmem>>[vector<16xi32>], vector<16xi32>,
      %gather3A_220 = tpu.vector_load_idx %arg8[%gather3A_219] : memref<10240xf32, #tpu.memory_space<vmem>>[vector<16xi32>], vector<16xf32>,
      %add3A_221 = arith.addf %get3A_36, %gather3A_220 : vector<16xf32>
      %gt3A_222 = arith.constant 0.000000e+00 : f32
      %gt3A_223 = vector.broadcast %gt3A_222 : f32 to vector<16xf32>
      %gt3A_224 = arith.cmpf ogt, %add3A_221, %gt3A_223 : vector<16xf32>
      %mul3A_225 = arith.constant 2.000000e-01 : f32
      %mul3A_226 = vector.broadcast %mul3A_225 : f32 to vector<16xf32>
      %mul3A_227 = arith.mulf %mul3A_226, %add3A_221 : vector<16xf32>
      %select_n3A_228 = arith.select %gt3A_224, %add3A_221, %mul3A_227 : vector<16xi1>, vector<16xf32>
      %max3A_229 = arith.maximumf %max3A_207, %select_n3A_228 : vector<16xf32>
      %swap3A_230 = arith.constant 8 : i32
      %swap3A_231 = arith.index_cast %swap3A_230 : i32 to index
      %swap3A_232 = arith.constant 0 : index
      %swap3A_233 = tpu.vector_load %arg11[%swap3A_231, %swap3A_232] {strides = array<i32>} : memref<32x16xf32, #tpu.memory_space<vmem>>, vector<16xf32>,
      tpu.vector_store %arg11[%swap3A_231, %swap3A_232], %select_n3A_228 {strides = array<i32>} : memref<32x16xf32, #tpu.memory_space<vmem>>, vector<16xf32>,
      %mul3A_234 = arith.constant 32 : i32
      %mul3A_235 = vector.broadcast %mul3A_234 : i32 to vector<16xi32>
      %mul3A_236 = arith.muli %iota3A, %mul3A_235 : vector<16xi32>
      %add3A_237 = arith.constant 9 : i32
      %add3A_238 = vector.broadcast %add3A_237 : i32 to vector<16xi32>
      %add3A_239 = arith.addi %mul3A_236, %add3A_238 : vector<16xi32>
      %add3A_240 = arith.addi %broadcast_in_dim3A, %add3A_239 : vector<16xi32>
      %gather3A_241 = tpu.vector_load_idx %arg7[%add3A_240] : memref<10240xi32, #tpu.memory_space<vmem>>[vector<16xi32>], vector<16xi32>,
      %gather3A_242 = tpu.vector_load_idx %arg8[%gather3A_241] : memref<10240xf32, #tpu.memory_space<vmem>>[vector<16xi32>], vector<16xf32>,
      %add3A_243 = arith.addf %get3A_36, %gather3A_242 : vector<16xf32>
      %gt3A_244 = arith.constant 0.000000e+00 : f32
      %gt3A_245 = vector.broadcast %gt3A_244 : f32 to vector<16xf32>
      %gt3A_246 = arith.cmpf ogt, %add3A_243, %gt3A_245 : vector<16xf32>
      %mul3A_247 = arith.constant 2.000000e-01 : f32
      %mul3A_248 = vector.broadcast %mul3A_247 : f32 to vector<16xf32>
      %mul3A_249 = arith.mulf %mul3A_248, %add3A_243 : vector<16xf32>
      %select_n3A_250 = arith.select %gt3A_246, %add3A_243, %mul3A_249 : vector<16xi1>, vector<16xf32>
      %max3A_251 = arith.maximumf %max3A_229, %select_n3A_250 : vector<16xf32>
      %swap3A_252 = arith.constant 9 : i32
      %swap3A_253 = arith.index_cast %swap3A_252 : i32 to index
      %swap3A_254 = arith.constant 0 : index
      %swap3A_255 = tpu.vector_load %arg11[%swap3A_253, %swap3A_254] {strides = array<i32>} : memref<32x16xf32, #tpu.memory_space<vmem>>, vector<16xf32>,
      tpu.vector_store %arg11[%swap3A_253, %swap3A_254], %select_n3A_250 {strides = array<i32>} : memref<32x16xf32, #tpu.memory_space<vmem>>, vector<16xf32>,
      %mul3A_256 = arith.constant 32 : i32
      %mul3A_257 = vector.broadcast %mul3A_256 : i32 to vector<16xi32>
      %mul3A_258 = arith.muli %iota3A, %mul3A_257 : vector<16xi32>
      %add3A_259 = arith.constant 10 : i32
      %add3A_260 = vector.broadcast %add3A_259 : i32 to vector<16xi32>
      %add3A_261 = arith.addi %mul3A_258, %add3A_260 : vector<16xi32>
      %add3A_262 = arith.addi %broadcast_in_dim3A, %add3A_261 : vector<16xi32>
      %gather3A_263 = tpu.vector_load_idx %arg7[%add3A_262] : memref<10240xi32, #tpu.memory_space<vmem>>[vector<16xi32>], vector<16xi32>,
      %gather3A_264 = tpu.vector_load_idx %arg8[%gather3A_263] : memref<10240xf32, #tpu.memory_space<vmem>>[vector<16xi32>], vector<16xf32>,
      %add3A_265 = arith.addf %get3A_36, %gather3A_264 : vector<16xf32>
      %gt3A_266 = arith.constant 0.000000e+00 : f32
      %gt3A_267 = vector.broadcast %gt3A_266 : f32 to vector<16xf32>
      %gt3A_268 = arith.cmpf ogt, %add3A_265, %gt3A_267 : vector<16xf32>
      %mul3A_269 = arith.constant 2.000000e-01 : f32
      %mul3A_270 = vector.broadcast %mul3A_269 : f32 to vector<16xf32>
      %mul3A_271 = arith.mulf %mul3A_270, %add3A_265 : vector<16xf32>
      %select_n3A_272 = arith.select %gt3A_268, %add3A_265, %mul3A_271 : vector<16xi1>, vector<16xf32>
      %max3A_273 = arith.maximumf %max3A_251, %select_n3A_272 : vector<16xf32>
      %swap3A_274 = arith.constant 10 : i32
      %swap3A_275 = arith.index_cast %swap3A_274 : i32 to index
      %swap3A_276 = arith.constant 0 : index
      %swap3A_277 = tpu.vector_load %arg11[%swap3A_275, %swap3A_276] {strides = array<i32>} : memref<32x16xf32, #tpu.memory_space<vmem>>, vector<16xf32>,
      tpu.vector_store %arg11[%swap3A_275, %swap3A_276], %select_n3A_272 {strides = array<i32>} : memref<32x16xf32, #tpu.memory_space<vmem>>, vector<16xf32>,
      %mul3A_278 = arith.constant 32 : i32
      %mul3A_279 = vector.broadcast %mul3A_278 : i32 to vector<16xi32>
      %mul3A_280 = arith.muli %iota3A, %mul3A_279 : vector<16xi32>
      %add3A_281 = arith.constant 11 : i32
      %add3A_282 = vector.broadcast %add3A_281 : i32 to vector<16xi32>
      %add3A_283 = arith.addi %mul3A_280, %add3A_282 : vector<16xi32>
      %add3A_284 = arith.addi %broadcast_in_dim3A, %add3A_283 : vector<16xi32>
      %gather3A_285 = tpu.vector_load_idx %arg7[%add3A_284] : memref<10240xi32, #tpu.memory_space<vmem>>[vector<16xi32>], vector<16xi32>,
      %gather3A_286 = tpu.vector_load_idx %arg8[%gather3A_285] : memref<10240xf32, #tpu.memory_space<vmem>>[vector<16xi32>], vector<16xf32>,
      %add3A_287 = arith.addf %get3A_36, %gather3A_286 : vector<16xf32>
      %gt3A_288 = arith.constant 0.000000e+00 : f32
      %gt3A_289 = vector.broadcast %gt3A_288 : f32 to vector<16xf32>
      %gt3A_290 = arith.cmpf ogt, %add3A_287, %gt3A_289 : vector<16xf32>
      %mul3A_291 = arith.constant 2.000000e-01 : f32
      %mul3A_292 = vector.broadcast %mul3A_291 : f32 to vector<16xf32>
      %mul3A_293 = arith.mulf %mul3A_292, %add3A_287 : vector<16xf32>
      %select_n3A_294 = arith.select %gt3A_290, %add3A_287, %mul3A_293 : vector<16xi1>, vector<16xf32>
      %max3A_295 = arith.maximumf %max3A_273, %select_n3A_294 : vector<16xf32>
      %swap3A_296 = arith.constant 11 : i32
      %swap3A_297 = arith.index_cast %swap3A_296 : i32 to index
      %swap3A_298 = arith.constant 0 : index
      %swap3A_299 = tpu.vector_load %arg11[%swap3A_297, %swap3A_298] {strides = array<i32>} : memref<32x16xf32, #tpu.memory_space<vmem>>, vector<16xf32>,
      tpu.vector_store %arg11[%swap3A_297, %swap3A_298], %select_n3A_294 {strides = array<i32>} : memref<32x16xf32, #tpu.memory_space<vmem>>, vector<16xf32>,
      %mul3A_300 = arith.constant 32 : i32
      %mul3A_301 = vector.broadcast %mul3A_300 : i32 to vector<16xi32>
      %mul3A_302 = arith.muli %iota3A, %mul3A_301 : vector<16xi32>
      %add3A_303 = arith.constant 12 : i32
      %add3A_304 = vector.broadcast %add3A_303 : i32 to vector<16xi32>
      %add3A_305 = arith.addi %mul3A_302, %add3A_304 : vector<16xi32>
      %add3A_306 = arith.addi %broadcast_in_dim3A, %add3A_305 : vector<16xi32>
      %gather3A_307 = tpu.vector_load_idx %arg7[%add3A_306] : memref<10240xi32, #tpu.memory_space<vmem>>[vector<16xi32>], vector<16xi32>,
      %gather3A_308 = tpu.vector_load_idx %arg8[%gather3A_307] : memref<10240xf32, #tpu.memory_space<vmem>>[vector<16xi32>], vector<16xf32>,
      %add3A_309 = arith.addf %get3A_36, %gather3A_308 : vector<16xf32>
      %gt3A_310 = arith.constant 0.000000e+00 : f32
      %gt3A_311 = vector.broadcast %gt3A_310 : f32 to vector<16xf32>
      %gt3A_312 = arith.cmpf ogt, %add3A_309, %gt3A_311 : vector<16xf32>
      %mul3A_313 = arith.constant 2.000000e-01 : f32
      %mul3A_314 = vector.broadcast %mul3A_313 : f32 to vector<16xf32>
      %mul3A_315 = arith.mulf %mul3A_314, %add3A_309 : vector<16xf32>
      %select_n3A_316 = arith.select %gt3A_312, %add3A_309, %mul3A_315 : vector<16xi1>, vector<16xf32>
      %max3A_317 = arith.maximumf %max3A_295, %select_n3A_316 : vector<16xf32>
      %swap3A_318 = arith.constant 12 : i32
      %swap3A_319 = arith.index_cast %swap3A_318 : i32 to index
      %swap3A_320 = arith.constant 0 : index
      %swap3A_321 = tpu.vector_load %arg11[%swap3A_319, %swap3A_320] {strides = array<i32>} : memref<32x16xf32, #tpu.memory_space<vmem>>, vector<16xf32>,
      tpu.vector_store %arg11[%swap3A_319, %swap3A_320], %select_n3A_316 {strides = array<i32>} : memref<32x16xf32, #tpu.memory_space<vmem>>, vector<16xf32>,
      %mul3A_322 = arith.constant 32 : i32
      %mul3A_323 = vector.broadcast %mul3A_322 : i32 to vector<16xi32>
      %mul3A_324 = arith.muli %iota3A, %mul3A_323 : vector<16xi32>
      %add3A_325 = arith.constant 13 : i32
      %add3A_326 = vector.broadcast %add3A_325 : i32 to vector<16xi32>
      %add3A_327 = arith.addi %mul3A_324, %add3A_326 : vector<16xi32>
      %add3A_328 = arith.addi %broadcast_in_dim3A, %add3A_327 : vector<16xi32>
      %gather3A_329 = tpu.vector_load_idx %arg7[%add3A_328] : memref<10240xi32, #tpu.memory_space<vmem>>[vector<16xi32>], vector<16xi32>,
      %gather3A_330 = tpu.vector_load_idx %arg8[%gather3A_329] : memref<10240xf32, #tpu.memory_space<vmem>>[vector<16xi32>], vector<16xf32>,
      %add3A_331 = arith.addf %get3A_36, %gather3A_330 : vector<16xf32>
      %gt3A_332 = arith.constant 0.000000e+00 : f32
      %gt3A_333 = vector.broadcast %gt3A_332 : f32 to vector<16xf32>
      %gt3A_334 = arith.cmpf ogt, %add3A_331, %gt3A_333 : vector<16xf32>
      %mul3A_335 = arith.constant 2.000000e-01 : f32
      %mul3A_336 = vector.broadcast %mul3A_335 : f32 to vector<16xf32>
      %mul3A_337 = arith.mulf %mul3A_336, %add3A_331 : vector<16xf32>
      %select_n3A_338 = arith.select %gt3A_334, %add3A_331, %mul3A_337 : vector<16xi1>, vector<16xf32>
      %max3A_339 = arith.maximumf %max3A_317, %select_n3A_338 : vector<16xf32>
      %swap3A_340 = arith.constant 13 : i32
      %swap3A_341 = arith.index_cast %swap3A_340 : i32 to index
      %swap3A_342 = arith.constant 0 : index
      %swap3A_343 = tpu.vector_load %arg11[%swap3A_341, %swap3A_342] {strides = array<i32>} : memref<32x16xf32, #tpu.memory_space<vmem>>, vector<16xf32>,
      tpu.vector_store %arg11[%swap3A_341, %swap3A_342], %select_n3A_338 {strides = array<i32>} : memref<32x16xf32, #tpu.memory_space<vmem>>, vector<16xf32>,
      %mul3A_344 = arith.constant 32 : i32
      %mul3A_345 = vector.broadcast %mul3A_344 : i32 to vector<16xi32>
      %mul3A_346 = arith.muli %iota3A, %mul3A_345 : vector<16xi32>
      %add3A_347 = arith.constant 14 : i32
      %add3A_348 = vector.broadcast %add3A_347 : i32 to vector<16xi32>
      %add3A_349 = arith.addi %mul3A_346, %add3A_348 : vector<16xi32>
      %add3A_350 = arith.addi %broadcast_in_dim3A, %add3A_349 : vector<16xi32>
      %gather3A_351 = tpu.vector_load_idx %arg7[%add3A_350] : memref<10240xi32, #tpu.memory_space<vmem>>[vector<16xi32>], vector<16xi32>,
      %gather3A_352 = tpu.vector_load_idx %arg8[%gather3A_351] : memref<10240xf32, #tpu.memory_space<vmem>>[vector<16xi32>], vector<16xf32>,
      %add3A_353 = arith.addf %get3A_36, %gather3A_352 : vector<16xf32>
      %gt3A_354 = arith.constant 0.000000e+00 : f32
      %gt3A_355 = vector.broadcast %gt3A_354 : f32 to vector<16xf32>
      %gt3A_356 = arith.cmpf ogt, %add3A_353, %gt3A_355 : vector<16xf32>
      %mul3A_357 = arith.constant 2.000000e-01 : f32
      %mul3A_358 = vector.broadcast %mul3A_357 : f32 to vector<16xf32>
      %mul3A_359 = arith.mulf %mul3A_358, %add3A_353 : vector<16xf32>
      %select_n3A_360 = arith.select %gt3A_356, %add3A_353, %mul3A_359 : vector<16xi1>, vector<16xf32>
      %max3A_361 = arith.maximumf %max3A_339, %select_n3A_360 : vector<16xf32>
      %swap3A_362 = arith.constant 14 : i32
      %swap3A_363 = arith.index_cast %swap3A_362 : i32 to index
      %swap3A_364 = arith.constant 0 : index
      %swap3A_365 = tpu.vector_load %arg11[%swap3A_363, %swap3A_364] {strides = array<i32>} : memref<32x16xf32, #tpu.memory_space<vmem>>, vector<16xf32>,
      tpu.vector_store %arg11[%swap3A_363, %swap3A_364], %select_n3A_360 {strides = array<i32>} : memref<32x16xf32, #tpu.memory_space<vmem>>, vector<16xf32>,
      %mul3A_366 = arith.constant 32 : i32
      %mul3A_367 = vector.broadcast %mul3A_366 : i32 to vector<16xi32>
      %mul3A_368 = arith.muli %iota3A, %mul3A_367 : vector<16xi32>
      %add3A_369 = arith.constant 15 : i32
      %add3A_370 = vector.broadcast %add3A_369 : i32 to vector<16xi32>
      %add3A_371 = arith.addi %mul3A_368, %add3A_370 : vector<16xi32>
      %add3A_372 = arith.addi %broadcast_in_dim3A, %add3A_371 : vector<16xi32>
      %gather3A_373 = tpu.vector_load_idx %arg7[%add3A_372] : memref<10240xi32, #tpu.memory_space<vmem>>[vector<16xi32>], vector<16xi32>,
      %gather3A_374 = tpu.vector_load_idx %arg8[%gather3A_373] : memref<10240xf32, #tpu.memory_space<vmem>>[vector<16xi32>], vector<16xf32>,
      %add3A_375 = arith.addf %get3A_36, %gather3A_374 : vector<16xf32>
      %gt3A_376 = arith.constant 0.000000e+00 : f32
      %gt3A_377 = vector.broadcast %gt3A_376 : f32 to vector<16xf32>
      %gt3A_378 = arith.cmpf ogt, %add3A_375, %gt3A_377 : vector<16xf32>
      %mul3A_379 = arith.constant 2.000000e-01 : f32
      %mul3A_380 = vector.broadcast %mul3A_379 : f32 to vector<16xf32>
      %mul3A_381 = arith.mulf %mul3A_380, %add3A_375 : vector<16xf32>
      %select_n3A_382 = arith.select %gt3A_378, %add3A_375, %mul3A_381 : vector<16xi1>, vector<16xf32>
      %max3A_383 = arith.maximumf %max3A_361, %select_n3A_382 : vector<16xf32>
      %swap3A_384 = arith.constant 15 : i32
      %swap3A_385 = arith.index_cast %swap3A_384 : i32 to index
      %swap3A_386 = arith.constant 0 : index
      %swap3A_387 = tpu.vector_load %arg11[%swap3A_385, %swap3A_386] {strides = array<i32>} : memref<32x16xf32, #tpu.memory_space<vmem>>, vector<16xf32>,
      tpu.vector_store %arg11[%swap3A_385, %swap3A_386], %select_n3A_382 {strides = array<i32>} : memref<32x16xf32, #tpu.memory_space<vmem>>, vector<16xf32>,
      %mul3A_388 = arith.constant 32 : i32
      %mul3A_389 = vector.broadcast %mul3A_388 : i32 to vector<16xi32>
      %mul3A_390 = arith.muli %iota3A, %mul3A_389 : vector<16xi32>
      %add3A_391 = arith.constant 16 : i32
      %add3A_392 = vector.broadcast %add3A_391 : i32 to vector<16xi32>
      %add3A_393 = arith.addi %mul3A_390, %add3A_392 : vector<16xi32>
      %add3A_394 = arith.addi %broadcast_in_dim3A, %add3A_393 : vector<16xi32>
      %gather3A_395 = tpu.vector_load_idx %arg7[%add3A_394] : memref<10240xi32, #tpu.memory_space<vmem>>[vector<16xi32>], vector<16xi32>,
      %gather3A_396 = tpu.vector_load_idx %arg8[%gather3A_395] : memref<10240xf32, #tpu.memory_space<vmem>>[vector<16xi32>], vector<16xf32>,
      %add3A_397 = arith.addf %get3A_36, %gather3A_396 : vector<16xf32>
      %gt3A_398 = arith.constant 0.000000e+00 : f32
      %gt3A_399 = vector.broadcast %gt3A_398 : f32 to vector<16xf32>
      %gt3A_400 = arith.cmpf ogt, %add3A_397, %gt3A_399 : vector<16xf32>
      %mul3A_401 = arith.constant 2.000000e-01 : f32
      %mul3A_402 = vector.broadcast %mul3A_401 : f32 to vector<16xf32>
      %mul3A_403 = arith.mulf %mul3A_402, %add3A_397 : vector<16xf32>
      %select_n3A_404 = arith.select %gt3A_400, %add3A_397, %mul3A_403 : vector<16xi1>, vector<16xf32>
      %max3A_405 = arith.maximumf %max3A_383, %select_n3A_404 : vector<16xf32>
      %swap3A_406 = arith.constant 16 : i32
      %swap3A_407 = arith.index_cast %swap3A_406 : i32 to index
      %swap3A_408 = arith.constant 0 : index
      %swap3A_409 = tpu.vector_load %arg11[%swap3A_407, %swap3A_408] {strides = array<i32>} : memref<32x16xf32, #tpu.memory_space<vmem>>, vector<16xf32>,
      tpu.vector_store %arg11[%swap3A_407, %swap3A_408], %select_n3A_404 {strides = array<i32>} : memref<32x16xf32, #tpu.memory_space<vmem>>, vector<16xf32>,
      %mul3A_410 = arith.constant 32 : i32
      %mul3A_411 = vector.broadcast %mul3A_410 : i32 to vector<16xi32>
      %mul3A_412 = arith.muli %iota3A, %mul3A_411 : vector<16xi32>
      %add3A_413 = arith.constant 17 : i32
      %add3A_414 = vector.broadcast %add3A_413 : i32 to vector<16xi32>
      %add3A_415 = arith.addi %mul3A_412, %add3A_414 : vector<16xi32>
      %add3A_416 = arith.addi %broadcast_in_dim3A, %add3A_415 : vector<16xi32>
      %gather3A_417 = tpu.vector_load_idx %arg7[%add3A_416] : memref<10240xi32, #tpu.memory_space<vmem>>[vector<16xi32>], vector<16xi32>,
      %gather3A_418 = tpu.vector_load_idx %arg8[%gather3A_417] : memref<10240xf32, #tpu.memory_space<vmem>>[vector<16xi32>], vector<16xf32>,
      %add3A_419 = arith.addf %get3A_36, %gather3A_418 : vector<16xf32>
      %gt3A_420 = arith.constant 0.000000e+00 : f32
      %gt3A_421 = vector.broadcast %gt3A_420 : f32 to vector<16xf32>
      %gt3A_422 = arith.cmpf ogt, %add3A_419, %gt3A_421 : vector<16xf32>
      %mul3A_423 = arith.constant 2.000000e-01 : f32
      %mul3A_424 = vector.broadcast %mul3A_423 : f32 to vector<16xf32>
      %mul3A_425 = arith.mulf %mul3A_424, %add3A_419 : vector<16xf32>
      %select_n3A_426 = arith.select %gt3A_422, %add3A_419, %mul3A_425 : vector<16xi1>, vector<16xf32>
      %max3A_427 = arith.maximumf %max3A_405, %select_n3A_426 : vector<16xf32>
      %swap3A_428 = arith.constant 17 : i32
      %swap3A_429 = arith.index_cast %swap3A_428 : i32 to index
      %swap3A_430 = arith.constant 0 : index
      %swap3A_431 = tpu.vector_load %arg11[%swap3A_429, %swap3A_430] {strides = array<i32>} : memref<32x16xf32, #tpu.memory_space<vmem>>, vector<16xf32>,
      tpu.vector_store %arg11[%swap3A_429, %swap3A_430], %select_n3A_426 {strides = array<i32>} : memref<32x16xf32, #tpu.memory_space<vmem>>, vector<16xf32>,
      %mul3A_432 = arith.constant 32 : i32
      %mul3A_433 = vector.broadcast %mul3A_432 : i32 to vector<16xi32>
      %mul3A_434 = arith.muli %iota3A, %mul3A_433 : vector<16xi32>
      %add3A_435 = arith.constant 18 : i32
      %add3A_436 = vector.broadcast %add3A_435 : i32 to vector<16xi32>
      %add3A_437 = arith.addi %mul3A_434, %add3A_436 : vector<16xi32>
      %add3A_438 = arith.addi %broadcast_in_dim3A, %add3A_437 : vector<16xi32>
      %gather3A_439 = tpu.vector_load_idx %arg7[%add3A_438] : memref<10240xi32, #tpu.memory_space<vmem>>[vector<16xi32>], vector<16xi32>,
      %gather3A_440 = tpu.vector_load_idx %arg8[%gather3A_439] : memref<10240xf32, #tpu.memory_space<vmem>>[vector<16xi32>], vector<16xf32>,
      %add3A_441 = arith.addf %get3A_36, %gather3A_440 : vector<16xf32>
      %gt3A_442 = arith.constant 0.000000e+00 : f32
      %gt3A_443 = vector.broadcast %gt3A_442 : f32 to vector<16xf32>
      %gt3A_444 = arith.cmpf ogt, %add3A_441, %gt3A_443 : vector<16xf32>
      %mul3A_445 = arith.constant 2.000000e-01 : f32
      %mul3A_446 = vector.broadcast %mul3A_445 : f32 to vector<16xf32>
      %mul3A_447 = arith.mulf %mul3A_446, %add3A_441 : vector<16xf32>
      %select_n3A_448 = arith.select %gt3A_444, %add3A_441, %mul3A_447 : vector<16xi1>, vector<16xf32>
      %max3A_449 = arith.maximumf %max3A_427, %select_n3A_448 : vector<16xf32>
      %swap3A_450 = arith.constant 18 : i32
      %swap3A_451 = arith.index_cast %swap3A_450 : i32 to index
      %swap3A_452 = arith.constant 0 : index
      %swap3A_453 = tpu.vector_load %arg11[%swap3A_451, %swap3A_452] {strides = array<i32>} : memref<32x16xf32, #tpu.memory_space<vmem>>, vector<16xf32>,
      tpu.vector_store %arg11[%swap3A_451, %swap3A_452], %select_n3A_448 {strides = array<i32>} : memref<32x16xf32, #tpu.memory_space<vmem>>, vector<16xf32>,
      %mul3A_454 = arith.constant 32 : i32
      %mul3A_455 = vector.broadcast %mul3A_454 : i32 to vector<16xi32>
      %mul3A_456 = arith.muli %iota3A, %mul3A_455 : vector<16xi32>
      %add3A_457 = arith.constant 19 : i32
      %add3A_458 = vector.broadcast %add3A_457 : i32 to vector<16xi32>
      %add3A_459 = arith.addi %mul3A_456, %add3A_458 : vector<16xi32>
      %add3A_460 = arith.addi %broadcast_in_dim3A, %add3A_459 : vector<16xi32>
      %gather3A_461 = tpu.vector_load_idx %arg7[%add3A_460] : memref<10240xi32, #tpu.memory_space<vmem>>[vector<16xi32>], vector<16xi32>,
      %gather3A_462 = tpu.vector_load_idx %arg8[%gather3A_461] : memref<10240xf32, #tpu.memory_space<vmem>>[vector<16xi32>], vector<16xf32>,
      %add3A_463 = arith.addf %get3A_36, %gather3A_462 : vector<16xf32>
      %gt3A_464 = arith.constant 0.000000e+00 : f32
      %gt3A_465 = vector.broadcast %gt3A_464 : f32 to vector<16xf32>
      %gt3A_466 = arith.cmpf ogt, %add3A_463, %gt3A_465 : vector<16xf32>
      %mul3A_467 = arith.constant 2.000000e-01 : f32
      %mul3A_468 = vector.broadcast %mul3A_467 : f32 to vector<16xf32>
      %mul3A_469 = arith.mulf %mul3A_468, %add3A_463 : vector<16xf32>
      %select_n3A_470 = arith.select %gt3A_466, %add3A_463, %mul3A_469 : vector<16xi1>, vector<16xf32>
      %max3A_471 = arith.maximumf %max3A_449, %select_n3A_470 : vector<16xf32>
      %swap3A_472 = arith.constant 19 : i32
      %swap3A_473 = arith.index_cast %swap3A_472 : i32 to index
      %swap3A_474 = arith.constant 0 : index
      %swap3A_475 = tpu.vector_load %arg11[%swap3A_473, %swap3A_474] {strides = array<i32>} : memref<32x16xf32, #tpu.memory_space<vmem>>, vector<16xf32>,
      tpu.vector_store %arg11[%swap3A_473, %swap3A_474], %select_n3A_470 {strides = array<i32>} : memref<32x16xf32, #tpu.memory_space<vmem>>, vector<16xf32>,
      %mul3A_476 = arith.constant 32 : i32
      %mul3A_477 = vector.broadcast %mul3A_476 : i32 to vector<16xi32>
      %mul3A_478 = arith.muli %iota3A, %mul3A_477 : vector<16xi32>
      %add3A_479 = arith.constant 20 : i32
      %add3A_480 = vector.broadcast %add3A_479 : i32 to vector<16xi32>
      %add3A_481 = arith.addi %mul3A_478, %add3A_480 : vector<16xi32>
      %add3A_482 = arith.addi %broadcast_in_dim3A, %add3A_481 : vector<16xi32>
      %gather3A_483 = tpu.vector_load_idx %arg7[%add3A_482] : memref<10240xi32, #tpu.memory_space<vmem>>[vector<16xi32>], vector<16xi32>,
      %gather3A_484 = tpu.vector_load_idx %arg8[%gather3A_483] : memref<10240xf32, #tpu.memory_space<vmem>>[vector<16xi32>], vector<16xf32>,
      %add3A_485 = arith.addf %get3A_36, %gather3A_484 : vector<16xf32>
      %gt3A_486 = arith.constant 0.000000e+00 : f32
      %gt3A_487 = vector.broadcast %gt3A_486 : f32 to vector<16xf32>
      %gt3A_488 = arith.cmpf ogt, %add3A_485, %gt3A_487 : vector<16xf32>
      %mul3A_489 = arith.constant 2.000000e-01 : f32
      %mul3A_490 = vector.broadcast %mul3A_489 : f32 to vector<16xf32>
      %mul3A_491 = arith.mulf %mul3A_490, %add3A_485 : vector<16xf32>
      %select_n3A_492 = arith.select %gt3A_488, %add3A_485, %mul3A_491 : vector<16xi1>, vector<16xf32>
      %max3A_493 = arith.maximumf %max3A_471, %select_n3A_492 : vector<16xf32>
      %swap3A_494 = arith.constant 20 : i32
      %swap3A_495 = arith.index_cast %swap3A_494 : i32 to index
      %swap3A_496 = arith.constant 0 : index
      %swap3A_497 = tpu.vector_load %arg11[%swap3A_495, %swap3A_496] {strides = array<i32>} : memref<32x16xf32, #tpu.memory_space<vmem>>, vector<16xf32>,
      tpu.vector_store %arg11[%swap3A_495, %swap3A_496], %select_n3A_492 {strides = array<i32>} : memref<32x16xf32, #tpu.memory_space<vmem>>, vector<16xf32>,
      %mul3A_498 = arith.constant 32 : i32
      %mul3A_499 = vector.broadcast %mul3A_498 : i32 to vector<16xi32>
      %mul3A_500 = arith.muli %iota3A, %mul3A_499 : vector<16xi32>
      %add3A_501 = arith.constant 21 : i32
      %add3A_502 = vector.broadcast %add3A_501 : i32 to vector<16xi32>
      %add3A_503 = arith.addi %mul3A_500, %add3A_502 : vector<16xi32>
      %add3A_504 = arith.addi %broadcast_in_dim3A, %add3A_503 : vector<16xi32>
      %gather3A_505 = tpu.vector_load_idx %arg7[%add3A_504] : memref<10240xi32, #tpu.memory_space<vmem>>[vector<16xi32>], vector<16xi32>,
      %gather3A_506 = tpu.vector_load_idx %arg8[%gather3A_505] : memref<10240xf32, #tpu.memory_space<vmem>>[vector<16xi32>], vector<16xf32>,
      %add3A_507 = arith.addf %get3A_36, %gather3A_506 : vector<16xf32>
      %gt3A_508 = arith.constant 0.000000e+00 : f32
      %gt3A_509 = vector.broadcast %gt3A_508 : f32 to vector<16xf32>
      %gt3A_510 = arith.cmpf ogt, %add3A_507, %gt3A_509 : vector<16xf32>
      %mul3A_511 = arith.constant 2.000000e-01 : f32
      %mul3A_512 = vector.broadcast %mul3A_511 : f32 to vector<16xf32>
      %mul3A_513 = arith.mulf %mul3A_512, %add3A_507 : vector<16xf32>
      %select_n3A_514 = arith.select %gt3A_510, %add3A_507, %mul3A_513 : vector<16xi1>, vector<16xf32>
      %max3A_515 = arith.maximumf %max3A_493, %select_n3A_514 : vector<16xf32>
      %swap3A_516 = arith.constant 21 : i32
      %swap3A_517 = arith.index_cast %swap3A_516 : i32 to index
      %swap3A_518 = arith.constant 0 : index
      %swap3A_519 = tpu.vector_load %arg11[%swap3A_517, %swap3A_518] {strides = array<i32>} : memref<32x16xf32, #tpu.memory_space<vmem>>, vector<16xf32>,
      tpu.vector_store %arg11[%swap3A_517, %swap3A_518], %select_n3A_514 {strides = array<i32>} : memref<32x16xf32, #tpu.memory_space<vmem>>, vector<16xf32>,
      %mul3A_520 = arith.constant 32 : i32
      %mul3A_521 = vector.broadcast %mul3A_520 : i32 to vector<16xi32>
      %mul3A_522 = arith.muli %iota3A, %mul3A_521 : vector<16xi32>
      %add3A_523 = arith.constant 22 : i32
      %add3A_524 = vector.broadcast %add3A_523 : i32 to vector<16xi32>
      %add3A_525 = arith.addi %mul3A_522, %add3A_524 : vector<16xi32>
      %add3A_526 = arith.addi %broadcast_in_dim3A, %add3A_525 : vector<16xi32>
      %gather3A_527 = tpu.vector_load_idx %arg7[%add3A_526] : memref<10240xi32, #tpu.memory_space<vmem>>[vector<16xi32>], vector<16xi32>,
      %gather3A_528 = tpu.vector_load_idx %arg8[%gather3A_527] : memref<10240xf32, #tpu.memory_space<vmem>>[vector<16xi32>], vector<16xf32>,
      %add3A_529 = arith.addf %get3A_36, %gather3A_528 : vector<16xf32>
      %gt3A_530 = arith.constant 0.000000e+00 : f32
      %gt3A_531 = vector.broadcast %gt3A_530 : f32 to vector<16xf32>
      %gt3A_532 = arith.cmpf ogt, %add3A_529, %gt3A_531 : vector<16xf32>
      %mul3A_533 = arith.constant 2.000000e-01 : f32
      %mul3A_534 = vector.broadcast %mul3A_533 : f32 to vector<16xf32>
      %mul3A_535 = arith.mulf %mul3A_534, %add3A_529 : vector<16xf32>
      %select_n3A_536 = arith.select %gt3A_532, %add3A_529, %mul3A_535 : vector<16xi1>, vector<16xf32>
      %max3A_537 = arith.maximumf %max3A_515, %select_n3A_536 : vector<16xf32>
      %swap3A_538 = arith.constant 22 : i32
      %swap3A_539 = arith.index_cast %swap3A_538 : i32 to index
      %swap3A_540 = arith.constant 0 : index
      %swap3A_541 = tpu.vector_load %arg11[%swap3A_539, %swap3A_540] {strides = array<i32>} : memref<32x16xf32, #tpu.memory_space<vmem>>, vector<16xf32>,
      tpu.vector_store %arg11[%swap3A_539, %swap3A_540], %select_n3A_536 {strides = array<i32>} : memref<32x16xf32, #tpu.memory_space<vmem>>, vector<16xf32>,
      %mul3A_542 = arith.constant 32 : i32
      %mul3A_543 = vector.broadcast %mul3A_542 : i32 to vector<16xi32>
      %mul3A_544 = arith.muli %iota3A, %mul3A_543 : vector<16xi32>
      %add3A_545 = arith.constant 23 : i32
      %add3A_546 = vector.broadcast %add3A_545 : i32 to vector<16xi32>
      %add3A_547 = arith.addi %mul3A_544, %add3A_546 : vector<16xi32>
      %add3A_548 = arith.addi %broadcast_in_dim3A, %add3A_547 : vector<16xi32>
      %gather3A_549 = tpu.vector_load_idx %arg7[%add3A_548] : memref<10240xi32, #tpu.memory_space<vmem>>[vector<16xi32>], vector<16xi32>,
      %gather3A_550 = tpu.vector_load_idx %arg8[%gather3A_549] : memref<10240xf32, #tpu.memory_space<vmem>>[vector<16xi32>], vector<16xf32>,
      %add3A_551 = arith.addf %get3A_36, %gather3A_550 : vector<16xf32>
      %gt3A_552 = arith.constant 0.000000e+00 : f32
      %gt3A_553 = vector.broadcast %gt3A_552 : f32 to vector<16xf32>
      %gt3A_554 = arith.cmpf ogt, %add3A_551, %gt3A_553 : vector<16xf32>
      %mul3A_555 = arith.constant 2.000000e-01 : f32
      %mul3A_556 = vector.broadcast %mul3A_555 : f32 to vector<16xf32>
      %mul3A_557 = arith.mulf %mul3A_556, %add3A_551 : vector<16xf32>
      %select_n3A_558 = arith.select %gt3A_554, %add3A_551, %mul3A_557 : vector<16xi1>, vector<16xf32>
      %max3A_559 = arith.maximumf %max3A_537, %select_n3A_558 : vector<16xf32>
      %swap3A_560 = arith.constant 23 : i32
      %swap3A_561 = arith.index_cast %swap3A_560 : i32 to index
      %swap3A_562 = arith.constant 0 : index
      %swap3A_563 = tpu.vector_load %arg11[%swap3A_561, %swap3A_562] {strides = array<i32>} : memref<32x16xf32, #tpu.memory_space<vmem>>, vector<16xf32>,
      tpu.vector_store %arg11[%swap3A_561, %swap3A_562], %select_n3A_558 {strides = array<i32>} : memref<32x16xf32, #tpu.memory_space<vmem>>, vector<16xf32>,
      %mul3A_564 = arith.constant 32 : i32
      %mul3A_565 = vector.broadcast %mul3A_564 : i32 to vector<16xi32>
      %mul3A_566 = arith.muli %iota3A, %mul3A_565 : vector<16xi32>
      %add3A_567 = arith.constant 24 : i32
      %add3A_568 = vector.broadcast %add3A_567 : i32 to vector<16xi32>
      %add3A_569 = arith.addi %mul3A_566, %add3A_568 : vector<16xi32>
      %add3A_570 = arith.addi %broadcast_in_dim3A, %add3A_569 : vector<16xi32>
      %gather3A_571 = tpu.vector_load_idx %arg7[%add3A_570] : memref<10240xi32, #tpu.memory_space<vmem>>[vector<16xi32>], vector<16xi32>,
      %gather3A_572 = tpu.vector_load_idx %arg8[%gather3A_571] : memref<10240xf32, #tpu.memory_space<vmem>>[vector<16xi32>], vector<16xf32>,
      %add3A_573 = arith.addf %get3A_36, %gather3A_572 : vector<16xf32>
      %gt3A_574 = arith.constant 0.000000e+00 : f32
      %gt3A_575 = vector.broadcast %gt3A_574 : f32 to vector<16xf32>
      %gt3A_576 = arith.cmpf ogt, %add3A_573, %gt3A_575 : vector<16xf32>
      %mul3A_577 = arith.constant 2.000000e-01 : f32
      %mul3A_578 = vector.broadcast %mul3A_577 : f32 to vector<16xf32>
      %mul3A_579 = arith.mulf %mul3A_578, %add3A_573 : vector<16xf32>
      %select_n3A_580 = arith.select %gt3A_576, %add3A_573, %mul3A_579 : vector<16xi1>, vector<16xf32>
      %max3A_581 = arith.maximumf %max3A_559, %select_n3A_580 : vector<16xf32>
      %swap3A_582 = arith.constant 24 : i32
      %swap3A_583 = arith.index_cast %swap3A_582 : i32 to index
      %swap3A_584 = arith.constant 0 : index
      %swap3A_585 = tpu.vector_load %arg11[%swap3A_583, %swap3A_584] {strides = array<i32>} : memref<32x16xf32, #tpu.memory_space<vmem>>, vector<16xf32>,
      tpu.vector_store %arg11[%swap3A_583, %swap3A_584], %select_n3A_580 {strides = array<i32>} : memref<32x16xf32, #tpu.memory_space<vmem>>, vector<16xf32>,
      %mul3A_586 = arith.constant 32 : i32
      %mul3A_587 = vector.broadcast %mul3A_586 : i32 to vector<16xi32>
      %mul3A_588 = arith.muli %iota3A, %mul3A_587 : vector<16xi32>
      %add3A_589 = arith.constant 25 : i32
      %add3A_590 = vector.broadcast %add3A_589 : i32 to vector<16xi32>
      %add3A_591 = arith.addi %mul3A_588, %add3A_590 : vector<16xi32>
      %add3A_592 = arith.addi %broadcast_in_dim3A, %add3A_591 : vector<16xi32>
      %gather3A_593 = tpu.vector_load_idx %arg7[%add3A_592] : memref<10240xi32, #tpu.memory_space<vmem>>[vector<16xi32>], vector<16xi32>,
      %gather3A_594 = tpu.vector_load_idx %arg8[%gather3A_593] : memref<10240xf32, #tpu.memory_space<vmem>>[vector<16xi32>], vector<16xf32>,
      %add3A_595 = arith.addf %get3A_36, %gather3A_594 : vector<16xf32>
      %gt3A_596 = arith.constant 0.000000e+00 : f32
      %gt3A_597 = vector.broadcast %gt3A_596 : f32 to vector<16xf32>
      %gt3A_598 = arith.cmpf ogt, %add3A_595, %gt3A_597 : vector<16xf32>
      %mul3A_599 = arith.constant 2.000000e-01 : f32
      %mul3A_600 = vector.broadcast %mul3A_599 : f32 to vector<16xf32>
      %mul3A_601 = arith.mulf %mul3A_600, %add3A_595 : vector<16xf32>
      %select_n3A_602 = arith.select %gt3A_598, %add3A_595, %mul3A_601 : vector<16xi1>, vector<16xf32>
      %max3A_603 = arith.maximumf %max3A_581, %select_n3A_602 : vector<16xf32>
      %swap3A_604 = arith.constant 25 : i32
      %swap3A_605 = arith.index_cast %swap3A_604 : i32 to index
      %swap3A_606 = arith.constant 0 : index
      %swap3A_607 = tpu.vector_load %arg11[%swap3A_605, %swap3A_606] {strides = array<i32>} : memref<32x16xf32, #tpu.memory_space<vmem>>, vector<16xf32>,
      tpu.vector_store %arg11[%swap3A_605, %swap3A_606], %select_n3A_602 {strides = array<i32>} : memref<32x16xf32, #tpu.memory_space<vmem>>, vector<16xf32>,
      %mul3A_608 = arith.constant 32 : i32
      %mul3A_609 = vector.broadcast %mul3A_608 : i32 to vector<16xi32>
      %mul3A_610 = arith.muli %iota3A, %mul3A_609 : vector<16xi32>
      %add3A_611 = arith.constant 26 : i32
      %add3A_612 = vector.broadcast %add3A_611 : i32 to vector<16xi32>
      %add3A_613 = arith.addi %mul3A_610, %add3A_612 : vector<16xi32>
      %add3A_614 = arith.addi %broadcast_in_dim3A, %add3A_613 : vector<16xi32>
      %gather3A_615 = tpu.vector_load_idx %arg7[%add3A_614] : memref<10240xi32, #tpu.memory_space<vmem>>[vector<16xi32>], vector<16xi32>,
      %gather3A_616 = tpu.vector_load_idx %arg8[%gather3A_615] : memref<10240xf32, #tpu.memory_space<vmem>>[vector<16xi32>], vector<16xf32>,
      %add3A_617 = arith.addf %get3A_36, %gather3A_616 : vector<16xf32>
      %gt3A_618 = arith.constant 0.000000e+00 : f32
      %gt3A_619 = vector.broadcast %gt3A_618 : f32 to vector<16xf32>
      %gt3A_620 = arith.cmpf ogt, %add3A_617, %gt3A_619 : vector<16xf32>
      %mul3A_621 = arith.constant 2.000000e-01 : f32
      %mul3A_622 = vector.broadcast %mul3A_621 : f32 to vector<16xf32>
      %mul3A_623 = arith.mulf %mul3A_622, %add3A_617 : vector<16xf32>
      %select_n3A_624 = arith.select %gt3A_620, %add3A_617, %mul3A_623 : vector<16xi1>, vector<16xf32>
      %max3A_625 = arith.maximumf %max3A_603, %select_n3A_624 : vector<16xf32>
      %swap3A_626 = arith.constant 26 : i32
      %swap3A_627 = arith.index_cast %swap3A_626 : i32 to index
      %swap3A_628 = arith.constant 0 : index
      %swap3A_629 = tpu.vector_load %arg11[%swap3A_627, %swap3A_628] {strides = array<i32>} : memref<32x16xf32, #tpu.memory_space<vmem>>, vector<16xf32>,
      tpu.vector_store %arg11[%swap3A_627, %swap3A_628], %select_n3A_624 {strides = array<i32>} : memref<32x16xf32, #tpu.memory_space<vmem>>, vector<16xf32>,
      %mul3A_630 = arith.constant 32 : i32
      %mul3A_631 = vector.broadcast %mul3A_630 : i32 to vector<16xi32>
      %mul3A_632 = arith.muli %iota3A, %mul3A_631 : vector<16xi32>
      %add3A_633 = arith.constant 27 : i32
      %add3A_634 = vector.broadcast %add3A_633 : i32 to vector<16xi32>
      %add3A_635 = arith.addi %mul3A_632, %add3A_634 : vector<16xi32>
      %add3A_636 = arith.addi %broadcast_in_dim3A, %add3A_635 : vector<16xi32>
      %gather3A_637 = tpu.vector_load_idx %arg7[%add3A_636] : memref<10240xi32, #tpu.memory_space<vmem>>[vector<16xi32>], vector<16xi32>,
      %gather3A_638 = tpu.vector_load_idx %arg8[%gather3A_637] : memref<10240xf32, #tpu.memory_space<vmem>>[vector<16xi32>], vector<16xf32>,
      %add3A_639 = arith.addf %get3A_36, %gather3A_638 : vector<16xf32>
      %gt3A_640 = arith.constant 0.000000e+00 : f32
      %gt3A_641 = vector.broadcast %gt3A_640 : f32 to vector<16xf32>
      %gt3A_642 = arith.cmpf ogt, %add3A_639, %gt3A_641 : vector<16xf32>
      %mul3A_643 = arith.constant 2.000000e-01 : f32
      %mul3A_644 = vector.broadcast %mul3A_643 : f32 to vector<16xf32>
      %mul3A_645 = arith.mulf %mul3A_644, %add3A_639 : vector<16xf32>
      %select_n3A_646 = arith.select %gt3A_642, %add3A_639, %mul3A_645 : vector<16xi1>, vector<16xf32>
      %max3A_647 = arith.maximumf %max3A_625, %select_n3A_646 : vector<16xf32>
      %swap3A_648 = arith.constant 27 : i32
      %swap3A_649 = arith.index_cast %swap3A_648 : i32 to index
      %swap3A_650 = arith.constant 0 : index
      %swap3A_651 = tpu.vector_load %arg11[%swap3A_649, %swap3A_650] {strides = array<i32>} : memref<32x16xf32, #tpu.memory_space<vmem>>, vector<16xf32>,
      tpu.vector_store %arg11[%swap3A_649, %swap3A_650], %select_n3A_646 {strides = array<i32>} : memref<32x16xf32, #tpu.memory_space<vmem>>, vector<16xf32>,
      %mul3A_652 = arith.constant 32 : i32
      %mul3A_653 = vector.broadcast %mul3A_652 : i32 to vector<16xi32>
      %mul3A_654 = arith.muli %iota3A, %mul3A_653 : vector<16xi32>
      %add3A_655 = arith.constant 28 : i32
      %add3A_656 = vector.broadcast %add3A_655 : i32 to vector<16xi32>
      %add3A_657 = arith.addi %mul3A_654, %add3A_656 : vector<16xi32>
      %add3A_658 = arith.addi %broadcast_in_dim3A, %add3A_657 : vector<16xi32>
      %gather3A_659 = tpu.vector_load_idx %arg7[%add3A_658] : memref<10240xi32, #tpu.memory_space<vmem>>[vector<16xi32>], vector<16xi32>,
      %gather3A_660 = tpu.vector_load_idx %arg8[%gather3A_659] : memref<10240xf32, #tpu.memory_space<vmem>>[vector<16xi32>], vector<16xf32>,
      %add3A_661 = arith.addf %get3A_36, %gather3A_660 : vector<16xf32>
      %gt3A_662 = arith.constant 0.000000e+00 : f32
      %gt3A_663 = vector.broadcast %gt3A_662 : f32 to vector<16xf32>
      %gt3A_664 = arith.cmpf ogt, %add3A_661, %gt3A_663 : vector<16xf32>
      %mul3A_665 = arith.constant 2.000000e-01 : f32
      %mul3A_666 = vector.broadcast %mul3A_665 : f32 to vector<16xf32>
      %mul3A_667 = arith.mulf %mul3A_666, %add3A_661 : vector<16xf32>
      %select_n3A_668 = arith.select %gt3A_664, %add3A_661, %mul3A_667 : vector<16xi1>, vector<16xf32>
      %max3A_669 = arith.maximumf %max3A_647, %select_n3A_668 : vector<16xf32>
      %swap3A_670 = arith.constant 28 : i32
      %swap3A_671 = arith.index_cast %swap3A_670 : i32 to index
      %swap3A_672 = arith.constant 0 : index
      %swap3A_673 = tpu.vector_load %arg11[%swap3A_671, %swap3A_672] {strides = array<i32>} : memref<32x16xf32, #tpu.memory_space<vmem>>, vector<16xf32>,
      tpu.vector_store %arg11[%swap3A_671, %swap3A_672], %select_n3A_668 {strides = array<i32>} : memref<32x16xf32, #tpu.memory_space<vmem>>, vector<16xf32>,
      %mul3A_674 = arith.constant 32 : i32
      %mul3A_675 = vector.broadcast %mul3A_674 : i32 to vector<16xi32>
      %mul3A_676 = arith.muli %iota3A, %mul3A_675 : vector<16xi32>
      %add3A_677 = arith.constant 29 : i32
      %add3A_678 = vector.broadcast %add3A_677 : i32 to vector<16xi32>
      %add3A_679 = arith.addi %mul3A_676, %add3A_678 : vector<16xi32>
      %add3A_680 = arith.addi %broadcast_in_dim3A, %add3A_679 : vector<16xi32>
      %gather3A_681 = tpu.vector_load_idx %arg7[%add3A_680] : memref<10240xi32, #tpu.memory_space<vmem>>[vector<16xi32>], vector<16xi32>,
      %gather3A_682 = tpu.vector_load_idx %arg8[%gather3A_681] : memref<10240xf32, #tpu.memory_space<vmem>>[vector<16xi32>], vector<16xf32>,
      %add3A_683 = arith.addf %get3A_36, %gather3A_682 : vector<16xf32>
      %gt3A_684 = arith.constant 0.000000e+00 : f32
      %gt3A_685 = vector.broadcast %gt3A_684 : f32 to vector<16xf32>
      %gt3A_686 = arith.cmpf ogt, %add3A_683, %gt3A_685 : vector<16xf32>
      %mul3A_687 = arith.constant 2.000000e-01 : f32
      %mul3A_688 = vector.broadcast %mul3A_687 : f32 to vector<16xf32>
      %mul3A_689 = arith.mulf %mul3A_688, %add3A_683 : vector<16xf32>
      %select_n3A_690 = arith.select %gt3A_686, %add3A_683, %mul3A_689 : vector<16xi1>, vector<16xf32>
      %max3A_691 = arith.maximumf %max3A_669, %select_n3A_690 : vector<16xf32>
      %swap3A_692 = arith.constant 29 : i32
      %swap3A_693 = arith.index_cast %swap3A_692 : i32 to index
      %swap3A_694 = arith.constant 0 : index
      %swap3A_695 = tpu.vector_load %arg11[%swap3A_693, %swap3A_694] {strides = array<i32>} : memref<32x16xf32, #tpu.memory_space<vmem>>, vector<16xf32>,
      tpu.vector_store %arg11[%swap3A_693, %swap3A_694], %select_n3A_690 {strides = array<i32>} : memref<32x16xf32, #tpu.memory_space<vmem>>, vector<16xf32>,
      %mul3A_696 = arith.constant 32 : i32
      %mul3A_697 = vector.broadcast %mul3A_696 : i32 to vector<16xi32>
      %mul3A_698 = arith.muli %iota3A, %mul3A_697 : vector<16xi32>
      %add3A_699 = arith.constant 30 : i32
      %add3A_700 = vector.broadcast %add3A_699 : i32 to vector<16xi32>
      %add3A_701 = arith.addi %mul3A_698, %add3A_700 : vector<16xi32>
      %add3A_702 = arith.addi %broadcast_in_dim3A, %add3A_701 : vector<16xi32>
      %gather3A_703 = tpu.vector_load_idx %arg7[%add3A_702] : memref<10240xi32, #tpu.memory_space<vmem>>[vector<16xi32>], vector<16xi32>,
      %gather3A_704 = tpu.vector_load_idx %arg8[%gather3A_703] : memref<10240xf32, #tpu.memory_space<vmem>>[vector<16xi32>], vector<16xf32>,
      %add3A_705 = arith.addf %get3A_36, %gather3A_704 : vector<16xf32>
      %gt3A_706 = arith.constant 0.000000e+00 : f32
      %gt3A_707 = vector.broadcast %gt3A_706 : f32 to vector<16xf32>
      %gt3A_708 = arith.cmpf ogt, %add3A_705, %gt3A_707 : vector<16xf32>
      %mul3A_709 = arith.constant 2.000000e-01 : f32
      %mul3A_710 = vector.broadcast %mul3A_709 : f32 to vector<16xf32>
      %mul3A_711 = arith.mulf %mul3A_710, %add3A_705 : vector<16xf32>
      %select_n3A_712 = arith.select %gt3A_708, %add3A_705, %mul3A_711 : vector<16xi1>, vector<16xf32>
      %max3A_713 = arith.maximumf %max3A_691, %select_n3A_712 : vector<16xf32>
      %swap3A_714 = arith.constant 30 : i32
      %swap3A_715 = arith.index_cast %swap3A_714 : i32 to index
      %swap3A_716 = arith.constant 0 : index
      %swap3A_717 = tpu.vector_load %arg11[%swap3A_715, %swap3A_716] {strides = array<i32>} : memref<32x16xf32, #tpu.memory_space<vmem>>, vector<16xf32>,
      tpu.vector_store %arg11[%swap3A_715, %swap3A_716], %select_n3A_712 {strides = array<i32>} : memref<32x16xf32, #tpu.memory_space<vmem>>, vector<16xf32>,
      %mul3A_718 = arith.constant 32 : i32
      %mul3A_719 = vector.broadcast %mul3A_718 : i32 to vector<16xi32>
      %mul3A_720 = arith.muli %iota3A, %mul3A_719 : vector<16xi32>
      %add3A_721 = arith.constant 31 : i32
      %add3A_722 = vector.broadcast %add3A_721 : i32 to vector<16xi32>
      %add3A_723 = arith.addi %mul3A_720, %add3A_722 : vector<16xi32>
      %add3A_724 = arith.addi %broadcast_in_dim3A, %add3A_723 : vector<16xi32>
      %gather3A_725 = tpu.vector_load_idx %arg7[%add3A_724] : memref<10240xi32, #tpu.memory_space<vmem>>[vector<16xi32>], vector<16xi32>,
      %gather3A_726 = tpu.vector_load_idx %arg8[%gather3A_725] : memref<10240xf32, #tpu.memory_space<vmem>>[vector<16xi32>], vector<16xf32>,
      %add3A_727 = arith.addf %get3A_36, %gather3A_726 : vector<16xf32>
      %gt3A_728 = arith.constant 0.000000e+00 : f32
      %gt3A_729 = vector.broadcast %gt3A_728 : f32 to vector<16xf32>
      %gt3A_730 = arith.cmpf ogt, %add3A_727, %gt3A_729 : vector<16xf32>
      %mul3A_731 = arith.constant 2.000000e-01 : f32
      %mul3A_732 = vector.broadcast %mul3A_731 : f32 to vector<16xf32>
      %mul3A_733 = arith.mulf %mul3A_732, %add3A_727 : vector<16xf32>
      %select_n3A_734 = arith.select %gt3A_730, %add3A_727, %mul3A_733 : vector<16xi1>, vector<16xf32>
      %max3A_735 = arith.maximumf %max3A_713, %select_n3A_734 : vector<16xf32>
      %swap3A_736 = arith.constant 31 : i32
      %swap3A_737 = arith.index_cast %swap3A_736 : i32 to index
      %swap3A_738 = arith.constant 0 : index
      %swap3A_739 = tpu.vector_load %arg11[%swap3A_737, %swap3A_738] {strides = array<i32>} : memref<32x16xf32, #tpu.memory_space<vmem>>, vector<16xf32>,
      tpu.vector_store %arg11[%swap3A_737, %swap3A_738], %select_n3A_734 {strides = array<i32>} : memref<32x16xf32, #tpu.memory_space<vmem>>, vector<16xf32>,
      %broadcast_in_dim3A_740 = arith.constant 0.000000e+00 : f32
      %broadcast_in_dim3A_741 = vector.broadcast %broadcast_in_dim3A_740 : f32 to vector<16xf32>
      %get3A_742 = arith.constant 0 : i32
      %get3A_743 = arith.index_cast %get3A_742 : i32 to index
      %get3A_744 = arith.constant 0 : index
      %get3A_745 = tpu.vector_load %arg11[%get3A_743, %get3A_744] {strides = array<i32>} : memref<32x16xf32, #tpu.memory_space<vmem>>, vector<16xf32>,
      %sub3A = arith.subf %get3A_745, %max3A_735 : vector<16xf32>
      %exp3A = math.exp %sub3A : vector<16xf32>
      %add3A_746 = arith.addf %broadcast_in_dim3A_741, %exp3A : vector<16xf32>
      %swap3A_747 = arith.constant 0 : i32
      %swap3A_748 = arith.index_cast %swap3A_747 : i32 to index
      %swap3A_749 = arith.constant 0 : index
      %swap3A_750 = tpu.vector_load %arg11[%swap3A_748, %swap3A_749] {strides = array<i32>} : memref<32x16xf32, #tpu.memory_space<vmem>>, vector<16xf32>,
      tpu.vector_store %arg11[%swap3A_748, %swap3A_749], %exp3A {strides = array<i32>} : memref<32x16xf32, #tpu.memory_space<vmem>>, vector<16xf32>,
      %get3A_751 = arith.constant 1 : i32
      %get3A_752 = arith.index_cast %get3A_751 : i32 to index
      %get3A_753 = arith.constant 0 : index
      %get3A_754 = tpu.vector_load %arg11[%get3A_752, %get3A_753] {strides = array<i32>} : memref<32x16xf32, #tpu.memory_space<vmem>>, vector<16xf32>,
      %sub3A_755 = arith.subf %get3A_754, %max3A_735 : vector<16xf32>
      %exp3A_756 = math.exp %sub3A_755 : vector<16xf32>
      %add3A_757 = arith.addf %add3A_746, %exp3A_756 : vector<16xf32>
      %swap3A_758 = arith.constant 1 : i32
      %swap3A_759 = arith.index_cast %swap3A_758 : i32 to index
      %swap3A_760 = arith.constant 0 : index
      %swap3A_761 = tpu.vector_load %arg11[%swap3A_759, %swap3A_760] {strides = array<i32>} : memref<32x16xf32, #tpu.memory_space<vmem>>, vector<16xf32>,
      tpu.vector_store %arg11[%swap3A_759, %swap3A_760], %exp3A_756 {strides = array<i32>} : memref<32x16xf32, #tpu.memory_space<vmem>>, vector<16xf32>,
      %get3A_762 = arith.constant 2 : i32
      %get3A_763 = arith.index_cast %get3A_762 : i32 to index
      %get3A_764 = arith.constant 0 : index
      %get3A_765 = tpu.vector_load %arg11[%get3A_763, %get3A_764] {strides = array<i32>} : memref<32x16xf32, #tpu.memory_space<vmem>>, vector<16xf32>,
      %sub3A_766 = arith.subf %get3A_765, %max3A_735 : vector<16xf32>
      %exp3A_767 = math.exp %sub3A_766 : vector<16xf32>
      %add3A_768 = arith.addf %add3A_757, %exp3A_767 : vector<16xf32>
      %swap3A_769 = arith.constant 2 : i32
      %swap3A_770 = arith.index_cast %swap3A_769 : i32 to index
      %swap3A_771 = arith.constant 0 : index
      %swap3A_772 = tpu.vector_load %arg11[%swap3A_770, %swap3A_771] {strides = array<i32>} : memref<32x16xf32, #tpu.memory_space<vmem>>, vector<16xf32>,
      tpu.vector_store %arg11[%swap3A_770, %swap3A_771], %exp3A_767 {strides = array<i32>} : memref<32x16xf32, #tpu.memory_space<vmem>>, vector<16xf32>,
      %get3A_773 = arith.constant 3 : i32
      %get3A_774 = arith.index_cast %get3A_773 : i32 to index
      %get3A_775 = arith.constant 0 : index
      %get3A_776 = tpu.vector_load %arg11[%get3A_774, %get3A_775] {strides = array<i32>} : memref<32x16xf32, #tpu.memory_space<vmem>>, vector<16xf32>,
      %sub3A_777 = arith.subf %get3A_776, %max3A_735 : vector<16xf32>
      %exp3A_778 = math.exp %sub3A_777 : vector<16xf32>
      %add3A_779 = arith.addf %add3A_768, %exp3A_778 : vector<16xf32>
      %swap3A_780 = arith.constant 3 : i32
      %swap3A_781 = arith.index_cast %swap3A_780 : i32 to index
      %swap3A_782 = arith.constant 0 : index
      %swap3A_783 = tpu.vector_load %arg11[%swap3A_781, %swap3A_782] {strides = array<i32>} : memref<32x16xf32, #tpu.memory_space<vmem>>, vector<16xf32>,
      tpu.vector_store %arg11[%swap3A_781, %swap3A_782], %exp3A_778 {strides = array<i32>} : memref<32x16xf32, #tpu.memory_space<vmem>>, vector<16xf32>,
      %get3A_784 = arith.constant 4 : i32
      %get3A_785 = arith.index_cast %get3A_784 : i32 to index
      %get3A_786 = arith.constant 0 : index
      %get3A_787 = tpu.vector_load %arg11[%get3A_785, %get3A_786] {strides = array<i32>} : memref<32x16xf32, #tpu.memory_space<vmem>>, vector<16xf32>,
      %sub3A_788 = arith.subf %get3A_787, %max3A_735 : vector<16xf32>
      %exp3A_789 = math.exp %sub3A_788 : vector<16xf32>
      %add3A_790 = arith.addf %add3A_779, %exp3A_789 : vector<16xf32>
      %swap3A_791 = arith.constant 4 : i32
      %swap3A_792 = arith.index_cast %swap3A_791 : i32 to index
      %swap3A_793 = arith.constant 0 : index
      %swap3A_794 = tpu.vector_load %arg11[%swap3A_792, %swap3A_793] {strides = array<i32>} : memref<32x16xf32, #tpu.memory_space<vmem>>, vector<16xf32>,
      tpu.vector_store %arg11[%swap3A_792, %swap3A_793], %exp3A_789 {strides = array<i32>} : memref<32x16xf32, #tpu.memory_space<vmem>>, vector<16xf32>,
      %get3A_795 = arith.constant 5 : i32
      %get3A_796 = arith.index_cast %get3A_795 : i32 to index
      %get3A_797 = arith.constant 0 : index
      %get3A_798 = tpu.vector_load %arg11[%get3A_796, %get3A_797] {strides = array<i32>} : memref<32x16xf32, #tpu.memory_space<vmem>>, vector<16xf32>,
      %sub3A_799 = arith.subf %get3A_798, %max3A_735 : vector<16xf32>
      %exp3A_800 = math.exp %sub3A_799 : vector<16xf32>
      %add3A_801 = arith.addf %add3A_790, %exp3A_800 : vector<16xf32>
      %swap3A_802 = arith.constant 5 : i32
      %swap3A_803 = arith.index_cast %swap3A_802 : i32 to index
      %swap3A_804 = arith.constant 0 : index
      %swap3A_805 = tpu.vector_load %arg11[%swap3A_803, %swap3A_804] {strides = array<i32>} : memref<32x16xf32, #tpu.memory_space<vmem>>, vector<16xf32>,
      tpu.vector_store %arg11[%swap3A_803, %swap3A_804], %exp3A_800 {strides = array<i32>} : memref<32x16xf32, #tpu.memory_space<vmem>>, vector<16xf32>,
      %get3A_806 = arith.constant 6 : i32
      %get3A_807 = arith.index_cast %get3A_806 : i32 to index
      %get3A_808 = arith.constant 0 : index
      %get3A_809 = tpu.vector_load %arg11[%get3A_807, %get3A_808] {strides = array<i32>} : memref<32x16xf32, #tpu.memory_space<vmem>>, vector<16xf32>,
      %sub3A_810 = arith.subf %get3A_809, %max3A_735 : vector<16xf32>
      %exp3A_811 = math.exp %sub3A_810 : vector<16xf32>
      %add3A_812 = arith.addf %add3A_801, %exp3A_811 : vector<16xf32>
      %swap3A_813 = arith.constant 6 : i32
      %swap3A_814 = arith.index_cast %swap3A_813 : i32 to index
      %swap3A_815 = arith.constant 0 : index
      %swap3A_816 = tpu.vector_load %arg11[%swap3A_814, %swap3A_815] {strides = array<i32>} : memref<32x16xf32, #tpu.memory_space<vmem>>, vector<16xf32>,
      tpu.vector_store %arg11[%swap3A_814, %swap3A_815], %exp3A_811 {strides = array<i32>} : memref<32x16xf32, #tpu.memory_space<vmem>>, vector<16xf32>,
      %get3A_817 = arith.constant 7 : i32
      %get3A_818 = arith.index_cast %get3A_817 : i32 to index
      %get3A_819 = arith.constant 0 : index
      %get3A_820 = tpu.vector_load %arg11[%get3A_818, %get3A_819] {strides = array<i32>} : memref<32x16xf32, #tpu.memory_space<vmem>>, vector<16xf32>,
      %sub3A_821 = arith.subf %get3A_820, %max3A_735 : vector<16xf32>
      %exp3A_822 = math.exp %sub3A_821 : vector<16xf32>
      %add3A_823 = arith.addf %add3A_812, %exp3A_822 : vector<16xf32>
      %swap3A_824 = arith.constant 7 : i32
      %swap3A_825 = arith.index_cast %swap3A_824 : i32 to index
      %swap3A_826 = arith.constant 0 : index
      %swap3A_827 = tpu.vector_load %arg11[%swap3A_825, %swap3A_826] {strides = array<i32>} : memref<32x16xf32, #tpu.memory_space<vmem>>, vector<16xf32>,
      tpu.vector_store %arg11[%swap3A_825, %swap3A_826], %exp3A_822 {strides = array<i32>} : memref<32x16xf32, #tpu.memory_space<vmem>>, vector<16xf32>,
      %get3A_828 = arith.constant 8 : i32
      %get3A_829 = arith.index_cast %get3A_828 : i32 to index
      %get3A_830 = arith.constant 0 : index
      %get3A_831 = tpu.vector_load %arg11[%get3A_829, %get3A_830] {strides = array<i32>} : memref<32x16xf32, #tpu.memory_space<vmem>>, vector<16xf32>,
      %sub3A_832 = arith.subf %get3A_831, %max3A_735 : vector<16xf32>
      %exp3A_833 = math.exp %sub3A_832 : vector<16xf32>
      %add3A_834 = arith.addf %add3A_823, %exp3A_833 : vector<16xf32>
      %swap3A_835 = arith.constant 8 : i32
      %swap3A_836 = arith.index_cast %swap3A_835 : i32 to index
      %swap3A_837 = arith.constant 0 : index
      %swap3A_838 = tpu.vector_load %arg11[%swap3A_836, %swap3A_837] {strides = array<i32>} : memref<32x16xf32, #tpu.memory_space<vmem>>, vector<16xf32>,
      tpu.vector_store %arg11[%swap3A_836, %swap3A_837], %exp3A_833 {strides = array<i32>} : memref<32x16xf32, #tpu.memory_space<vmem>>, vector<16xf32>,
      %get3A_839 = arith.constant 9 : i32
      %get3A_840 = arith.index_cast %get3A_839 : i32 to index
      %get3A_841 = arith.constant 0 : index
      %get3A_842 = tpu.vector_load %arg11[%get3A_840, %get3A_841] {strides = array<i32>} : memref<32x16xf32, #tpu.memory_space<vmem>>, vector<16xf32>,
      %sub3A_843 = arith.subf %get3A_842, %max3A_735 : vector<16xf32>
      %exp3A_844 = math.exp %sub3A_843 : vector<16xf32>
      %add3A_845 = arith.addf %add3A_834, %exp3A_844 : vector<16xf32>
      %swap3A_846 = arith.constant 9 : i32
      %swap3A_847 = arith.index_cast %swap3A_846 : i32 to index
      %swap3A_848 = arith.constant 0 : index
      %swap3A_849 = tpu.vector_load %arg11[%swap3A_847, %swap3A_848] {strides = array<i32>} : memref<32x16xf32, #tpu.memory_space<vmem>>, vector<16xf32>,
      tpu.vector_store %arg11[%swap3A_847, %swap3A_848], %exp3A_844 {strides = array<i32>} : memref<32x16xf32, #tpu.memory_space<vmem>>, vector<16xf32>,
      %get3A_850 = arith.constant 10 : i32
      %get3A_851 = arith.index_cast %get3A_850 : i32 to index
      %get3A_852 = arith.constant 0 : index
      %get3A_853 = tpu.vector_load %arg11[%get3A_851, %get3A_852] {strides = array<i32>} : memref<32x16xf32, #tpu.memory_space<vmem>>, vector<16xf32>,
      %sub3A_854 = arith.subf %get3A_853, %max3A_735 : vector<16xf32>
      %exp3A_855 = math.exp %sub3A_854 : vector<16xf32>
      %add3A_856 = arith.addf %add3A_845, %exp3A_855 : vector<16xf32>
      %swap3A_857 = arith.constant 10 : i32
      %swap3A_858 = arith.index_cast %swap3A_857 : i32 to index
      %swap3A_859 = arith.constant 0 : index
      %swap3A_860 = tpu.vector_load %arg11[%swap3A_858, %swap3A_859] {strides = array<i32>} : memref<32x16xf32, #tpu.memory_space<vmem>>, vector<16xf32>,
      tpu.vector_store %arg11[%swap3A_858, %swap3A_859], %exp3A_855 {strides = array<i32>} : memref<32x16xf32, #tpu.memory_space<vmem>>, vector<16xf32>,
      %get3A_861 = arith.constant 11 : i32
      %get3A_862 = arith.index_cast %get3A_861 : i32 to index
      %get3A_863 = arith.constant 0 : index
      %get3A_864 = tpu.vector_load %arg11[%get3A_862, %get3A_863] {strides = array<i32>} : memref<32x16xf32, #tpu.memory_space<vmem>>, vector<16xf32>,
      %sub3A_865 = arith.subf %get3A_864, %max3A_735 : vector<16xf32>
      %exp3A_866 = math.exp %sub3A_865 : vector<16xf32>
      %add3A_867 = arith.addf %add3A_856, %exp3A_866 : vector<16xf32>
      %swap3A_868 = arith.constant 11 : i32
      %swap3A_869 = arith.index_cast %swap3A_868 : i32 to index
      %swap3A_870 = arith.constant 0 : index
      %swap3A_871 = tpu.vector_load %arg11[%swap3A_869, %swap3A_870] {strides = array<i32>} : memref<32x16xf32, #tpu.memory_space<vmem>>, vector<16xf32>,
      tpu.vector_store %arg11[%swap3A_869, %swap3A_870], %exp3A_866 {strides = array<i32>} : memref<32x16xf32, #tpu.memory_space<vmem>>, vector<16xf32>,
      %get3A_872 = arith.constant 12 : i32
      %get3A_873 = arith.index_cast %get3A_872 : i32 to index
      %get3A_874 = arith.constant 0 : index
      %get3A_875 = tpu.vector_load %arg11[%get3A_873, %get3A_874] {strides = array<i32>} : memref<32x16xf32, #tpu.memory_space<vmem>>, vector<16xf32>,
      %sub3A_876 = arith.subf %get3A_875, %max3A_735 : vector<16xf32>
      %exp3A_877 = math.exp %sub3A_876 : vector<16xf32>
      %add3A_878 = arith.addf %add3A_867, %exp3A_877 : vector<16xf32>
      %swap3A_879 = arith.constant 12 : i32
      %swap3A_880 = arith.index_cast %swap3A_879 : i32 to index
      %swap3A_881 = arith.constant 0 : index
      %swap3A_882 = tpu.vector_load %arg11[%swap3A_880, %swap3A_881] {strides = array<i32>} : memref<32x16xf32, #tpu.memory_space<vmem>>, vector<16xf32>,
      tpu.vector_store %arg11[%swap3A_880, %swap3A_881], %exp3A_877 {strides = array<i32>} : memref<32x16xf32, #tpu.memory_space<vmem>>, vector<16xf32>,
      %get3A_883 = arith.constant 13 : i32
      %get3A_884 = arith.index_cast %get3A_883 : i32 to index
      %get3A_885 = arith.constant 0 : index
      %get3A_886 = tpu.vector_load %arg11[%get3A_884, %get3A_885] {strides = array<i32>} : memref<32x16xf32, #tpu.memory_space<vmem>>, vector<16xf32>,
      %sub3A_887 = arith.subf %get3A_886, %max3A_735 : vector<16xf32>
      %exp3A_888 = math.exp %sub3A_887 : vector<16xf32>
      %add3A_889 = arith.addf %add3A_878, %exp3A_888 : vector<16xf32>
      %swap3A_890 = arith.constant 13 : i32
      %swap3A_891 = arith.index_cast %swap3A_890 : i32 to index
      %swap3A_892 = arith.constant 0 : index
      %swap3A_893 = tpu.vector_load %arg11[%swap3A_891, %swap3A_892] {strides = array<i32>} : memref<32x16xf32, #tpu.memory_space<vmem>>, vector<16xf32>,
      tpu.vector_store %arg11[%swap3A_891, %swap3A_892], %exp3A_888 {strides = array<i32>} : memref<32x16xf32, #tpu.memory_space<vmem>>, vector<16xf32>,
      %get3A_894 = arith.constant 14 : i32
      %get3A_895 = arith.index_cast %get3A_894 : i32 to index
      %get3A_896 = arith.constant 0 : index
      %get3A_897 = tpu.vector_load %arg11[%get3A_895, %get3A_896] {strides = array<i32>} : memref<32x16xf32, #tpu.memory_space<vmem>>, vector<16xf32>,
      %sub3A_898 = arith.subf %get3A_897, %max3A_735 : vector<16xf32>
      %exp3A_899 = math.exp %sub3A_898 : vector<16xf32>
      %add3A_900 = arith.addf %add3A_889, %exp3A_899 : vector<16xf32>
      %swap3A_901 = arith.constant 14 : i32
      %swap3A_902 = arith.index_cast %swap3A_901 : i32 to index
      %swap3A_903 = arith.constant 0 : index
      %swap3A_904 = tpu.vector_load %arg11[%swap3A_902, %swap3A_903] {strides = array<i32>} : memref<32x16xf32, #tpu.memory_space<vmem>>, vector<16xf32>,
      tpu.vector_store %arg11[%swap3A_902, %swap3A_903], %exp3A_899 {strides = array<i32>} : memref<32x16xf32, #tpu.memory_space<vmem>>, vector<16xf32>,
      %get3A_905 = arith.constant 15 : i32
      %get3A_906 = arith.index_cast %get3A_905 : i32 to index
      %get3A_907 = arith.constant 0 : index
      %get3A_908 = tpu.vector_load %arg11[%get3A_906, %get3A_907] {strides = array<i32>} : memref<32x16xf32, #tpu.memory_space<vmem>>, vector<16xf32>,
      %sub3A_909 = arith.subf %get3A_908, %max3A_735 : vector<16xf32>
      %exp3A_910 = math.exp %sub3A_909 : vector<16xf32>
      %add3A_911 = arith.addf %add3A_900, %exp3A_910 : vector<16xf32>
      %swap3A_912 = arith.constant 15 : i32
      %swap3A_913 = arith.index_cast %swap3A_912 : i32 to index
      %swap3A_914 = arith.constant 0 : index
      %swap3A_915 = tpu.vector_load %arg11[%swap3A_913, %swap3A_914] {strides = array<i32>} : memref<32x16xf32, #tpu.memory_space<vmem>>, vector<16xf32>,
      tpu.vector_store %arg11[%swap3A_913, %swap3A_914], %exp3A_910 {strides = array<i32>} : memref<32x16xf32, #tpu.memory_space<vmem>>, vector<16xf32>,
      %get3A_916 = arith.constant 16 : i32
      %get3A_917 = arith.index_cast %get3A_916 : i32 to index
      %get3A_918 = arith.constant 0 : index
      %get3A_919 = tpu.vector_load %arg11[%get3A_917, %get3A_918] {strides = array<i32>} : memref<32x16xf32, #tpu.memory_space<vmem>>, vector<16xf32>,
      %sub3A_920 = arith.subf %get3A_919, %max3A_735 : vector<16xf32>
      %exp3A_921 = math.exp %sub3A_920 : vector<16xf32>
      %add3A_922 = arith.addf %add3A_911, %exp3A_921 : vector<16xf32>
      %swap3A_923 = arith.constant 16 : i32
      %swap3A_924 = arith.index_cast %swap3A_923 : i32 to index
      %swap3A_925 = arith.constant 0 : index
      %swap3A_926 = tpu.vector_load %arg11[%swap3A_924, %swap3A_925] {strides = array<i32>} : memref<32x16xf32, #tpu.memory_space<vmem>>, vector<16xf32>,
      tpu.vector_store %arg11[%swap3A_924, %swap3A_925], %exp3A_921 {strides = array<i32>} : memref<32x16xf32, #tpu.memory_space<vmem>>, vector<16xf32>,
      %get3A_927 = arith.constant 17 : i32
      %get3A_928 = arith.index_cast %get3A_927 : i32 to index
      %get3A_929 = arith.constant 0 : index
      %get3A_930 = tpu.vector_load %arg11[%get3A_928, %get3A_929] {strides = array<i32>} : memref<32x16xf32, #tpu.memory_space<vmem>>, vector<16xf32>,
      %sub3A_931 = arith.subf %get3A_930, %max3A_735 : vector<16xf32>
      %exp3A_932 = math.exp %sub3A_931 : vector<16xf32>
      %add3A_933 = arith.addf %add3A_922, %exp3A_932 : vector<16xf32>
      %swap3A_934 = arith.constant 17 : i32
      %swap3A_935 = arith.index_cast %swap3A_934 : i32 to index
      %swap3A_936 = arith.constant 0 : index
      %swap3A_937 = tpu.vector_load %arg11[%swap3A_935, %swap3A_936] {strides = array<i32>} : memref<32x16xf32, #tpu.memory_space<vmem>>, vector<16xf32>,
      tpu.vector_store %arg11[%swap3A_935, %swap3A_936], %exp3A_932 {strides = array<i32>} : memref<32x16xf32, #tpu.memory_space<vmem>>, vector<16xf32>,
      %get3A_938 = arith.constant 18 : i32
      %get3A_939 = arith.index_cast %get3A_938 : i32 to index
      %get3A_940 = arith.constant 0 : index
      %get3A_941 = tpu.vector_load %arg11[%get3A_939, %get3A_940] {strides = array<i32>} : memref<32x16xf32, #tpu.memory_space<vmem>>, vector<16xf32>,
      %sub3A_942 = arith.subf %get3A_941, %max3A_735 : vector<16xf32>
      %exp3A_943 = math.exp %sub3A_942 : vector<16xf32>
      %add3A_944 = arith.addf %add3A_933, %exp3A_943 : vector<16xf32>
      %swap3A_945 = arith.constant 18 : i32
      %swap3A_946 = arith.index_cast %swap3A_945 : i32 to index
      %swap3A_947 = arith.constant 0 : index
      %swap3A_948 = tpu.vector_load %arg11[%swap3A_946, %swap3A_947] {strides = array<i32>} : memref<32x16xf32, #tpu.memory_space<vmem>>, vector<16xf32>,
      tpu.vector_store %arg11[%swap3A_946, %swap3A_947], %exp3A_943 {strides = array<i32>} : memref<32x16xf32, #tpu.memory_space<vmem>>, vector<16xf32>,
      %get3A_949 = arith.constant 19 : i32
      %get3A_950 = arith.index_cast %get3A_949 : i32 to index
      %get3A_951 = arith.constant 0 : index
      %get3A_952 = tpu.vector_load %arg11[%get3A_950, %get3A_951] {strides = array<i32>} : memref<32x16xf32, #tpu.memory_space<vmem>>, vector<16xf32>,
      %sub3A_953 = arith.subf %get3A_952, %max3A_735 : vector<16xf32>
      %exp3A_954 = math.exp %sub3A_953 : vector<16xf32>
      %add3A_955 = arith.addf %add3A_944, %exp3A_954 : vector<16xf32>
      %swap3A_956 = arith.constant 19 : i32
      %swap3A_957 = arith.index_cast %swap3A_956 : i32 to index
      %swap3A_958 = arith.constant 0 : index
      %swap3A_959 = tpu.vector_load %arg11[%swap3A_957, %swap3A_958] {strides = array<i32>} : memref<32x16xf32, #tpu.memory_space<vmem>>, vector<16xf32>,
      tpu.vector_store %arg11[%swap3A_957, %swap3A_958], %exp3A_954 {strides = array<i32>} : memref<32x16xf32, #tpu.memory_space<vmem>>, vector<16xf32>,
      %get3A_960 = arith.constant 20 : i32
      %get3A_961 = arith.index_cast %get3A_960 : i32 to index
      %get3A_962 = arith.constant 0 : index
      %get3A_963 = tpu.vector_load %arg11[%get3A_961, %get3A_962] {strides = array<i32>} : memref<32x16xf32, #tpu.memory_space<vmem>>, vector<16xf32>,
      %sub3A_964 = arith.subf %get3A_963, %max3A_735 : vector<16xf32>
      %exp3A_965 = math.exp %sub3A_964 : vector<16xf32>
      %add3A_966 = arith.addf %add3A_955, %exp3A_965 : vector<16xf32>
      %swap3A_967 = arith.constant 20 : i32
      %swap3A_968 = arith.index_cast %swap3A_967 : i32 to index
      %swap3A_969 = arith.constant 0 : index
      %swap3A_970 = tpu.vector_load %arg11[%swap3A_968, %swap3A_969] {strides = array<i32>} : memref<32x16xf32, #tpu.memory_space<vmem>>, vector<16xf32>,
      tpu.vector_store %arg11[%swap3A_968, %swap3A_969], %exp3A_965 {strides = array<i32>} : memref<32x16xf32, #tpu.memory_space<vmem>>, vector<16xf32>,
      %get3A_971 = arith.constant 21 : i32
      %get3A_972 = arith.index_cast %get3A_971 : i32 to index
      %get3A_973 = arith.constant 0 : index
      %get3A_974 = tpu.vector_load %arg11[%get3A_972, %get3A_973] {strides = array<i32>} : memref<32x16xf32, #tpu.memory_space<vmem>>, vector<16xf32>,
      %sub3A_975 = arith.subf %get3A_974, %max3A_735 : vector<16xf32>
      %exp3A_976 = math.exp %sub3A_975 : vector<16xf32>
      %add3A_977 = arith.addf %add3A_966, %exp3A_976 : vector<16xf32>
      %swap3A_978 = arith.constant 21 : i32
      %swap3A_979 = arith.index_cast %swap3A_978 : i32 to index
      %swap3A_980 = arith.constant 0 : index
      %swap3A_981 = tpu.vector_load %arg11[%swap3A_979, %swap3A_980] {strides = array<i32>} : memref<32x16xf32, #tpu.memory_space<vmem>>, vector<16xf32>,
      tpu.vector_store %arg11[%swap3A_979, %swap3A_980], %exp3A_976 {strides = array<i32>} : memref<32x16xf32, #tpu.memory_space<vmem>>, vector<16xf32>,
      %get3A_982 = arith.constant 22 : i32
      %get3A_983 = arith.index_cast %get3A_982 : i32 to index
      %get3A_984 = arith.constant 0 : index
      %get3A_985 = tpu.vector_load %arg11[%get3A_983, %get3A_984] {strides = array<i32>} : memref<32x16xf32, #tpu.memory_space<vmem>>, vector<16xf32>,
      %sub3A_986 = arith.subf %get3A_985, %max3A_735 : vector<16xf32>
      %exp3A_987 = math.exp %sub3A_986 : vector<16xf32>
      %add3A_988 = arith.addf %add3A_977, %exp3A_987 : vector<16xf32>
      %swap3A_989 = arith.constant 22 : i32
      %swap3A_990 = arith.index_cast %swap3A_989 : i32 to index
      %swap3A_991 = arith.constant 0 : index
      %swap3A_992 = tpu.vector_load %arg11[%swap3A_990, %swap3A_991] {strides = array<i32>} : memref<32x16xf32, #tpu.memory_space<vmem>>, vector<16xf32>,
      tpu.vector_store %arg11[%swap3A_990, %swap3A_991], %exp3A_987 {strides = array<i32>} : memref<32x16xf32, #tpu.memory_space<vmem>>, vector<16xf32>,
      %get3A_993 = arith.constant 23 : i32
      %get3A_994 = arith.index_cast %get3A_993 : i32 to index
      %get3A_995 = arith.constant 0 : index
      %get3A_996 = tpu.vector_load %arg11[%get3A_994, %get3A_995] {strides = array<i32>} : memref<32x16xf32, #tpu.memory_space<vmem>>, vector<16xf32>,
      %sub3A_997 = arith.subf %get3A_996, %max3A_735 : vector<16xf32>
      %exp3A_998 = math.exp %sub3A_997 : vector<16xf32>
      %add3A_999 = arith.addf %add3A_988, %exp3A_998 : vector<16xf32>
      %swap3A_1000 = arith.constant 23 : i32
      %swap3A_1001 = arith.index_cast %swap3A_1000 : i32 to index
      %swap3A_1002 = arith.constant 0 : index
      %swap3A_1003 = tpu.vector_load %arg11[%swap3A_1001, %swap3A_1002] {strides = array<i32>} : memref<32x16xf32, #tpu.memory_space<vmem>>, vector<16xf32>,
      tpu.vector_store %arg11[%swap3A_1001, %swap3A_1002], %exp3A_998 {strides = array<i32>} : memref<32x16xf32, #tpu.memory_space<vmem>>, vector<16xf32>,
      %get3A_1004 = arith.constant 24 : i32
      %get3A_1005 = arith.index_cast %get3A_1004 : i32 to index
      %get3A_1006 = arith.constant 0 : index
      %get3A_1007 = tpu.vector_load %arg11[%get3A_1005, %get3A_1006] {strides = array<i32>} : memref<32x16xf32, #tpu.memory_space<vmem>>, vector<16xf32>,
      %sub3A_1008 = arith.subf %get3A_1007, %max3A_735 : vector<16xf32>
      %exp3A_1009 = math.exp %sub3A_1008 : vector<16xf32>
      %add3A_1010 = arith.addf %add3A_999, %exp3A_1009 : vector<16xf32>
      %swap3A_1011 = arith.constant 24 : i32
      %swap3A_1012 = arith.index_cast %swap3A_1011 : i32 to index
      %swap3A_1013 = arith.constant 0 : index
      %swap3A_1014 = tpu.vector_load %arg11[%swap3A_1012, %swap3A_1013] {strides = array<i32>} : memref<32x16xf32, #tpu.memory_space<vmem>>, vector<16xf32>,
      tpu.vector_store %arg11[%swap3A_1012, %swap3A_1013], %exp3A_1009 {strides = array<i32>} : memref<32x16xf32, #tpu.memory_space<vmem>>, vector<16xf32>,
      %get3A_1015 = arith.constant 25 : i32
      %get3A_1016 = arith.index_cast %get3A_1015 : i32 to index
      %get3A_1017 = arith.constant 0 : index
      %get3A_1018 = tpu.vector_load %arg11[%get3A_1016, %get3A_1017] {strides = array<i32>} : memref<32x16xf32, #tpu.memory_space<vmem>>, vector<16xf32>,
      %sub3A_1019 = arith.subf %get3A_1018, %max3A_735 : vector<16xf32>
      %exp3A_1020 = math.exp %sub3A_1019 : vector<16xf32>
      %add3A_1021 = arith.addf %add3A_1010, %exp3A_1020 : vector<16xf32>
      %swap3A_1022 = arith.constant 25 : i32
      %swap3A_1023 = arith.index_cast %swap3A_1022 : i32 to index
      %swap3A_1024 = arith.constant 0 : index
      %swap3A_1025 = tpu.vector_load %arg11[%swap3A_1023, %swap3A_1024] {strides = array<i32>} : memref<32x16xf32, #tpu.memory_space<vmem>>, vector<16xf32>,
      tpu.vector_store %arg11[%swap3A_1023, %swap3A_1024], %exp3A_1020 {strides = array<i32>} : memref<32x16xf32, #tpu.memory_space<vmem>>, vector<16xf32>,
      %get3A_1026 = arith.constant 26 : i32
      %get3A_1027 = arith.index_cast %get3A_1026 : i32 to index
      %get3A_1028 = arith.constant 0 : index
      %get3A_1029 = tpu.vector_load %arg11[%get3A_1027, %get3A_1028] {strides = array<i32>} : memref<32x16xf32, #tpu.memory_space<vmem>>, vector<16xf32>,
      %sub3A_1030 = arith.subf %get3A_1029, %max3A_735 : vector<16xf32>
      %exp3A_1031 = math.exp %sub3A_1030 : vector<16xf32>
      %add3A_1032 = arith.addf %add3A_1021, %exp3A_1031 : vector<16xf32>
      %swap3A_1033 = arith.constant 26 : i32
      %swap3A_1034 = arith.index_cast %swap3A_1033 : i32 to index
      %swap3A_1035 = arith.constant 0 : index
      %swap3A_1036 = tpu.vector_load %arg11[%swap3A_1034, %swap3A_1035] {strides = array<i32>} : memref<32x16xf32, #tpu.memory_space<vmem>>, vector<16xf32>,
      tpu.vector_store %arg11[%swap3A_1034, %swap3A_1035], %exp3A_1031 {strides = array<i32>} : memref<32x16xf32, #tpu.memory_space<vmem>>, vector<16xf32>,
      %get3A_1037 = arith.constant 27 : i32
      %get3A_1038 = arith.index_cast %get3A_1037 : i32 to index
      %get3A_1039 = arith.constant 0 : index
      %get3A_1040 = tpu.vector_load %arg11[%get3A_1038, %get3A_1039] {strides = array<i32>} : memref<32x16xf32, #tpu.memory_space<vmem>>, vector<16xf32>,
      %sub3A_1041 = arith.subf %get3A_1040, %max3A_735 : vector<16xf32>
      %exp3A_1042 = math.exp %sub3A_1041 : vector<16xf32>
      %add3A_1043 = arith.addf %add3A_1032, %exp3A_1042 : vector<16xf32>
      %swap3A_1044 = arith.constant 27 : i32
      %swap3A_1045 = arith.index_cast %swap3A_1044 : i32 to index
      %swap3A_1046 = arith.constant 0 : index
      %swap3A_1047 = tpu.vector_load %arg11[%swap3A_1045, %swap3A_1046] {strides = array<i32>} : memref<32x16xf32, #tpu.memory_space<vmem>>, vector<16xf32>,
      tpu.vector_store %arg11[%swap3A_1045, %swap3A_1046], %exp3A_1042 {strides = array<i32>} : memref<32x16xf32, #tpu.memory_space<vmem>>, vector<16xf32>,
      %get3A_1048 = arith.constant 28 : i32
      %get3A_1049 = arith.index_cast %get3A_1048 : i32 to index
      %get3A_1050 = arith.constant 0 : index
      %get3A_1051 = tpu.vector_load %arg11[%get3A_1049, %get3A_1050] {strides = array<i32>} : memref<32x16xf32, #tpu.memory_space<vmem>>, vector<16xf32>,
      %sub3A_1052 = arith.subf %get3A_1051, %max3A_735 : vector<16xf32>
      %exp3A_1053 = math.exp %sub3A_1052 : vector<16xf32>
      %add3A_1054 = arith.addf %add3A_1043, %exp3A_1053 : vector<16xf32>
      %swap3A_1055 = arith.constant 28 : i32
      %swap3A_1056 = arith.index_cast %swap3A_1055 : i32 to index
      %swap3A_1057 = arith.constant 0 : index
      %swap3A_1058 = tpu.vector_load %arg11[%swap3A_1056, %swap3A_1057] {strides = array<i32>} : memref<32x16xf32, #tpu.memory_space<vmem>>, vector<16xf32>,
      tpu.vector_store %arg11[%swap3A_1056, %swap3A_1057], %exp3A_1053 {strides = array<i32>} : memref<32x16xf32, #tpu.memory_space<vmem>>, vector<16xf32>,
      %get3A_1059 = arith.constant 29 : i32
      %get3A_1060 = arith.index_cast %get3A_1059 : i32 to index
      %get3A_1061 = arith.constant 0 : index
      %get3A_1062 = tpu.vector_load %arg11[%get3A_1060, %get3A_1061] {strides = array<i32>} : memref<32x16xf32, #tpu.memory_space<vmem>>, vector<16xf32>,
      %sub3A_1063 = arith.subf %get3A_1062, %max3A_735 : vector<16xf32>
      %exp3A_1064 = math.exp %sub3A_1063 : vector<16xf32>
      %add3A_1065 = arith.addf %add3A_1054, %exp3A_1064 : vector<16xf32>
      %swap3A_1066 = arith.constant 29 : i32
      %swap3A_1067 = arith.index_cast %swap3A_1066 : i32 to index
      %swap3A_1068 = arith.constant 0 : index
      %swap3A_1069 = tpu.vector_load %arg11[%swap3A_1067, %swap3A_1068] {strides = array<i32>} : memref<32x16xf32, #tpu.memory_space<vmem>>, vector<16xf32>,
      tpu.vector_store %arg11[%swap3A_1067, %swap3A_1068], %exp3A_1064 {strides = array<i32>} : memref<32x16xf32, #tpu.memory_space<vmem>>, vector<16xf32>,
      %get3A_1070 = arith.constant 30 : i32
      %get3A_1071 = arith.index_cast %get3A_1070 : i32 to index
      %get3A_1072 = arith.constant 0 : index
      %get3A_1073 = tpu.vector_load %arg11[%get3A_1071, %get3A_1072] {strides = array<i32>} : memref<32x16xf32, #tpu.memory_space<vmem>>, vector<16xf32>,
      %sub3A_1074 = arith.subf %get3A_1073, %max3A_735 : vector<16xf32>
      %exp3A_1075 = math.exp %sub3A_1074 : vector<16xf32>
      %add3A_1076 = arith.addf %add3A_1065, %exp3A_1075 : vector<16xf32>
      %swap3A_1077 = arith.constant 30 : i32
      %swap3A_1078 = arith.index_cast %swap3A_1077 : i32 to index
      %swap3A_1079 = arith.constant 0 : index
      %swap3A_1080 = tpu.vector_load %arg11[%swap3A_1078, %swap3A_1079] {strides = array<i32>} : memref<32x16xf32, #tpu.memory_space<vmem>>, vector<16xf32>,
      tpu.vector_store %arg11[%swap3A_1078, %swap3A_1079], %exp3A_1075 {strides = array<i32>} : memref<32x16xf32, #tpu.memory_space<vmem>>, vector<16xf32>,
      %get3A_1081 = arith.constant 31 : i32
      %get3A_1082 = arith.index_cast %get3A_1081 : i32 to index
      %get3A_1083 = arith.constant 0 : index
      %get3A_1084 = tpu.vector_load %arg11[%get3A_1082, %get3A_1083] {strides = array<i32>} : memref<32x16xf32, #tpu.memory_space<vmem>>, vector<16xf32>,
      %sub3A_1085 = arith.subf %get3A_1084, %max3A_735 : vector<16xf32>
      %exp3A_1086 = math.exp %sub3A_1085 : vector<16xf32>
      %add3A_1087 = arith.addf %add3A_1076, %exp3A_1086 : vector<16xf32>
      %swap3A_1088 = arith.constant 31 : i32
      %swap3A_1089 = arith.index_cast %swap3A_1088 : i32 to index
      %swap3A_1090 = arith.constant 0 : index
      %swap3A_1091 = tpu.vector_load %arg11[%swap3A_1089, %swap3A_1090] {strides = array<i32>} : memref<32x16xf32, #tpu.memory_space<vmem>>, vector<16xf32>,
      tpu.vector_store %arg11[%swap3A_1089, %swap3A_1090], %exp3A_1086 {strides = array<i32>} : memref<32x16xf32, #tpu.memory_space<vmem>>, vector<16xf32>,
      %div3A = arith.constant 1.000000e+00 : f32
      %div3A_1092 = vector.broadcast %div3A : f32 to vector<16xf32>
      %div3A_1093 = arith.divf %div3A_1092, %add3A_1087 : vector<16xf32>
      %get3A_1094 = arith.constant 0 : i32
      %get3A_1095 = arith.index_cast %get3A_1094 : i32 to index
      %get3A_1096 = arith.constant 0 : index
      %get3A_1097 = tpu.vector_load %arg11[%get3A_1095, %get3A_1096] {strides = array<i32>} : memref<32x16xf32, #tpu.memory_space<vmem>>, vector<16xf32>,
      %mul3A_1098 = arith.mulf %get3A_1097, %div3A_1093 : vector<16xf32>
      %swap3A_1099 = arith.constant 0 : i32
      %swap3A_1100 = arith.index_cast %scan3A_33 : i32 to index
      %swap3A_1101 = arith.index_cast %swap3A_1099 : i32 to index
      %swap3A_1102 = arith.constant 0 : index
      %swap3A_1103 = tpu.vector_load %arg10[%swap3A_1100, %swap3A_1101, %swap3A_1102] {strides = array<i32>} : memref<20x32x16xf32, #tpu.memory_space<vmem>>, vector<16xf32>,
      tpu.vector_store %arg10[%swap3A_1100, %swap3A_1101, %swap3A_1102], %mul3A_1098 {strides = array<i32>} : memref<20x32x16xf32, #tpu.memory_space<vmem>>, vector<16xf32>,
      %get3A_1104 = arith.constant 1 : i32
      %get3A_1105 = arith.index_cast %get3A_1104 : i32 to index
      %get3A_1106 = arith.constant 0 : index
      %get3A_1107 = tpu.vector_load %arg11[%get3A_1105, %get3A_1106] {strides = array<i32>} : memref<32x16xf32, #tpu.memory_space<vmem>>, vector<16xf32>,
      %mul3A_1108 = arith.mulf %get3A_1107, %div3A_1093 : vector<16xf32>
      %swap3A_1109 = arith.constant 1 : i32
      %swap3A_1110 = arith.index_cast %scan3A_33 : i32 to index
      %swap3A_1111 = arith.index_cast %swap3A_1109 : i32 to index
      %swap3A_1112 = arith.constant 0 : index
      %swap3A_1113 = tpu.vector_load %arg10[%swap3A_1110, %swap3A_1111, %swap3A_1112] {strides = array<i32>} : memref<20x32x16xf32, #tpu.memory_space<vmem>>, vector<16xf32>,
      tpu.vector_store %arg10[%swap3A_1110, %swap3A_1111, %swap3A_1112], %mul3A_1108 {strides = array<i32>} : memref<20x32x16xf32, #tpu.memory_space<vmem>>, vector<16xf32>,
      %get3A_1114 = arith.constant 2 : i32
      %get3A_1115 = arith.index_cast %get3A_1114 : i32 to index
      %get3A_1116 = arith.constant 0 : index
      %get3A_1117 = tpu.vector_load %arg11[%get3A_1115, %get3A_1116] {strides = array<i32>} : memref<32x16xf32, #tpu.memory_space<vmem>>, vector<16xf32>,
      %mul3A_1118 = arith.mulf %get3A_1117, %div3A_1093 : vector<16xf32>
      %swap3A_1119 = arith.constant 2 : i32
      %swap3A_1120 = arith.index_cast %scan3A_33 : i32 to index
      %swap3A_1121 = arith.index_cast %swap3A_1119 : i32 to index
      %swap3A_1122 = arith.constant 0 : index
      %swap3A_1123 = tpu.vector_load %arg10[%swap3A_1120, %swap3A_1121, %swap3A_1122] {strides = array<i32>} : memref<20x32x16xf32, #tpu.memory_space<vmem>>, vector<16xf32>,
      tpu.vector_store %arg10[%swap3A_1120, %swap3A_1121, %swap3A_1122], %mul3A_1118 {strides = array<i32>} : memref<20x32x16xf32, #tpu.memory_space<vmem>>, vector<16xf32>,
      %get3A_1124 = arith.constant 3 : i32
      %get3A_1125 = arith.index_cast %get3A_1124 : i32 to index
      %get3A_1126 = arith.constant 0 : index
      %get3A_1127 = tpu.vector_load %arg11[%get3A_1125, %get3A_1126] {strides = array<i32>} : memref<32x16xf32, #tpu.memory_space<vmem>>, vector<16xf32>,
      %mul3A_1128 = arith.mulf %get3A_1127, %div3A_1093 : vector<16xf32>
      %swap3A_1129 = arith.constant 3 : i32
      %swap3A_1130 = arith.index_cast %scan3A_33 : i32 to index
      %swap3A_1131 = arith.index_cast %swap3A_1129 : i32 to index
      %swap3A_1132 = arith.constant 0 : index
      %swap3A_1133 = tpu.vector_load %arg10[%swap3A_1130, %swap3A_1131, %swap3A_1132] {strides = array<i32>} : memref<20x32x16xf32, #tpu.memory_space<vmem>>, vector<16xf32>,
      tpu.vector_store %arg10[%swap3A_1130, %swap3A_1131, %swap3A_1132], %mul3A_1128 {strides = array<i32>} : memref<20x32x16xf32, #tpu.memory_space<vmem>>, vector<16xf32>,
      %get3A_1134 = arith.constant 4 : i32
      %get3A_1135 = arith.index_cast %get3A_1134 : i32 to index
      %get3A_1136 = arith.constant 0 : index
      %get3A_1137 = tpu.vector_load %arg11[%get3A_1135, %get3A_1136] {strides = array<i32>} : memref<32x16xf32, #tpu.memory_space<vmem>>, vector<16xf32>,
      %mul3A_1138 = arith.mulf %get3A_1137, %div3A_1093 : vector<16xf32>
      %swap3A_1139 = arith.constant 4 : i32
      %swap3A_1140 = arith.index_cast %scan3A_33 : i32 to index
      %swap3A_1141 = arith.index_cast %swap3A_1139 : i32 to index
      %swap3A_1142 = arith.constant 0 : index
      %swap3A_1143 = tpu.vector_load %arg10[%swap3A_1140, %swap3A_1141, %swap3A_1142] {strides = array<i32>} : memref<20x32x16xf32, #tpu.memory_space<vmem>>, vector<16xf32>,
      tpu.vector_store %arg10[%swap3A_1140, %swap3A_1141, %swap3A_1142], %mul3A_1138 {strides = array<i32>} : memref<20x32x16xf32, #tpu.memory_space<vmem>>, vector<16xf32>,
      %get3A_1144 = arith.constant 5 : i32
      %get3A_1145 = arith.index_cast %get3A_1144 : i32 to index
      %get3A_1146 = arith.constant 0 : index
      %get3A_1147 = tpu.vector_load %arg11[%get3A_1145, %get3A_1146] {strides = array<i32>} : memref<32x16xf32, #tpu.memory_space<vmem>>, vector<16xf32>,
      %mul3A_1148 = arith.mulf %get3A_1147, %div3A_1093 : vector<16xf32>
      %swap3A_1149 = arith.constant 5 : i32
      %swap3A_1150 = arith.index_cast %scan3A_33 : i32 to index
      %swap3A_1151 = arith.index_cast %swap3A_1149 : i32 to index
      %swap3A_1152 = arith.constant 0 : index
      %swap3A_1153 = tpu.vector_load %arg10[%swap3A_1150, %swap3A_1151, %swap3A_1152] {strides = array<i32>} : memref<20x32x16xf32, #tpu.memory_space<vmem>>, vector<16xf32>,
      tpu.vector_store %arg10[%swap3A_1150, %swap3A_1151, %swap3A_1152], %mul3A_1148 {strides = array<i32>} : memref<20x32x16xf32, #tpu.memory_space<vmem>>, vector<16xf32>,
      %get3A_1154 = arith.constant 6 : i32
      %get3A_1155 = arith.index_cast %get3A_1154 : i32 to index
      %get3A_1156 = arith.constant 0 : index
      %get3A_1157 = tpu.vector_load %arg11[%get3A_1155, %get3A_1156] {strides = array<i32>} : memref<32x16xf32, #tpu.memory_space<vmem>>, vector<16xf32>,
      %mul3A_1158 = arith.mulf %get3A_1157, %div3A_1093 : vector<16xf32>
      %swap3A_1159 = arith.constant 6 : i32
      %swap3A_1160 = arith.index_cast %scan3A_33 : i32 to index
      %swap3A_1161 = arith.index_cast %swap3A_1159 : i32 to index
      %swap3A_1162 = arith.constant 0 : index
      %swap3A_1163 = tpu.vector_load %arg10[%swap3A_1160, %swap3A_1161, %swap3A_1162] {strides = array<i32>} : memref<20x32x16xf32, #tpu.memory_space<vmem>>, vector<16xf32>,
      tpu.vector_store %arg10[%swap3A_1160, %swap3A_1161, %swap3A_1162], %mul3A_1158 {strides = array<i32>} : memref<20x32x16xf32, #tpu.memory_space<vmem>>, vector<16xf32>,
      %get3A_1164 = arith.constant 7 : i32
      %get3A_1165 = arith.index_cast %get3A_1164 : i32 to index
      %get3A_1166 = arith.constant 0 : index
      %get3A_1167 = tpu.vector_load %arg11[%get3A_1165, %get3A_1166] {strides = array<i32>} : memref<32x16xf32, #tpu.memory_space<vmem>>, vector<16xf32>,
      %mul3A_1168 = arith.mulf %get3A_1167, %div3A_1093 : vector<16xf32>
      %swap3A_1169 = arith.constant 7 : i32
      %swap3A_1170 = arith.index_cast %scan3A_33 : i32 to index
      %swap3A_1171 = arith.index_cast %swap3A_1169 : i32 to index
      %swap3A_1172 = arith.constant 0 : index
      %swap3A_1173 = tpu.vector_load %arg10[%swap3A_1170, %swap3A_1171, %swap3A_1172] {strides = array<i32>} : memref<20x32x16xf32, #tpu.memory_space<vmem>>, vector<16xf32>,
      tpu.vector_store %arg10[%swap3A_1170, %swap3A_1171, %swap3A_1172], %mul3A_1168 {strides = array<i32>} : memref<20x32x16xf32, #tpu.memory_space<vmem>>, vector<16xf32>,
      %get3A_1174 = arith.constant 8 : i32
      %get3A_1175 = arith.index_cast %get3A_1174 : i32 to index
      %get3A_1176 = arith.constant 0 : index
      %get3A_1177 = tpu.vector_load %arg11[%get3A_1175, %get3A_1176] {strides = array<i32>} : memref<32x16xf32, #tpu.memory_space<vmem>>, vector<16xf32>,
      %mul3A_1178 = arith.mulf %get3A_1177, %div3A_1093 : vector<16xf32>
      %swap3A_1179 = arith.constant 8 : i32
      %swap3A_1180 = arith.index_cast %scan3A_33 : i32 to index
      %swap3A_1181 = arith.index_cast %swap3A_1179 : i32 to index
      %swap3A_1182 = arith.constant 0 : index
      %swap3A_1183 = tpu.vector_load %arg10[%swap3A_1180, %swap3A_1181, %swap3A_1182] {strides = array<i32>} : memref<20x32x16xf32, #tpu.memory_space<vmem>>, vector<16xf32>,
      tpu.vector_store %arg10[%swap3A_1180, %swap3A_1181, %swap3A_1182], %mul3A_1178 {strides = array<i32>} : memref<20x32x16xf32, #tpu.memory_space<vmem>>, vector<16xf32>,
      %get3A_1184 = arith.constant 9 : i32
      %get3A_1185 = arith.index_cast %get3A_1184 : i32 to index
      %get3A_1186 = arith.constant 0 : index
      %get3A_1187 = tpu.vector_load %arg11[%get3A_1185, %get3A_1186] {strides = array<i32>} : memref<32x16xf32, #tpu.memory_space<vmem>>, vector<16xf32>,
      %mul3A_1188 = arith.mulf %get3A_1187, %div3A_1093 : vector<16xf32>
      %swap3A_1189 = arith.constant 9 : i32
      %swap3A_1190 = arith.index_cast %scan3A_33 : i32 to index
      %swap3A_1191 = arith.index_cast %swap3A_1189 : i32 to index
      %swap3A_1192 = arith.constant 0 : index
      %swap3A_1193 = tpu.vector_load %arg10[%swap3A_1190, %swap3A_1191, %swap3A_1192] {strides = array<i32>} : memref<20x32x16xf32, #tpu.memory_space<vmem>>, vector<16xf32>,
      tpu.vector_store %arg10[%swap3A_1190, %swap3A_1191, %swap3A_1192], %mul3A_1188 {strides = array<i32>} : memref<20x32x16xf32, #tpu.memory_space<vmem>>, vector<16xf32>,
      %get3A_1194 = arith.constant 10 : i32
      %get3A_1195 = arith.index_cast %get3A_1194 : i32 to index
      %get3A_1196 = arith.constant 0 : index
      %get3A_1197 = tpu.vector_load %arg11[%get3A_1195, %get3A_1196] {strides = array<i32>} : memref<32x16xf32, #tpu.memory_space<vmem>>, vector<16xf32>,
      %mul3A_1198 = arith.mulf %get3A_1197, %div3A_1093 : vector<16xf32>
      %swap3A_1199 = arith.constant 10 : i32
      %swap3A_1200 = arith.index_cast %scan3A_33 : i32 to index
      %swap3A_1201 = arith.index_cast %swap3A_1199 : i32 to index
      %swap3A_1202 = arith.constant 0 : index
      %swap3A_1203 = tpu.vector_load %arg10[%swap3A_1200, %swap3A_1201, %swap3A_1202] {strides = array<i32>} : memref<20x32x16xf32, #tpu.memory_space<vmem>>, vector<16xf32>,
      tpu.vector_store %arg10[%swap3A_1200, %swap3A_1201, %swap3A_1202], %mul3A_1198 {strides = array<i32>} : memref<20x32x16xf32, #tpu.memory_space<vmem>>, vector<16xf32>,
      %get3A_1204 = arith.constant 11 : i32
      %get3A_1205 = arith.index_cast %get3A_1204 : i32 to index
      %get3A_1206 = arith.constant 0 : index
      %get3A_1207 = tpu.vector_load %arg11[%get3A_1205, %get3A_1206] {strides = array<i32>} : memref<32x16xf32, #tpu.memory_space<vmem>>, vector<16xf32>,
      %mul3A_1208 = arith.mulf %get3A_1207, %div3A_1093 : vector<16xf32>
      %swap3A_1209 = arith.constant 11 : i32
      %swap3A_1210 = arith.index_cast %scan3A_33 : i32 to index
      %swap3A_1211 = arith.index_cast %swap3A_1209 : i32 to index
      %swap3A_1212 = arith.constant 0 : index
      %swap3A_1213 = tpu.vector_load %arg10[%swap3A_1210, %swap3A_1211, %swap3A_1212] {strides = array<i32>} : memref<20x32x16xf32, #tpu.memory_space<vmem>>, vector<16xf32>,
      tpu.vector_store %arg10[%swap3A_1210, %swap3A_1211, %swap3A_1212], %mul3A_1208 {strides = array<i32>} : memref<20x32x16xf32, #tpu.memory_space<vmem>>, vector<16xf32>,
      %get3A_1214 = arith.constant 12 : i32
      %get3A_1215 = arith.index_cast %get3A_1214 : i32 to index
      %get3A_1216 = arith.constant 0 : index
      %get3A_1217 = tpu.vector_load %arg11[%get3A_1215, %get3A_1216] {strides = array<i32>} : memref<32x16xf32, #tpu.memory_space<vmem>>, vector<16xf32>,
      %mul3A_1218 = arith.mulf %get3A_1217, %div3A_1093 : vector<16xf32>
      %swap3A_1219 = arith.constant 12 : i32
      %swap3A_1220 = arith.index_cast %scan3A_33 : i32 to index
      %swap3A_1221 = arith.index_cast %swap3A_1219 : i32 to index
      %swap3A_1222 = arith.constant 0 : index
      %swap3A_1223 = tpu.vector_load %arg10[%swap3A_1220, %swap3A_1221, %swap3A_1222] {strides = array<i32>} : memref<20x32x16xf32, #tpu.memory_space<vmem>>, vector<16xf32>,
      tpu.vector_store %arg10[%swap3A_1220, %swap3A_1221, %swap3A_1222], %mul3A_1218 {strides = array<i32>} : memref<20x32x16xf32, #tpu.memory_space<vmem>>, vector<16xf32>,
      %get3A_1224 = arith.constant 13 : i32
      %get3A_1225 = arith.index_cast %get3A_1224 : i32 to index
      %get3A_1226 = arith.constant 0 : index
      %get3A_1227 = tpu.vector_load %arg11[%get3A_1225, %get3A_1226] {strides = array<i32>} : memref<32x16xf32, #tpu.memory_space<vmem>>, vector<16xf32>,
      %mul3A_1228 = arith.mulf %get3A_1227, %div3A_1093 : vector<16xf32>
      %swap3A_1229 = arith.constant 13 : i32
      %swap3A_1230 = arith.index_cast %scan3A_33 : i32 to index
      %swap3A_1231 = arith.index_cast %swap3A_1229 : i32 to index
      %swap3A_1232 = arith.constant 0 : index
      %swap3A_1233 = tpu.vector_load %arg10[%swap3A_1230, %swap3A_1231, %swap3A_1232] {strides = array<i32>} : memref<20x32x16xf32, #tpu.memory_space<vmem>>, vector<16xf32>,
      tpu.vector_store %arg10[%swap3A_1230, %swap3A_1231, %swap3A_1232], %mul3A_1228 {strides = array<i32>} : memref<20x32x16xf32, #tpu.memory_space<vmem>>, vector<16xf32>,
      %get3A_1234 = arith.constant 14 : i32
      %get3A_1235 = arith.index_cast %get3A_1234 : i32 to index
      %get3A_1236 = arith.constant 0 : index
      %get3A_1237 = tpu.vector_load %arg11[%get3A_1235, %get3A_1236] {strides = array<i32>} : memref<32x16xf32, #tpu.memory_space<vmem>>, vector<16xf32>,
      %mul3A_1238 = arith.mulf %get3A_1237, %div3A_1093 : vector<16xf32>
      %swap3A_1239 = arith.constant 14 : i32
      %swap3A_1240 = arith.index_cast %scan3A_33 : i32 to index
      %swap3A_1241 = arith.index_cast %swap3A_1239 : i32 to index
      %swap3A_1242 = arith.constant 0 : index
      %swap3A_1243 = tpu.vector_load %arg10[%swap3A_1240, %swap3A_1241, %swap3A_1242] {strides = array<i32>} : memref<20x32x16xf32, #tpu.memory_space<vmem>>, vector<16xf32>,
      tpu.vector_store %arg10[%swap3A_1240, %swap3A_1241, %swap3A_1242], %mul3A_1238 {strides = array<i32>} : memref<20x32x16xf32, #tpu.memory_space<vmem>>, vector<16xf32>,
      %get3A_1244 = arith.constant 15 : i32
      %get3A_1245 = arith.index_cast %get3A_1244 : i32 to index
      %get3A_1246 = arith.constant 0 : index
      %get3A_1247 = tpu.vector_load %arg11[%get3A_1245, %get3A_1246] {strides = array<i32>} : memref<32x16xf32, #tpu.memory_space<vmem>>, vector<16xf32>,
      %mul3A_1248 = arith.mulf %get3A_1247, %div3A_1093 : vector<16xf32>
      %swap3A_1249 = arith.constant 15 : i32
      %swap3A_1250 = arith.index_cast %scan3A_33 : i32 to index
      %swap3A_1251 = arith.index_cast %swap3A_1249 : i32 to index
      %swap3A_1252 = arith.constant 0 : index
      %swap3A_1253 = tpu.vector_load %arg10[%swap3A_1250, %swap3A_1251, %swap3A_1252] {strides = array<i32>} : memref<20x32x16xf32, #tpu.memory_space<vmem>>, vector<16xf32>,
      tpu.vector_store %arg10[%swap3A_1250, %swap3A_1251, %swap3A_1252], %mul3A_1248 {strides = array<i32>} : memref<20x32x16xf32, #tpu.memory_space<vmem>>, vector<16xf32>,
      %get3A_1254 = arith.constant 16 : i32
      %get3A_1255 = arith.index_cast %get3A_1254 : i32 to index
      %get3A_1256 = arith.constant 0 : index
      %get3A_1257 = tpu.vector_load %arg11[%get3A_1255, %get3A_1256] {strides = array<i32>} : memref<32x16xf32, #tpu.memory_space<vmem>>, vector<16xf32>,
      %mul3A_1258 = arith.mulf %get3A_1257, %div3A_1093 : vector<16xf32>
      %swap3A_1259 = arith.constant 16 : i32
      %swap3A_1260 = arith.index_cast %scan3A_33 : i32 to index
      %swap3A_1261 = arith.index_cast %swap3A_1259 : i32 to index
      %swap3A_1262 = arith.constant 0 : index
      %swap3A_1263 = tpu.vector_load %arg10[%swap3A_1260, %swap3A_1261, %swap3A_1262] {strides = array<i32>} : memref<20x32x16xf32, #tpu.memory_space<vmem>>, vector<16xf32>,
      tpu.vector_store %arg10[%swap3A_1260, %swap3A_1261, %swap3A_1262], %mul3A_1258 {strides = array<i32>} : memref<20x32x16xf32, #tpu.memory_space<vmem>>, vector<16xf32>,
      %get3A_1264 = arith.constant 17 : i32
      %get3A_1265 = arith.index_cast %get3A_1264 : i32 to index
      %get3A_1266 = arith.constant 0 : index
      %get3A_1267 = tpu.vector_load %arg11[%get3A_1265, %get3A_1266] {strides = array<i32>} : memref<32x16xf32, #tpu.memory_space<vmem>>, vector<16xf32>,
      %mul3A_1268 = arith.mulf %get3A_1267, %div3A_1093 : vector<16xf32>
      %swap3A_1269 = arith.constant 17 : i32
      %swap3A_1270 = arith.index_cast %scan3A_33 : i32 to index
      %swap3A_1271 = arith.index_cast %swap3A_1269 : i32 to index
      %swap3A_1272 = arith.constant 0 : index
      %swap3A_1273 = tpu.vector_load %arg10[%swap3A_1270, %swap3A_1271, %swap3A_1272] {strides = array<i32>} : memref<20x32x16xf32, #tpu.memory_space<vmem>>, vector<16xf32>,
      tpu.vector_store %arg10[%swap3A_1270, %swap3A_1271, %swap3A_1272], %mul3A_1268 {strides = array<i32>} : memref<20x32x16xf32, #tpu.memory_space<vmem>>, vector<16xf32>,
      %get3A_1274 = arith.constant 18 : i32
      %get3A_1275 = arith.index_cast %get3A_1274 : i32 to index
      %get3A_1276 = arith.constant 0 : index
      %get3A_1277 = tpu.vector_load %arg11[%get3A_1275, %get3A_1276] {strides = array<i32>} : memref<32x16xf32, #tpu.memory_space<vmem>>, vector<16xf32>,
      %mul3A_1278 = arith.mulf %get3A_1277, %div3A_1093 : vector<16xf32>
      %swap3A_1279 = arith.constant 18 : i32
      %swap3A_1280 = arith.index_cast %scan3A_33 : i32 to index
      %swap3A_1281 = arith.index_cast %swap3A_1279 : i32 to index
      %swap3A_1282 = arith.constant 0 : index
      %swap3A_1283 = tpu.vector_load %arg10[%swap3A_1280, %swap3A_1281, %swap3A_1282] {strides = array<i32>} : memref<20x32x16xf32, #tpu.memory_space<vmem>>, vector<16xf32>,
      tpu.vector_store %arg10[%swap3A_1280, %swap3A_1281, %swap3A_1282], %mul3A_1278 {strides = array<i32>} : memref<20x32x16xf32, #tpu.memory_space<vmem>>, vector<16xf32>,
      %get3A_1284 = arith.constant 19 : i32
      %get3A_1285 = arith.index_cast %get3A_1284 : i32 to index
      %get3A_1286 = arith.constant 0 : index
      %get3A_1287 = tpu.vector_load %arg11[%get3A_1285, %get3A_1286] {strides = array<i32>} : memref<32x16xf32, #tpu.memory_space<vmem>>, vector<16xf32>,
      %mul3A_1288 = arith.mulf %get3A_1287, %div3A_1093 : vector<16xf32>
      %swap3A_1289 = arith.constant 19 : i32
      %swap3A_1290 = arith.index_cast %scan3A_33 : i32 to index
      %swap3A_1291 = arith.index_cast %swap3A_1289 : i32 to index
      %swap3A_1292 = arith.constant 0 : index
      %swap3A_1293 = tpu.vector_load %arg10[%swap3A_1290, %swap3A_1291, %swap3A_1292] {strides = array<i32>} : memref<20x32x16xf32, #tpu.memory_space<vmem>>, vector<16xf32>,
      tpu.vector_store %arg10[%swap3A_1290, %swap3A_1291, %swap3A_1292], %mul3A_1288 {strides = array<i32>} : memref<20x32x16xf32, #tpu.memory_space<vmem>>, vector<16xf32>,
      %get3A_1294 = arith.constant 20 : i32
      %get3A_1295 = arith.index_cast %get3A_1294 : i32 to index
      %get3A_1296 = arith.constant 0 : index
      %get3A_1297 = tpu.vector_load %arg11[%get3A_1295, %get3A_1296] {strides = array<i32>} : memref<32x16xf32, #tpu.memory_space<vmem>>, vector<16xf32>,
      %mul3A_1298 = arith.mulf %get3A_1297, %div3A_1093 : vector<16xf32>
      %swap3A_1299 = arith.constant 20 : i32
      %swap3A_1300 = arith.index_cast %scan3A_33 : i32 to index
      %swap3A_1301 = arith.index_cast %swap3A_1299 : i32 to index
      %swap3A_1302 = arith.constant 0 : index
      %swap3A_1303 = tpu.vector_load %arg10[%swap3A_1300, %swap3A_1301, %swap3A_1302] {strides = array<i32>} : memref<20x32x16xf32, #tpu.memory_space<vmem>>, vector<16xf32>,
      tpu.vector_store %arg10[%swap3A_1300, %swap3A_1301, %swap3A_1302], %mul3A_1298 {strides = array<i32>} : memref<20x32x16xf32, #tpu.memory_space<vmem>>, vector<16xf32>,
      %get3A_1304 = arith.constant 21 : i32
      %get3A_1305 = arith.index_cast %get3A_1304 : i32 to index
      %get3A_1306 = arith.constant 0 : index
      %get3A_1307 = tpu.vector_load %arg11[%get3A_1305, %get3A_1306] {strides = array<i32>} : memref<32x16xf32, #tpu.memory_space<vmem>>, vector<16xf32>,
      %mul3A_1308 = arith.mulf %get3A_1307, %div3A_1093 : vector<16xf32>
      %swap3A_1309 = arith.constant 21 : i32
      %swap3A_1310 = arith.index_cast %scan3A_33 : i32 to index
      %swap3A_1311 = arith.index_cast %swap3A_1309 : i32 to index
      %swap3A_1312 = arith.constant 0 : index
      %swap3A_1313 = tpu.vector_load %arg10[%swap3A_1310, %swap3A_1311, %swap3A_1312] {strides = array<i32>} : memref<20x32x16xf32, #tpu.memory_space<vmem>>, vector<16xf32>,
      tpu.vector_store %arg10[%swap3A_1310, %swap3A_1311, %swap3A_1312], %mul3A_1308 {strides = array<i32>} : memref<20x32x16xf32, #tpu.memory_space<vmem>>, vector<16xf32>,
      %get3A_1314 = arith.constant 22 : i32
      %get3A_1315 = arith.index_cast %get3A_1314 : i32 to index
      %get3A_1316 = arith.constant 0 : index
      %get3A_1317 = tpu.vector_load %arg11[%get3A_1315, %get3A_1316] {strides = array<i32>} : memref<32x16xf32, #tpu.memory_space<vmem>>, vector<16xf32>,
      %mul3A_1318 = arith.mulf %get3A_1317, %div3A_1093 : vector<16xf32>
      %swap3A_1319 = arith.constant 22 : i32
      %swap3A_1320 = arith.index_cast %scan3A_33 : i32 to index
      %swap3A_1321 = arith.index_cast %swap3A_1319 : i32 to index
      %swap3A_1322 = arith.constant 0 : index
      %swap3A_1323 = tpu.vector_load %arg10[%swap3A_1320, %swap3A_1321, %swap3A_1322] {strides = array<i32>} : memref<20x32x16xf32, #tpu.memory_space<vmem>>, vector<16xf32>,
      tpu.vector_store %arg10[%swap3A_1320, %swap3A_1321, %swap3A_1322], %mul3A_1318 {strides = array<i32>} : memref<20x32x16xf32, #tpu.memory_space<vmem>>, vector<16xf32>,
      %get3A_1324 = arith.constant 23 : i32
      %get3A_1325 = arith.index_cast %get3A_1324 : i32 to index
      %get3A_1326 = arith.constant 0 : index
      %get3A_1327 = tpu.vector_load %arg11[%get3A_1325, %get3A_1326] {strides = array<i32>} : memref<32x16xf32, #tpu.memory_space<vmem>>, vector<16xf32>,
      %mul3A_1328 = arith.mulf %get3A_1327, %div3A_1093 : vector<16xf32>
      %swap3A_1329 = arith.constant 23 : i32
      %swap3A_1330 = arith.index_cast %scan3A_33 : i32 to index
      %swap3A_1331 = arith.index_cast %swap3A_1329 : i32 to index
      %swap3A_1332 = arith.constant 0 : index
      %swap3A_1333 = tpu.vector_load %arg10[%swap3A_1330, %swap3A_1331, %swap3A_1332] {strides = array<i32>} : memref<20x32x16xf32, #tpu.memory_space<vmem>>, vector<16xf32>,
      tpu.vector_store %arg10[%swap3A_1330, %swap3A_1331, %swap3A_1332], %mul3A_1328 {strides = array<i32>} : memref<20x32x16xf32, #tpu.memory_space<vmem>>, vector<16xf32>,
      %get3A_1334 = arith.constant 24 : i32
      %get3A_1335 = arith.index_cast %get3A_1334 : i32 to index
      %get3A_1336 = arith.constant 0 : index
      %get3A_1337 = tpu.vector_load %arg11[%get3A_1335, %get3A_1336] {strides = array<i32>} : memref<32x16xf32, #tpu.memory_space<vmem>>, vector<16xf32>,
      %mul3A_1338 = arith.mulf %get3A_1337, %div3A_1093 : vector<16xf32>
      %swap3A_1339 = arith.constant 24 : i32
      %swap3A_1340 = arith.index_cast %scan3A_33 : i32 to index
      %swap3A_1341 = arith.index_cast %swap3A_1339 : i32 to index
      %swap3A_1342 = arith.constant 0 : index
      %swap3A_1343 = tpu.vector_load %arg10[%swap3A_1340, %swap3A_1341, %swap3A_1342] {strides = array<i32>} : memref<20x32x16xf32, #tpu.memory_space<vmem>>, vector<16xf32>,
      tpu.vector_store %arg10[%swap3A_1340, %swap3A_1341, %swap3A_1342], %mul3A_1338 {strides = array<i32>} : memref<20x32x16xf32, #tpu.memory_space<vmem>>, vector<16xf32>,
      %get3A_1344 = arith.constant 25 : i32
      %get3A_1345 = arith.index_cast %get3A_1344 : i32 to index
      %get3A_1346 = arith.constant 0 : index
      %get3A_1347 = tpu.vector_load %arg11[%get3A_1345, %get3A_1346] {strides = array<i32>} : memref<32x16xf32, #tpu.memory_space<vmem>>, vector<16xf32>,
      %mul3A_1348 = arith.mulf %get3A_1347, %div3A_1093 : vector<16xf32>
      %swap3A_1349 = arith.constant 25 : i32
      %swap3A_1350 = arith.index_cast %scan3A_33 : i32 to index
      %swap3A_1351 = arith.index_cast %swap3A_1349 : i32 to index
      %swap3A_1352 = arith.constant 0 : index
      %swap3A_1353 = tpu.vector_load %arg10[%swap3A_1350, %swap3A_1351, %swap3A_1352] {strides = array<i32>} : memref<20x32x16xf32, #tpu.memory_space<vmem>>, vector<16xf32>,
      tpu.vector_store %arg10[%swap3A_1350, %swap3A_1351, %swap3A_1352], %mul3A_1348 {strides = array<i32>} : memref<20x32x16xf32, #tpu.memory_space<vmem>>, vector<16xf32>,
      %get3A_1354 = arith.constant 26 : i32
      %get3A_1355 = arith.index_cast %get3A_1354 : i32 to index
      %get3A_1356 = arith.constant 0 : index
      %get3A_1357 = tpu.vector_load %arg11[%get3A_1355, %get3A_1356] {strides = array<i32>} : memref<32x16xf32, #tpu.memory_space<vmem>>, vector<16xf32>,
      %mul3A_1358 = arith.mulf %get3A_1357, %div3A_1093 : vector<16xf32>
      %swap3A_1359 = arith.constant 26 : i32
      %swap3A_1360 = arith.index_cast %scan3A_33 : i32 to index
      %swap3A_1361 = arith.index_cast %swap3A_1359 : i32 to index
      %swap3A_1362 = arith.constant 0 : index
      %swap3A_1363 = tpu.vector_load %arg10[%swap3A_1360, %swap3A_1361, %swap3A_1362] {strides = array<i32>} : memref<20x32x16xf32, #tpu.memory_space<vmem>>, vector<16xf32>,
      tpu.vector_store %arg10[%swap3A_1360, %swap3A_1361, %swap3A_1362], %mul3A_1358 {strides = array<i32>} : memref<20x32x16xf32, #tpu.memory_space<vmem>>, vector<16xf32>,
      %get3A_1364 = arith.constant 27 : i32
      %get3A_1365 = arith.index_cast %get3A_1364 : i32 to index
      %get3A_1366 = arith.constant 0 : index
      %get3A_1367 = tpu.vector_load %arg11[%get3A_1365, %get3A_1366] {strides = array<i32>} : memref<32x16xf32, #tpu.memory_space<vmem>>, vector<16xf32>,
      %mul3A_1368 = arith.mulf %get3A_1367, %div3A_1093 : vector<16xf32>
      %swap3A_1369 = arith.constant 27 : i32
      %swap3A_1370 = arith.index_cast %scan3A_33 : i32 to index
      %swap3A_1371 = arith.index_cast %swap3A_1369 : i32 to index
      %swap3A_1372 = arith.constant 0 : index
      %swap3A_1373 = tpu.vector_load %arg10[%swap3A_1370, %swap3A_1371, %swap3A_1372] {strides = array<i32>} : memref<20x32x16xf32, #tpu.memory_space<vmem>>, vector<16xf32>,
      tpu.vector_store %arg10[%swap3A_1370, %swap3A_1371, %swap3A_1372], %mul3A_1368 {strides = array<i32>} : memref<20x32x16xf32, #tpu.memory_space<vmem>>, vector<16xf32>,
      %get3A_1374 = arith.constant 28 : i32
      %get3A_1375 = arith.index_cast %get3A_1374 : i32 to index
      %get3A_1376 = arith.constant 0 : index
      %get3A_1377 = tpu.vector_load %arg11[%get3A_1375, %get3A_1376] {strides = array<i32>} : memref<32x16xf32, #tpu.memory_space<vmem>>, vector<16xf32>,
      %mul3A_1378 = arith.mulf %get3A_1377, %div3A_1093 : vector<16xf32>
      %swap3A_1379 = arith.constant 28 : i32
      %swap3A_1380 = arith.index_cast %scan3A_33 : i32 to index
      %swap3A_1381 = arith.index_cast %swap3A_1379 : i32 to index
      %swap3A_1382 = arith.constant 0 : index
      %swap3A_1383 = tpu.vector_load %arg10[%swap3A_1380, %swap3A_1381, %swap3A_1382] {strides = array<i32>} : memref<20x32x16xf32, #tpu.memory_space<vmem>>, vector<16xf32>,
      tpu.vector_store %arg10[%swap3A_1380, %swap3A_1381, %swap3A_1382], %mul3A_1378 {strides = array<i32>} : memref<20x32x16xf32, #tpu.memory_space<vmem>>, vector<16xf32>,
      %get3A_1384 = arith.constant 29 : i32
      %get3A_1385 = arith.index_cast %get3A_1384 : i32 to index
      %get3A_1386 = arith.constant 0 : index
      %get3A_1387 = tpu.vector_load %arg11[%get3A_1385, %get3A_1386] {strides = array<i32>} : memref<32x16xf32, #tpu.memory_space<vmem>>, vector<16xf32>,
      %mul3A_1388 = arith.mulf %get3A_1387, %div3A_1093 : vector<16xf32>
      %swap3A_1389 = arith.constant 29 : i32
      %swap3A_1390 = arith.index_cast %scan3A_33 : i32 to index
      %swap3A_1391 = arith.index_cast %swap3A_1389 : i32 to index
      %swap3A_1392 = arith.constant 0 : index
      %swap3A_1393 = tpu.vector_load %arg10[%swap3A_1390, %swap3A_1391, %swap3A_1392] {strides = array<i32>} : memref<20x32x16xf32, #tpu.memory_space<vmem>>, vector<16xf32>,
      tpu.vector_store %arg10[%swap3A_1390, %swap3A_1391, %swap3A_1392], %mul3A_1388 {strides = array<i32>} : memref<20x32x16xf32, #tpu.memory_space<vmem>>, vector<16xf32>,
      %get3A_1394 = arith.constant 30 : i32
      %get3A_1395 = arith.index_cast %get3A_1394 : i32 to index
      %get3A_1396 = arith.constant 0 : index
      %get3A_1397 = tpu.vector_load %arg11[%get3A_1395, %get3A_1396] {strides = array<i32>} : memref<32x16xf32, #tpu.memory_space<vmem>>, vector<16xf32>,
      %mul3A_1398 = arith.mulf %get3A_1397, %div3A_1093 : vector<16xf32>
      %swap3A_1399 = arith.constant 30 : i32
      %swap3A_1400 = arith.index_cast %scan3A_33 : i32 to index
      %swap3A_1401 = arith.index_cast %swap3A_1399 : i32 to index
      %swap3A_1402 = arith.constant 0 : index
      %swap3A_1403 = tpu.vector_load %arg10[%swap3A_1400, %swap3A_1401, %swap3A_1402] {strides = array<i32>} : memref<20x32x16xf32, #tpu.memory_space<vmem>>, vector<16xf32>,
      tpu.vector_store %arg10[%swap3A_1400, %swap3A_1401, %swap3A_1402], %mul3A_1398 {strides = array<i32>} : memref<20x32x16xf32, #tpu.memory_space<vmem>>, vector<16xf32>,
      %get3A_1404 = arith.constant 31 : i32
      %get3A_1405 = arith.index_cast %get3A_1404 : i32 to index
      %get3A_1406 = arith.constant 0 : index
      %get3A_1407 = tpu.vector_load %arg11[%get3A_1405, %get3A_1406] {strides = array<i32>} : memref<32x16xf32, #tpu.memory_space<vmem>>, vector<16xf32>,
      %mul3A_1408 = arith.mulf %get3A_1407, %div3A_1093 : vector<16xf32>
      %swap3A_1409 = arith.constant 31 : i32
      %swap3A_1410 = arith.index_cast %scan3A_33 : i32 to index
      %swap3A_1411 = arith.index_cast %swap3A_1409 : i32 to index
      %swap3A_1412 = arith.constant 0 : index
      %swap3A_1413 = tpu.vector_load %arg10[%swap3A_1410, %swap3A_1411, %swap3A_1412] {strides = array<i32>} : memref<20x32x16xf32, #tpu.memory_space<vmem>>, vector<16xf32>,
      tpu.vector_store %arg10[%swap3A_1410, %swap3A_1411, %swap3A_1412], %mul3A_1408 {strides = array<i32>} : memref<20x32x16xf32, #tpu.memory_space<vmem>>, vector<16xf32>,
    }
    %scan3A_21 = arith.constant 20 : i32
    %scan3A_22 = arith.constant 0 : i32
    %scan3A_23 = arith.constant 40 : i32
    %scan3A_24 = arith.addi %scan3A_22, %scan3A_23 : i32
    %scan3A_25 = arith.constant 1 : i32
    scf.for %scan3A_33 = %scan3A_22 to %scan3A_24 step %scan3A_25  : i32 {
      %mul3A_34 = arith.constant 2 : i32
      %mul3A_35 = arith.muli %mul3A_34, %scan3A_33 : i32
      %add3A_36 = arith.constant 0 : i32
      %add3A_37 = arith.addi %mul3A_35, %add3A_36 : i32
      %dma_wait3A = arith.constant 0 : i32
      %dma_wait3A_38 = arith.constant 0 : i32
      %dma_wait3A_39 = tpu.memref_slice %arg2[%dma_wait3A, %dma_wait3A_38] : memref<10240x128xbf16, #tpu.memory_space<hbm>> -> memref<128x128xbf16, #tpu.memory_space<hbm>>
      %dma_wait3A_40 = arith.constant 0 : i32
      %dma_wait3A_41 = arith.constant 0 : i32
      %dma_wait3A_42 = tpu.memref_slice %arg2[%dma_wait3A_40, %dma_wait3A_41] : memref<10240x128xbf16, #tpu.memory_space<hbm>> -> memref<128x128xbf16, #tpu.memory_space<hbm>>
      tpu.wait_dma2 semaphore(%arg16 : memref<!tpu.dma_semaphore, #tpu.memory_space<semaphore_mem>>) src(%dma_wait3A_42 : memref<128x128xbf16, #tpu.memory_space<hbm>>) dst(%arg12 : memref<128x128xbf16, #tpu.memory_space<vmem>>)
      %scan3A_43 = arith.constant 0 : i32
      %scan3A_44 = arith.constant 4 : i32
      %scan3A_45 = arith.addi %scan3A_43, %scan3A_44 : i32
      %scan3A_46 = arith.constant 1 : i32
      scf.for %scan3A_77 = %scan3A_43 to %scan3A_45 step %scan3A_46  : i32 {
        %mul3A_78 = arith.constant 4 : i32
        %mul3A_79 = arith.muli %add3A_37, %mul3A_78 : i32
        %add3A_80 = arith.addi %mul3A_79, %scan3A_77 : i32
        %shift_right_arithmetic3A = arith.constant 4 : i32
        %shift_right_arithmetic3A_81 = arith.shrsi %add3A_80, %shift_right_arithmetic3A : i32
        %broadcast_in_dim3A = vector.broadcast %shift_right_arithmetic3A_81 : i32 to vector<16xi32>
        %and3A = arith.constant 15 : i32
        %and3A_82 = arith.andi %add3A_80, %and3A : i32
        %broadcast_in_dim3A_83 = vector.broadcast %and3A_82 : i32 to vector<16xi32>
        %broadcast_in_dim3A_84 = vector.broadcast %add3A_80 : i32 to vector<16xi32>
        %broadcast_in_dim3A_85 = arith.constant 0.000000e+00 : f32
        %broadcast_in_dim3A_86 = vector.broadcast %broadcast_in_dim3A_85 : f32 to vector<16xf32>
        %broadcast_in_dim3A_87 = arith.constant 0.000000e+00 : f32
        %broadcast_in_dim3A_88 = vector.broadcast %broadcast_in_dim3A_87 : f32 to vector<16xf32>
        %broadcast_in_dim3A_89 = arith.constant 0.000000e+00 : f32
        %broadcast_in_dim3A_90 = vector.broadcast %broadcast_in_dim3A_89 : f32 to vector<16xf32>
        %broadcast_in_dim3A_91 = arith.constant 0.000000e+00 : f32
        %broadcast_in_dim3A_92 = vector.broadcast %broadcast_in_dim3A_91 : f32 to vector<16xf32>
        %broadcast_in_dim3A_93 = arith.constant 0.000000e+00 : f32
        %broadcast_in_dim3A_94 = vector.broadcast %broadcast_in_dim3A_93 : f32 to vector<16xf32>
        %broadcast_in_dim3A_95 = arith.constant 0.000000e+00 : f32
        %broadcast_in_dim3A_96 = vector.broadcast %broadcast_in_dim3A_95 : f32 to vector<16xf32>
        %broadcast_in_dim3A_97 = arith.constant 0.000000e+00 : f32
        %broadcast_in_dim3A_98 = vector.broadcast %broadcast_in_dim3A_97 : f32 to vector<16xf32>
        %broadcast_in_dim3A_99 = arith.constant 0.000000e+00 : f32
        %broadcast_in_dim3A_100 = vector.broadcast %broadcast_in_dim3A_99 : f32 to vector<16xf32>
        %scan3A_101 = arith.constant 0 : i32
        %scan3A_102 = arith.constant 8 : i32
        %scan3A_103 = arith.addi %scan3A_101, %scan3A_102 : i32
        %scan3A_104 = arith.constant 1 : i32
        %scan3A_105:8 = scf.for %scan3A_143 = %scan3A_101 to %scan3A_103 step %scan3A_104 iter_args(%scan3A_144 = %broadcast_in_dim3A_86, %scan3A_145 = %broadcast_in_dim3A_88, %scan3A_146 = %broadcast_in_dim3A_90, %scan3A_147 = %broadcast_in_dim3A_92, %scan3A_148 = %broadcast_in_dim3A_94, %scan3A_149 = %broadcast_in_dim3A_96, %scan3A_150 = %broadcast_in_dim3A_98, %scan3A_151 = %broadcast_in_dim3A_100) -> (vector<16xf32>, vector<16xf32>, vector<16xf32>, vector<16xf32>, vector<16xf32>, vector<16xf32>, vector<16xf32>, vector<16xf32>)  : i32 {
          %mul3A_152 = arith.constant 4 : i32
          %mul3A_153 = arith.muli %scan3A_143, %mul3A_152 : i32
          %add3A_154 = arith.constant 0 : i32
          %add3A_155 = arith.addi %mul3A_153, %add3A_154 : i32
          %broadcast_in_dim3A_156 = vector.broadcast %add3A_155 : i32 to vector<16xi32>
          %gather3A = tpu.vector_load_idx %arg10[%broadcast_in_dim3A, %broadcast_in_dim3A_156, %broadcast_in_dim3A_83] : memref<20x32x16xf32, #tpu.memory_space<vmem>>[vector<16xi32>, vector<16xi32>, vector<16xi32>], vector<16xf32>,
          %mul3A_157 = arith.constant 32 : i32
          %mul3A_158 = arith.muli %scan3A_77, %mul3A_157 : i32
          %add3A_159 = arith.addi %mul3A_158, %add3A_155 : i32
          %get3A = arith.index_cast %add3A_159 : i32 to index
          %get3A_160 = arith.constant 0 : index
          %get3A_161 = tpu.vector_load %arg12[%get3A, %get3A_160] {strides = array<i32>} : memref<128x128xbf16, #tpu.memory_space<vmem>>, vector<32xbf16>,
          %unpack3A = tpu.unpack_subelements %get3A_161, 0 {pack_format = #tpu.pack_format<interleaved>} : vector<32xbf16> -> vector<16xf32>
          %unpack3A_162 = tpu.unpack_subelements %get3A_161, 1 {pack_format = #tpu.pack_format<interleaved>} : vector<32xbf16> -> vector<16xf32>
          %mul3A_163 = arith.mulf %gather3A, %unpack3A : vector<16xf32>
          %add3A_164 = arith.addf %scan3A_144, %mul3A_163 : vector<16xf32>
          %mul3A_165 = arith.mulf %gather3A, %unpack3A_162 : vector<16xf32>
          %add3A_166 = arith.addf %scan3A_145, %mul3A_165 : vector<16xf32>
          %get3A_167 = arith.index_cast %add3A_159 : i32 to index
          %get3A_168 = arith.constant 32 : index
          %get3A_169 = tpu.vector_load %arg12[%get3A_167, %get3A_168] {strides = array<i32>} : memref<128x128xbf16, #tpu.memory_space<vmem>>, vector<32xbf16>,
          %unpack3A_170 = tpu.unpack_subelements %get3A_169, 0 {pack_format = #tpu.pack_format<interleaved>} : vector<32xbf16> -> vector<16xf32>
          %unpack3A_171 = tpu.unpack_subelements %get3A_169, 1 {pack_format = #tpu.pack_format<interleaved>} : vector<32xbf16> -> vector<16xf32>
          %mul3A_172 = arith.mulf %gather3A, %unpack3A_170 : vector<16xf32>
          %add3A_173 = arith.addf %scan3A_146, %mul3A_172 : vector<16xf32>
          %mul3A_174 = arith.mulf %gather3A, %unpack3A_171 : vector<16xf32>
          %add3A_175 = arith.addf %scan3A_147, %mul3A_174 : vector<16xf32>
          %get3A_176 = arith.index_cast %add3A_159 : i32 to index
          %get3A_177 = arith.constant 64 : index
          %get3A_178 = tpu.vector_load %arg12[%get3A_176, %get3A_177] {strides = array<i32>} : memref<128x128xbf16, #tpu.memory_space<vmem>>, vector<32xbf16>,
          %unpack3A_179 = tpu.unpack_subelements %get3A_178, 0 {pack_format = #tpu.pack_format<interleaved>} : vector<32xbf16> -> vector<16xf32>
          %unpack3A_180 = tpu.unpack_subelements %get3A_178, 1 {pack_format = #tpu.pack_format<interleaved>} : vector<32xbf16> -> vector<16xf32>
          %mul3A_181 = arith.mulf %gather3A, %unpack3A_179 : vector<16xf32>
          %add3A_182 = arith.addf %scan3A_148, %mul3A_181 : vector<16xf32>
          %mul3A_183 = arith.mulf %gather3A, %unpack3A_180 : vector<16xf32>
          %add3A_184 = arith.addf %scan3A_149, %mul3A_183 : vector<16xf32>
          %get3A_185 = arith.index_cast %add3A_159 : i32 to index
          %get3A_186 = arith.constant 96 : index
          %get3A_187 = tpu.vector_load %arg12[%get3A_185, %get3A_186] {strides = array<i32>} : memref<128x128xbf16, #tpu.memory_space<vmem>>, vector<32xbf16>,
          %unpack3A_188 = tpu.unpack_subelements %get3A_187, 0 {pack_format = #tpu.pack_format<interleaved>} : vector<32xbf16> -> vector<16xf32>
          %unpack3A_189 = tpu.unpack_subelements %get3A_187, 1 {pack_format = #tpu.pack_format<interleaved>} : vector<32xbf16> -> vector<16xf32>
          %mul3A_190 = arith.mulf %gather3A, %unpack3A_188 : vector<16xf32>
          %add3A_191 = arith.addf %scan3A_150, %mul3A_190 : vector<16xf32>
          %mul3A_192 = arith.mulf %gather3A, %unpack3A_189 : vector<16xf32>
          %add3A_193 = arith.addf %scan3A_151, %mul3A_192 : vector<16xf32>
          %mul3A_194 = arith.constant 4 : i32
          %mul3A_195 = arith.muli %scan3A_143, %mul3A_194 : i32
          %add3A_196 = arith.constant 1 : i32
          %add3A_197 = arith.addi %mul3A_195, %add3A_196 : i32
          %broadcast_in_dim3A_198 = vector.broadcast %add3A_197 : i32 to vector<16xi32>
          %gather3A_199 = tpu.vector_load_idx %arg10[%broadcast_in_dim3A, %broadcast_in_dim3A_198, %broadcast_in_dim3A_83] : memref<20x32x16xf32, #tpu.memory_space<vmem>>[vector<16xi32>, vector<16xi32>, vector<16xi32>], vector<16xf32>,
          %mul3A_200 = arith.constant 32 : i32
          %mul3A_201 = arith.muli %scan3A_77, %mul3A_200 : i32
          %add3A_202 = arith.addi %mul3A_201, %add3A_197 : i32
          %get3A_203 = arith.index_cast %add3A_202 : i32 to index
          %get3A_204 = arith.constant 0 : index
          %get3A_205 = tpu.vector_load %arg12[%get3A_203, %get3A_204] {strides = array<i32>} : memref<128x128xbf16, #tpu.memory_space<vmem>>, vector<32xbf16>,
          %unpack3A_206 = tpu.unpack_subelements %get3A_205, 0 {pack_format = #tpu.pack_format<interleaved>} : vector<32xbf16> -> vector<16xf32>
          %unpack3A_207 = tpu.unpack_subelements %get3A_205, 1 {pack_format = #tpu.pack_format<interleaved>} : vector<32xbf16> -> vector<16xf32>
          %mul3A_208 = arith.mulf %gather3A_199, %unpack3A_206 : vector<16xf32>
          %add3A_209 = arith.addf %add3A_164, %mul3A_208 : vector<16xf32>
          %mul3A_210 = arith.mulf %gather3A_199, %unpack3A_207 : vector<16xf32>
          %add3A_211 = arith.addf %add3A_166, %mul3A_210 : vector<16xf32>
          %get3A_212 = arith.index_cast %add3A_202 : i32 to index
          %get3A_213 = arith.constant 32 : index
          %get3A_214 = tpu.vector_load %arg12[%get3A_212, %get3A_213] {strides = array<i32>} : memref<128x128xbf16, #tpu.memory_space<vmem>>, vector<32xbf16>,
          %unpack3A_215 = tpu.unpack_subelements %get3A_214, 0 {pack_format = #tpu.pack_format<interleaved>} : vector<32xbf16> -> vector<16xf32>
          %unpack3A_216 = tpu.unpack_subelements %get3A_214, 1 {pack_format = #tpu.pack_format<interleaved>} : vector<32xbf16> -> vector<16xf32>
          %mul3A_217 = arith.mulf %gather3A_199, %unpack3A_215 : vector<16xf32>
          %add3A_218 = arith.addf %add3A_173, %mul3A_217 : vector<16xf32>
          %mul3A_219 = arith.mulf %gather3A_199, %unpack3A_216 : vector<16xf32>
          %add3A_220 = arith.addf %add3A_175, %mul3A_219 : vector<16xf32>
          %get3A_221 = arith.index_cast %add3A_202 : i32 to index
          %get3A_222 = arith.constant 64 : index
          %get3A_223 = tpu.vector_load %arg12[%get3A_221, %get3A_222] {strides = array<i32>} : memref<128x128xbf16, #tpu.memory_space<vmem>>, vector<32xbf16>,
          %unpack3A_224 = tpu.unpack_subelements %get3A_223, 0 {pack_format = #tpu.pack_format<interleaved>} : vector<32xbf16> -> vector<16xf32>
          %unpack3A_225 = tpu.unpack_subelements %get3A_223, 1 {pack_format = #tpu.pack_format<interleaved>} : vector<32xbf16> -> vector<16xf32>
          %mul3A_226 = arith.mulf %gather3A_199, %unpack3A_224 : vector<16xf32>
          %add3A_227 = arith.addf %add3A_182, %mul3A_226 : vector<16xf32>
          %mul3A_228 = arith.mulf %gather3A_199, %unpack3A_225 : vector<16xf32>
          %add3A_229 = arith.addf %add3A_184, %mul3A_228 : vector<16xf32>
          %get3A_230 = arith.index_cast %add3A_202 : i32 to index
          %get3A_231 = arith.constant 96 : index
          %get3A_232 = tpu.vector_load %arg12[%get3A_230, %get3A_231] {strides = array<i32>} : memref<128x128xbf16, #tpu.memory_space<vmem>>, vector<32xbf16>,
          %unpack3A_233 = tpu.unpack_subelements %get3A_232, 0 {pack_format = #tpu.pack_format<interleaved>} : vector<32xbf16> -> vector<16xf32>
          %unpack3A_234 = tpu.unpack_subelements %get3A_232, 1 {pack_format = #tpu.pack_format<interleaved>} : vector<32xbf16> -> vector<16xf32>
          %mul3A_235 = arith.mulf %gather3A_199, %unpack3A_233 : vector<16xf32>
          %add3A_236 = arith.addf %add3A_191, %mul3A_235 : vector<16xf32>
          %mul3A_237 = arith.mulf %gather3A_199, %unpack3A_234 : vector<16xf32>
          %add3A_238 = arith.addf %add3A_193, %mul3A_237 : vector<16xf32>
          %mul3A_239 = arith.constant 4 : i32
          %mul3A_240 = arith.muli %scan3A_143, %mul3A_239 : i32
          %add3A_241 = arith.constant 2 : i32
          %add3A_242 = arith.addi %mul3A_240, %add3A_241 : i32
          %broadcast_in_dim3A_243 = vector.broadcast %add3A_242 : i32 to vector<16xi32>
          %gather3A_244 = tpu.vector_load_idx %arg10[%broadcast_in_dim3A, %broadcast_in_dim3A_243, %broadcast_in_dim3A_83] : memref<20x32x16xf32, #tpu.memory_space<vmem>>[vector<16xi32>, vector<16xi32>, vector<16xi32>], vector<16xf32>,
          %mul3A_245 = arith.constant 32 : i32
          %mul3A_246 = arith.muli %scan3A_77, %mul3A_245 : i32
          %add3A_247 = arith.addi %mul3A_246, %add3A_242 : i32
          %get3A_248 = arith.index_cast %add3A_247 : i32 to index
          %get3A_249 = arith.constant 0 : index
          %get3A_250 = tpu.vector_load %arg12[%get3A_248, %get3A_249] {strides = array<i32>} : memref<128x128xbf16, #tpu.memory_space<vmem>>, vector<32xbf16>,
          %unpack3A_251 = tpu.unpack_subelements %get3A_250, 0 {pack_format = #tpu.pack_format<interleaved>} : vector<32xbf16> -> vector<16xf32>
          %unpack3A_252 = tpu.unpack_subelements %get3A_250, 1 {pack_format = #tpu.pack_format<interleaved>} : vector<32xbf16> -> vector<16xf32>
          %mul3A_253 = arith.mulf %gather3A_244, %unpack3A_251 : vector<16xf32>
          %add3A_254 = arith.addf %add3A_209, %mul3A_253 : vector<16xf32>
          %mul3A_255 = arith.mulf %gather3A_244, %unpack3A_252 : vector<16xf32>
          %add3A_256 = arith.addf %add3A_211, %mul3A_255 : vector<16xf32>
          %get3A_257 = arith.index_cast %add3A_247 : i32 to index
          %get3A_258 = arith.constant 32 : index
          %get3A_259 = tpu.vector_load %arg12[%get3A_257, %get3A_258] {strides = array<i32>} : memref<128x128xbf16, #tpu.memory_space<vmem>>, vector<32xbf16>,
          %unpack3A_260 = tpu.unpack_subelements %get3A_259, 0 {pack_format = #tpu.pack_format<interleaved>} : vector<32xbf16> -> vector<16xf32>
          %unpack3A_261 = tpu.unpack_subelements %get3A_259, 1 {pack_format = #tpu.pack_format<interleaved>} : vector<32xbf16> -> vector<16xf32>
          %mul3A_262 = arith.mulf %gather3A_244, %unpack3A_260 : vector<16xf32>
          %add3A_263 = arith.addf %add3A_218, %mul3A_262 : vector<16xf32>
          %mul3A_264 = arith.mulf %gather3A_244, %unpack3A_261 : vector<16xf32>
          %add3A_265 = arith.addf %add3A_220, %mul3A_264 : vector<16xf32>
          %get3A_266 = arith.index_cast %add3A_247 : i32 to index
          %get3A_267 = arith.constant 64 : index
          %get3A_268 = tpu.vector_load %arg12[%get3A_266, %get3A_267] {strides = array<i32>} : memref<128x128xbf16, #tpu.memory_space<vmem>>, vector<32xbf16>,
          %unpack3A_269 = tpu.unpack_subelements %get3A_268, 0 {pack_format = #tpu.pack_format<interleaved>} : vector<32xbf16> -> vector<16xf32>
          %unpack3A_270 = tpu.unpack_subelements %get3A_268, 1 {pack_format = #tpu.pack_format<interleaved>} : vector<32xbf16> -> vector<16xf32>
          %mul3A_271 = arith.mulf %gather3A_244, %unpack3A_269 : vector<16xf32>
          %add3A_272 = arith.addf %add3A_227, %mul3A_271 : vector<16xf32>
          %mul3A_273 = arith.mulf %gather3A_244, %unpack3A_270 : vector<16xf32>
          %add3A_274 = arith.addf %add3A_229, %mul3A_273 : vector<16xf32>
          %get3A_275 = arith.index_cast %add3A_247 : i32 to index
          %get3A_276 = arith.constant 96 : index
          %get3A_277 = tpu.vector_load %arg12[%get3A_275, %get3A_276] {strides = array<i32>} : memref<128x128xbf16, #tpu.memory_space<vmem>>, vector<32xbf16>,
          %unpack3A_278 = tpu.unpack_subelements %get3A_277, 0 {pack_format = #tpu.pack_format<interleaved>} : vector<32xbf16> -> vector<16xf32>
          %unpack3A_279 = tpu.unpack_subelements %get3A_277, 1 {pack_format = #tpu.pack_format<interleaved>} : vector<32xbf16> -> vector<16xf32>
          %mul3A_280 = arith.mulf %gather3A_244, %unpack3A_278 : vector<16xf32>
          %add3A_281 = arith.addf %add3A_236, %mul3A_280 : vector<16xf32>
          %mul3A_282 = arith.mulf %gather3A_244, %unpack3A_279 : vector<16xf32>
          %add3A_283 = arith.addf %add3A_238, %mul3A_282 : vector<16xf32>
          %mul3A_284 = arith.constant 4 : i32
          %mul3A_285 = arith.muli %scan3A_143, %mul3A_284 : i32
          %add3A_286 = arith.constant 3 : i32
          %add3A_287 = arith.addi %mul3A_285, %add3A_286 : i32
          %broadcast_in_dim3A_288 = vector.broadcast %add3A_287 : i32 to vector<16xi32>
          %gather3A_289 = tpu.vector_load_idx %arg10[%broadcast_in_dim3A, %broadcast_in_dim3A_288, %broadcast_in_dim3A_83] : memref<20x32x16xf32, #tpu.memory_space<vmem>>[vector<16xi32>, vector<16xi32>, vector<16xi32>], vector<16xf32>,
          %mul3A_290 = arith.constant 32 : i32
          %mul3A_291 = arith.muli %scan3A_77, %mul3A_290 : i32
          %add3A_292 = arith.addi %mul3A_291, %add3A_287 : i32
          %get3A_293 = arith.index_cast %add3A_292 : i32 to index
          %get3A_294 = arith.constant 0 : index
          %get3A_295 = tpu.vector_load %arg12[%get3A_293, %get3A_294] {strides = array<i32>} : memref<128x128xbf16, #tpu.memory_space<vmem>>, vector<32xbf16>,
          %unpack3A_296 = tpu.unpack_subelements %get3A_295, 0 {pack_format = #tpu.pack_format<interleaved>} : vector<32xbf16> -> vector<16xf32>
          %unpack3A_297 = tpu.unpack_subelements %get3A_295, 1 {pack_format = #tpu.pack_format<interleaved>} : vector<32xbf16> -> vector<16xf32>
          %mul3A_298 = arith.mulf %gather3A_289, %unpack3A_296 : vector<16xf32>
          %add3A_299 = arith.addf %add3A_254, %mul3A_298 : vector<16xf32>
          %mul3A_300 = arith.mulf %gather3A_289, %unpack3A_297 : vector<16xf32>
          %add3A_301 = arith.addf %add3A_256, %mul3A_300 : vector<16xf32>
          %get3A_302 = arith.index_cast %add3A_292 : i32 to index
          %get3A_303 = arith.constant 32 : index
          %get3A_304 = tpu.vector_load %arg12[%get3A_302, %get3A_303] {strides = array<i32>} : memref<128x128xbf16, #tpu.memory_space<vmem>>, vector<32xbf16>,
          %unpack3A_305 = tpu.unpack_subelements %get3A_304, 0 {pack_format = #tpu.pack_format<interleaved>} : vector<32xbf16> -> vector<16xf32>
          %unpack3A_306 = tpu.unpack_subelements %get3A_304, 1 {pack_format = #tpu.pack_format<interleaved>} : vector<32xbf16> -> vector<16xf32>
          %mul3A_307 = arith.mulf %gather3A_289, %unpack3A_305 : vector<16xf32>
          %add3A_308 = arith.addf %add3A_263, %mul3A_307 : vector<16xf32>
          %mul3A_309 = arith.mulf %gather3A_289, %unpack3A_306 : vector<16xf32>
          %add3A_310 = arith.addf %add3A_265, %mul3A_309 : vector<16xf32>
          %get3A_311 = arith.index_cast %add3A_292 : i32 to index
          %get3A_312 = arith.constant 64 : index
          %get3A_313 = tpu.vector_load %arg12[%get3A_311, %get3A_312] {strides = array<i32>} : memref<128x128xbf16, #tpu.memory_space<vmem>>, vector<32xbf16>,
          %unpack3A_314 = tpu.unpack_subelements %get3A_313, 0 {pack_format = #tpu.pack_format<interleaved>} : vector<32xbf16> -> vector<16xf32>
          %unpack3A_315 = tpu.unpack_subelements %get3A_313, 1 {pack_format = #tpu.pack_format<interleaved>} : vector<32xbf16> -> vector<16xf32>
          %mul3A_316 = arith.mulf %gather3A_289, %unpack3A_314 : vector<16xf32>
          %add3A_317 = arith.addf %add3A_272, %mul3A_316 : vector<16xf32>
          %mul3A_318 = arith.mulf %gather3A_289, %unpack3A_315 : vector<16xf32>
          %add3A_319 = arith.addf %add3A_274, %mul3A_318 : vector<16xf32>
          %get3A_320 = arith.index_cast %add3A_292 : i32 to index
          %get3A_321 = arith.constant 96 : index
          %get3A_322 = tpu.vector_load %arg12[%get3A_320, %get3A_321] {strides = array<i32>} : memref<128x128xbf16, #tpu.memory_space<vmem>>, vector<32xbf16>,
          %unpack3A_323 = tpu.unpack_subelements %get3A_322, 0 {pack_format = #tpu.pack_format<interleaved>} : vector<32xbf16> -> vector<16xf32>
          %unpack3A_324 = tpu.unpack_subelements %get3A_322, 1 {pack_format = #tpu.pack_format<interleaved>} : vector<32xbf16> -> vector<16xf32>
          %mul3A_325 = arith.mulf %gather3A_289, %unpack3A_323 : vector<16xf32>
          %add3A_326 = arith.addf %add3A_281, %mul3A_325 : vector<16xf32>
          %mul3A_327 = arith.mulf %gather3A_289, %unpack3A_324 : vector<16xf32>
          %add3A_328 = arith.addf %add3A_283, %mul3A_327 : vector<16xf32>
          scf.yield %add3A_299, %add3A_301, %add3A_308, %add3A_310, %add3A_317, %add3A_319, %add3A_326, %add3A_328 : vector<16xf32>, vector<16xf32>, vector<16xf32>, vector<16xf32>, vector<16xf32>, vector<16xf32>, vector<16xf32>, vector<16xf32>
        }
        %scan3A_106 = arith.constant 8 : i32
        %mul3A_107 = arith.constant 2 : i32
        %mul3A_108 = vector.broadcast %mul3A_107 : i32 to vector<16xi32>
        %mul3A_109 = arith.muli %mul3A_108, %iota3A : vector<16xi32>
        %add3A_110 = arith.constant 0 : i32
        %add3A_111 = vector.broadcast %add3A_110 : i32 to vector<16xi32>
        %add3A_112 = arith.addi %add3A_111, %mul3A_109 : vector<16xi32>
        tpu.vector_store_idx %arg14[%broadcast_in_dim3A_84, %add3A_112], %scan3A_105#0 : memref<320x128xf32, #tpu.memory_space<vmem>>[vector<16xi32>, vector<16xi32>], vector<16xf32>,
        %add3A_113 = arith.constant 1 : i32
        %add3A_114 = vector.broadcast %add3A_113 : i32 to vector<16xi32>
        %add3A_115 = arith.addi %add3A_112, %add3A_114 : vector<16xi32>
        tpu.vector_store_idx %arg14[%broadcast_in_dim3A_84, %add3A_115], %scan3A_105#1 : memref<320x128xf32, #tpu.memory_space<vmem>>[vector<16xi32>, vector<16xi32>], vector<16xf32>,
        %mul3A_116 = arith.constant 2 : i32
        %mul3A_117 = vector.broadcast %mul3A_116 : i32 to vector<16xi32>
        %mul3A_118 = arith.muli %mul3A_117, %iota3A : vector<16xi32>
        %add3A_119 = arith.constant 32 : i32
        %add3A_120 = vector.broadcast %add3A_119 : i32 to vector<16xi32>
        %add3A_121 = arith.addi %add3A_120, %mul3A_118 : vector<16xi32>
        tpu.vector_store_idx %arg14[%broadcast_in_dim3A_84, %add3A_121], %scan3A_105#2 : memref<320x128xf32, #tpu.memory_space<vmem>>[vector<16xi32>, vector<16xi32>], vector<16xf32>,
        %add3A_122 = arith.constant 1 : i32
        %add3A_123 = vector.broadcast %add3A_122 : i32 to vector<16xi32>
        %add3A_124 = arith.addi %add3A_121, %add3A_123 : vector<16xi32>
        tpu.vector_store_idx %arg14[%broadcast_in_dim3A_84, %add3A_124], %scan3A_105#3 : memref<320x128xf32, #tpu.memory_space<vmem>>[vector<16xi32>, vector<16xi32>], vector<16xf32>,
        %mul3A_125 = arith.constant 2 : i32
        %mul3A_126 = vector.broadcast %mul3A_125 : i32 to vector<16xi32>
        %mul3A_127 = arith.muli %mul3A_126, %iota3A : vector<16xi32>
        %add3A_128 = arith.constant 64 : i32
        %add3A_129 = vector.broadcast %add3A_128 : i32 to vector<16xi32>
        %add3A_130 = arith.addi %add3A_129, %mul3A_127 : vector<16xi32>
        tpu.vector_store_idx %arg14[%broadcast_in_dim3A_84, %add3A_130], %scan3A_105#4 : memref<320x128xf32, #tpu.memory_space<vmem>>[vector<16xi32>, vector<16xi32>], vector<16xf32>,
        %add3A_131 = arith.constant 1 : i32
        %add3A_132 = vector.broadcast %add3A_131 : i32 to vector<16xi32>
        %add3A_133 = arith.addi %add3A_130, %add3A_132 : vector<16xi32>
        tpu.vector_store_idx %arg14[%broadcast_in_dim3A_84, %add3A_133], %scan3A_105#5 : memref<320x128xf32, #tpu.memory_space<vmem>>[vector<16xi32>, vector<16xi32>], vector<16xf32>,
        %mul3A_134 = arith.constant 2 : i32
        %mul3A_135 = vector.broadcast %mul3A_134 : i32 to vector<16xi32>
        %mul3A_136 = arith.muli %mul3A_135, %iota3A : vector<16xi32>
        %add3A_137 = arith.constant 96 : i32
        %add3A_138 = vector.broadcast %add3A_137 : i32 to vector<16xi32>
        %add3A_139 = arith.addi %add3A_138, %mul3A_136 : vector<16xi32>
        tpu.vector_store_idx %arg14[%broadcast_in_dim3A_84, %add3A_139], %scan3A_105#6 : memref<320x128xf32, #tpu.memory_space<vmem>>[vector<16xi32>, vector<16xi32>], vector<16xf32>,
        %add3A_140 = arith.constant 1 : i32
        %add3A_141 = vector.broadcast %add3A_140 : i32 to vector<16xi32>
        %add3A_142 = arith.addi %add3A_139, %add3A_141 : vector<16xi32>
        tpu.vector_store_idx %arg14[%broadcast_in_dim3A_84, %add3A_142], %scan3A_105#7 : memref<320x128xf32, #tpu.memory_space<vmem>>[vector<16xi32>, vector<16xi32>], vector<16xf32>,
      }
      %scan3A_47 = arith.constant 4 : i32
      %add3A_48 = arith.constant 2 : i32
      %add3A_49 = arith.addi %add3A_37, %add3A_48 : i32
      %lt3A_50 = arith.constant 80 : i32
      %lt3A_51 = arith.cmpi slt, %add3A_49, %lt3A_50 : i32
      %convert_element_type3A_52 = arith.extui %lt3A_51 : i1 to i32
      %cond3A_53 = arith.constant 0 : i32
      %cond3A_54 = arith.cmpi ne, %convert_element_type3A_52, %cond3A_53 : i32
      scf.if %cond3A_54 {
        %add3A_77 = arith.constant 2 : i32
        %add3A_78 = arith.addi %add3A_37, %add3A_77 : i32
        %mul3A_79 = arith.constant 4 : i32
        %mul3A_80 = arith.muli %add3A_78, %mul3A_79 : i32
        %mul3A_81 = arith.constant 32 : i32
        %mul3A_82 = arith.muli %mul3A_80, %mul3A_81 : i32
        %dma_start3A_83 = tpu.memref_slice %arg7[%mul3A_82] : memref<10240xi32, #tpu.memory_space<vmem>> -> memref<128xi32, #tpu.memory_space<vmem>>
        %dma_start3A_84 = arith.constant 0 : i32
        %dma_start3A_85 = arith.constant 0 : i32
        %dma_start3A_86 = tpu.memref_slice %arg15[%dma_start3A_84, %dma_start3A_85] : memref<10240x128xbf16, #tpu.memory_space<vmem_shared>> -> memref<10240x128xbf16, #tpu.memory_space<vmem_shared>>
        tpu.enqueue_indirect_dma source(%dma_start3A_86 : memref<10240x128xbf16, #tpu.memory_space<vmem_shared>>) target(%arg12 : memref<128x128xbf16, #tpu.memory_space<vmem>>) offsets(%dma_start3A_83 : memref<128xi32, #tpu.memory_space<vmem>>) semaphore(%arg16 : memref<!tpu.dma_semaphore, #tpu.memory_space<semaphore_mem>>)
      } else {
      }
      %mul3A_55 = arith.constant 2 : i32
      %mul3A_56 = arith.muli %mul3A_55, %scan3A_33 : i32
      %add3A_57 = arith.constant 1 : i32
      %add3A_58 = arith.addi %mul3A_56, %add3A_57 : i32
      %dma_wait3A_59 = arith.constant 0 : i32
      %dma_wait3A_60 = arith.constant 0 : i32
      %dma_wait3A_61 = tpu.memref_slice %arg2[%dma_wait3A_59, %dma_wait3A_60] : memref<10240x128xbf16, #tpu.memory_space<hbm>> -> memref<128x128xbf16, #tpu.memory_space<hbm>>
      %dma_wait3A_62 = arith.constant 0 : i32
      %dma_wait3A_63 = arith.constant 0 : i32
      %dma_wait3A_64 = tpu.memref_slice %arg2[%dma_wait3A_62, %dma_wait3A_63] : memref<10240x128xbf16, #tpu.memory_space<hbm>> -> memref<128x128xbf16, #tpu.memory_space<hbm>>
      tpu.wait_dma2 semaphore(%arg17 : memref<!tpu.dma_semaphore, #tpu.memory_space<semaphore_mem>>) src(%dma_wait3A_64 : memref<128x128xbf16, #tpu.memory_space<hbm>>) dst(%arg13 : memref<128x128xbf16, #tpu.memory_space<vmem>>)
      %scan3A_65 = arith.constant 0 : i32
      %scan3A_66 = arith.constant 4 : i32
      %scan3A_67 = arith.addi %scan3A_65, %scan3A_66 : i32
      %scan3A_68 = arith.constant 1 : i32
      scf.for %scan3A_77 = %scan3A_65 to %scan3A_67 step %scan3A_68  : i32 {
        %mul3A_78 = arith.constant 4 : i32
        %mul3A_79 = arith.muli %add3A_58, %mul3A_78 : i32
        %add3A_80 = arith.addi %mul3A_79, %scan3A_77 : i32
        %shift_right_arithmetic3A = arith.constant 4 : i32
        %shift_right_arithmetic3A_81 = arith.shrsi %add3A_80, %shift_right_arithmetic3A : i32
        %broadcast_in_dim3A = vector.broadcast %shift_right_arithmetic3A_81 : i32 to vector<16xi32>
        %and3A = arith.constant 15 : i32
        %and3A_82 = arith.andi %add3A_80, %and3A : i32
        %broadcast_in_dim3A_83 = vector.broadcast %and3A_82 : i32 to vector<16xi32>
        %broadcast_in_dim3A_84 = vector.broadcast %add3A_80 : i32 to vector<16xi32>
        %broadcast_in_dim3A_85 = arith.constant 0.000000e+00 : f32
        %broadcast_in_dim3A_86 = vector.broadcast %broadcast_in_dim3A_85 : f32 to vector<16xf32>
        %broadcast_in_dim3A_87 = arith.constant 0.000000e+00 : f32
        %broadcast_in_dim3A_88 = vector.broadcast %broadcast_in_dim3A_87 : f32 to vector<16xf32>
        %broadcast_in_dim3A_89 = arith.constant 0.000000e+00 : f32
        %broadcast_in_dim3A_90 = vector.broadcast %broadcast_in_dim3A_89 : f32 to vector<16xf32>
        %broadcast_in_dim3A_91 = arith.constant 0.000000e+00 : f32
        %broadcast_in_dim3A_92 = vector.broadcast %broadcast_in_dim3A_91 : f32 to vector<16xf32>
        %broadcast_in_dim3A_93 = arith.constant 0.000000e+00 : f32
        %broadcast_in_dim3A_94 = vector.broadcast %broadcast_in_dim3A_93 : f32 to vector<16xf32>
        %broadcast_in_dim3A_95 = arith.constant 0.000000e+00 : f32
        %broadcast_in_dim3A_96 = vector.broadcast %broadcast_in_dim3A_95 : f32 to vector<16xf32>
        %broadcast_in_dim3A_97 = arith.constant 0.000000e+00 : f32
        %broadcast_in_dim3A_98 = vector.broadcast %broadcast_in_dim3A_97 : f32 to vector<16xf32>
        %broadcast_in_dim3A_99 = arith.constant 0.000000e+00 : f32
        %broadcast_in_dim3A_100 = vector.broadcast %broadcast_in_dim3A_99 : f32 to vector<16xf32>
        %scan3A_101 = arith.constant 0 : i32
        %scan3A_102 = arith.constant 8 : i32
        %scan3A_103 = arith.addi %scan3A_101, %scan3A_102 : i32
        %scan3A_104 = arith.constant 1 : i32
        %scan3A_105:8 = scf.for %scan3A_143 = %scan3A_101 to %scan3A_103 step %scan3A_104 iter_args(%scan3A_144 = %broadcast_in_dim3A_86, %scan3A_145 = %broadcast_in_dim3A_88, %scan3A_146 = %broadcast_in_dim3A_90, %scan3A_147 = %broadcast_in_dim3A_92, %scan3A_148 = %broadcast_in_dim3A_94, %scan3A_149 = %broadcast_in_dim3A_96, %scan3A_150 = %broadcast_in_dim3A_98, %scan3A_151 = %broadcast_in_dim3A_100) -> (vector<16xf32>, vector<16xf32>, vector<16xf32>, vector<16xf32>, vector<16xf32>, vector<16xf32>, vector<16xf32>, vector<16xf32>)  : i32 {
          %mul3A_152 = arith.constant 4 : i32
          %mul3A_153 = arith.muli %scan3A_143, %mul3A_152 : i32
          %add3A_154 = arith.constant 0 : i32
          %add3A_155 = arith.addi %mul3A_153, %add3A_154 : i32
          %broadcast_in_dim3A_156 = vector.broadcast %add3A_155 : i32 to vector<16xi32>
          %gather3A = tpu.vector_load_idx %arg10[%broadcast_in_dim3A, %broadcast_in_dim3A_156, %broadcast_in_dim3A_83] : memref<20x32x16xf32, #tpu.memory_space<vmem>>[vector<16xi32>, vector<16xi32>, vector<16xi32>], vector<16xf32>,
          %mul3A_157 = arith.constant 32 : i32
          %mul3A_158 = arith.muli %scan3A_77, %mul3A_157 : i32
          %add3A_159 = arith.addi %mul3A_158, %add3A_155 : i32
          %get3A = arith.index_cast %add3A_159 : i32 to index
          %get3A_160 = arith.constant 0 : index
          %get3A_161 = tpu.vector_load %arg13[%get3A, %get3A_160] {strides = array<i32>} : memref<128x128xbf16, #tpu.memory_space<vmem>>, vector<32xbf16>,
          %unpack3A = tpu.unpack_subelements %get3A_161, 0 {pack_format = #tpu.pack_format<interleaved>} : vector<32xbf16> -> vector<16xf32>
          %unpack3A_162 = tpu.unpack_subelements %get3A_161, 1 {pack_format = #tpu.pack_format<interleaved>} : vector<32xbf16> -> vector<16xf32>
          %mul3A_163 = arith.mulf %gather3A, %unpack3A : vector<16xf32>
          %add3A_164 = arith.addf %scan3A_144, %mul3A_163 : vector<16xf32>
          %mul3A_165 = arith.mulf %gather3A, %unpack3A_162 : vector<16xf32>
          %add3A_166 = arith.addf %scan3A_145, %mul3A_165 : vector<16xf32>
          %get3A_167 = arith.index_cast %add3A_159 : i32 to index
          %get3A_168 = arith.constant 32 : index
          %get3A_169 = tpu.vector_load %arg13[%get3A_167, %get3A_168] {strides = array<i32>} : memref<128x128xbf16, #tpu.memory_space<vmem>>, vector<32xbf16>,
          %unpack3A_170 = tpu.unpack_subelements %get3A_169, 0 {pack_format = #tpu.pack_format<interleaved>} : vector<32xbf16> -> vector<16xf32>
          %unpack3A_171 = tpu.unpack_subelements %get3A_169, 1 {pack_format = #tpu.pack_format<interleaved>} : vector<32xbf16> -> vector<16xf32>
          %mul3A_172 = arith.mulf %gather3A, %unpack3A_170 : vector<16xf32>
          %add3A_173 = arith.addf %scan3A_146, %mul3A_172 : vector<16xf32>
          %mul3A_174 = arith.mulf %gather3A, %unpack3A_171 : vector<16xf32>
          %add3A_175 = arith.addf %scan3A_147, %mul3A_174 : vector<16xf32>
          %get3A_176 = arith.index_cast %add3A_159 : i32 to index
          %get3A_177 = arith.constant 64 : index
          %get3A_178 = tpu.vector_load %arg13[%get3A_176, %get3A_177] {strides = array<i32>} : memref<128x128xbf16, #tpu.memory_space<vmem>>, vector<32xbf16>,
          %unpack3A_179 = tpu.unpack_subelements %get3A_178, 0 {pack_format = #tpu.pack_format<interleaved>} : vector<32xbf16> -> vector<16xf32>
          %unpack3A_180 = tpu.unpack_subelements %get3A_178, 1 {pack_format = #tpu.pack_format<interleaved>} : vector<32xbf16> -> vector<16xf32>
          %mul3A_181 = arith.mulf %gather3A, %unpack3A_179 : vector<16xf32>
          %add3A_182 = arith.addf %scan3A_148, %mul3A_181 : vector<16xf32>
          %mul3A_183 = arith.mulf %gather3A, %unpack3A_180 : vector<16xf32>
          %add3A_184 = arith.addf %scan3A_149, %mul3A_183 : vector<16xf32>
          %get3A_185 = arith.index_cast %add3A_159 : i32 to index
          %get3A_186 = arith.constant 96 : index
          %get3A_187 = tpu.vector_load %arg13[%get3A_185, %get3A_186] {strides = array<i32>} : memref<128x128xbf16, #tpu.memory_space<vmem>>, vector<32xbf16>,
          %unpack3A_188 = tpu.unpack_subelements %get3A_187, 0 {pack_format = #tpu.pack_format<interleaved>} : vector<32xbf16> -> vector<16xf32>
          %unpack3A_189 = tpu.unpack_subelements %get3A_187, 1 {pack_format = #tpu.pack_format<interleaved>} : vector<32xbf16> -> vector<16xf32>
          %mul3A_190 = arith.mulf %gather3A, %unpack3A_188 : vector<16xf32>
          %add3A_191 = arith.addf %scan3A_150, %mul3A_190 : vector<16xf32>
          %mul3A_192 = arith.mulf %gather3A, %unpack3A_189 : vector<16xf32>
          %add3A_193 = arith.addf %scan3A_151, %mul3A_192 : vector<16xf32>
          %mul3A_194 = arith.constant 4 : i32
          %mul3A_195 = arith.muli %scan3A_143, %mul3A_194 : i32
          %add3A_196 = arith.constant 1 : i32
          %add3A_197 = arith.addi %mul3A_195, %add3A_196 : i32
          %broadcast_in_dim3A_198 = vector.broadcast %add3A_197 : i32 to vector<16xi32>
          %gather3A_199 = tpu.vector_load_idx %arg10[%broadcast_in_dim3A, %broadcast_in_dim3A_198, %broadcast_in_dim3A_83] : memref<20x32x16xf32, #tpu.memory_space<vmem>>[vector<16xi32>, vector<16xi32>, vector<16xi32>], vector<16xf32>,
          %mul3A_200 = arith.constant 32 : i32
          %mul3A_201 = arith.muli %scan3A_77, %mul3A_200 : i32
          %add3A_202 = arith.addi %mul3A_201, %add3A_197 : i32
          %get3A_203 = arith.index_cast %add3A_202 : i32 to index
          %get3A_204 = arith.constant 0 : index
          %get3A_205 = tpu.vector_load %arg13[%get3A_203, %get3A_204] {strides = array<i32>} : memref<128x128xbf16, #tpu.memory_space<vmem>>, vector<32xbf16>,
          %unpack3A_206 = tpu.unpack_subelements %get3A_205, 0 {pack_format = #tpu.pack_format<interleaved>} : vector<32xbf16> -> vector<16xf32>
          %unpack3A_207 = tpu.unpack_subelements %get3A_205, 1 {pack_format = #tpu.pack_format<interleaved>} : vector<32xbf16> -> vector<16xf32>
          %mul3A_208 = arith.mulf %gather3A_199, %unpack3A_206 : vector<16xf32>
          %add3A_209 = arith.addf %add3A_164, %mul3A_208 : vector<16xf32>
          %mul3A_210 = arith.mulf %gather3A_199, %unpack3A_207 : vector<16xf32>
          %add3A_211 = arith.addf %add3A_166, %mul3A_210 : vector<16xf32>
          %get3A_212 = arith.index_cast %add3A_202 : i32 to index
          %get3A_213 = arith.constant 32 : index
          %get3A_214 = tpu.vector_load %arg13[%get3A_212, %get3A_213] {strides = array<i32>} : memref<128x128xbf16, #tpu.memory_space<vmem>>, vector<32xbf16>,
          %unpack3A_215 = tpu.unpack_subelements %get3A_214, 0 {pack_format = #tpu.pack_format<interleaved>} : vector<32xbf16> -> vector<16xf32>
          %unpack3A_216 = tpu.unpack_subelements %get3A_214, 1 {pack_format = #tpu.pack_format<interleaved>} : vector<32xbf16> -> vector<16xf32>
          %mul3A_217 = arith.mulf %gather3A_199, %unpack3A_215 : vector<16xf32>
          %add3A_218 = arith.addf %add3A_173, %mul3A_217 : vector<16xf32>
          %mul3A_219 = arith.mulf %gather3A_199, %unpack3A_216 : vector<16xf32>
          %add3A_220 = arith.addf %add3A_175, %mul3A_219 : vector<16xf32>
          %get3A_221 = arith.index_cast %add3A_202 : i32 to index
          %get3A_222 = arith.constant 64 : index
          %get3A_223 = tpu.vector_load %arg13[%get3A_221, %get3A_222] {strides = array<i32>} : memref<128x128xbf16, #tpu.memory_space<vmem>>, vector<32xbf16>,
          %unpack3A_224 = tpu.unpack_subelements %get3A_223, 0 {pack_format = #tpu.pack_format<interleaved>} : vector<32xbf16> -> vector<16xf32>
          %unpack3A_225 = tpu.unpack_subelements %get3A_223, 1 {pack_format = #tpu.pack_format<interleaved>} : vector<32xbf16> -> vector<16xf32>
          %mul3A_226 = arith.mulf %gather3A_199, %unpack3A_224 : vector<16xf32>
          %add3A_227 = arith.addf %add3A_182, %mul3A_226 : vector<16xf32>
          %mul3A_228 = arith.mulf %gather3A_199, %unpack3A_225 : vector<16xf32>
          %add3A_229 = arith.addf %add3A_184, %mul3A_228 : vector<16xf32>
          %get3A_230 = arith.index_cast %add3A_202 : i32 to index
          %get3A_231 = arith.constant 96 : index
          %get3A_232 = tpu.vector_load %arg13[%get3A_230, %get3A_231] {strides = array<i32>} : memref<128x128xbf16, #tpu.memory_space<vmem>>, vector<32xbf16>,
          %unpack3A_233 = tpu.unpack_subelements %get3A_232, 0 {pack_format = #tpu.pack_format<interleaved>} : vector<32xbf16> -> vector<16xf32>
          %unpack3A_234 = tpu.unpack_subelements %get3A_232, 1 {pack_format = #tpu.pack_format<interleaved>} : vector<32xbf16> -> vector<16xf32>
          %mul3A_235 = arith.mulf %gather3A_199, %unpack3A_233 : vector<16xf32>
          %add3A_236 = arith.addf %add3A_191, %mul3A_235 : vector<16xf32>
          %mul3A_237 = arith.mulf %gather3A_199, %unpack3A_234 : vector<16xf32>
          %add3A_238 = arith.addf %add3A_193, %mul3A_237 : vector<16xf32>
          %mul3A_239 = arith.constant 4 : i32
          %mul3A_240 = arith.muli %scan3A_143, %mul3A_239 : i32
          %add3A_241 = arith.constant 2 : i32
          %add3A_242 = arith.addi %mul3A_240, %add3A_241 : i32
          %broadcast_in_dim3A_243 = vector.broadcast %add3A_242 : i32 to vector<16xi32>
          %gather3A_244 = tpu.vector_load_idx %arg10[%broadcast_in_dim3A, %broadcast_in_dim3A_243, %broadcast_in_dim3A_83] : memref<20x32x16xf32, #tpu.memory_space<vmem>>[vector<16xi32>, vector<16xi32>, vector<16xi32>], vector<16xf32>,
          %mul3A_245 = arith.constant 32 : i32
          %mul3A_246 = arith.muli %scan3A_77, %mul3A_245 : i32
          %add3A_247 = arith.addi %mul3A_246, %add3A_242 : i32
          %get3A_248 = arith.index_cast %add3A_247 : i32 to index
          %get3A_249 = arith.constant 0 : index
          %get3A_250 = tpu.vector_load %arg13[%get3A_248, %get3A_249] {strides = array<i32>} : memref<128x128xbf16, #tpu.memory_space<vmem>>, vector<32xbf16>,
          %unpack3A_251 = tpu.unpack_subelements %get3A_250, 0 {pack_format = #tpu.pack_format<interleaved>} : vector<32xbf16> -> vector<16xf32>
          %unpack3A_252 = tpu.unpack_subelements %get3A_250, 1 {pack_format = #tpu.pack_format<interleaved>} : vector<32xbf16> -> vector<16xf32>
          %mul3A_253 = arith.mulf %gather3A_244, %unpack3A_251 : vector<16xf32>
          %add3A_254 = arith.addf %add3A_209, %mul3A_253 : vector<16xf32>
          %mul3A_255 = arith.mulf %gather3A_244, %unpack3A_252 : vector<16xf32>
          %add3A_256 = arith.addf %add3A_211, %mul3A_255 : vector<16xf32>
          %get3A_257 = arith.index_cast %add3A_247 : i32 to index
          %get3A_258 = arith.constant 32 : index
          %get3A_259 = tpu.vector_load %arg13[%get3A_257, %get3A_258] {strides = array<i32>} : memref<128x128xbf16, #tpu.memory_space<vmem>>, vector<32xbf16>,
          %unpack3A_260 = tpu.unpack_subelements %get3A_259, 0 {pack_format = #tpu.pack_format<interleaved>} : vector<32xbf16> -> vector<16xf32>
          %unpack3A_261 = tpu.unpack_subelements %get3A_259, 1 {pack_format = #tpu.pack_format<interleaved>} : vector<32xbf16> -> vector<16xf32>
          %mul3A_262 = arith.mulf %gather3A_244, %unpack3A_260 : vector<16xf32>
          %add3A_263 = arith.addf %add3A_218, %mul3A_262 : vector<16xf32>
          %mul3A_264 = arith.mulf %gather3A_244, %unpack3A_261 : vector<16xf32>
          %add3A_265 = arith.addf %add3A_220, %mul3A_264 : vector<16xf32>
          %get3A_266 = arith.index_cast %add3A_247 : i32 to index
          %get3A_267 = arith.constant 64 : index
          %get3A_268 = tpu.vector_load %arg13[%get3A_266, %get3A_267] {strides = array<i32>} : memref<128x128xbf16, #tpu.memory_space<vmem>>, vector<32xbf16>,
          %unpack3A_269 = tpu.unpack_subelements %get3A_268, 0 {pack_format = #tpu.pack_format<interleaved>} : vector<32xbf16> -> vector<16xf32>
          %unpack3A_270 = tpu.unpack_subelements %get3A_268, 1 {pack_format = #tpu.pack_format<interleaved>} : vector<32xbf16> -> vector<16xf32>
          %mul3A_271 = arith.mulf %gather3A_244, %unpack3A_269 : vector<16xf32>
          %add3A_272 = arith.addf %add3A_227, %mul3A_271 : vector<16xf32>
          %mul3A_273 = arith.mulf %gather3A_244, %unpack3A_270 : vector<16xf32>
          %add3A_274 = arith.addf %add3A_229, %mul3A_273 : vector<16xf32>
          %get3A_275 = arith.index_cast %add3A_247 : i32 to index
          %get3A_276 = arith.constant 96 : index
          %get3A_277 = tpu.vector_load %arg13[%get3A_275, %get3A_276] {strides = array<i32>} : memref<128x128xbf16, #tpu.memory_space<vmem>>, vector<32xbf16>,
          %unpack3A_278 = tpu.unpack_subelements %get3A_277, 0 {pack_format = #tpu.pack_format<interleaved>} : vector<32xbf16> -> vector<16xf32>
          %unpack3A_279 = tpu.unpack_subelements %get3A_277, 1 {pack_format = #tpu.pack_format<interleaved>} : vector<32xbf16> -> vector<16xf32>
          %mul3A_280 = arith.mulf %gather3A_244, %unpack3A_278 : vector<16xf32>
          %add3A_281 = arith.addf %add3A_236, %mul3A_280 : vector<16xf32>
          %mul3A_282 = arith.mulf %gather3A_244, %unpack3A_279 : vector<16xf32>
          %add3A_283 = arith.addf %add3A_238, %mul3A_282 : vector<16xf32>
          %mul3A_284 = arith.constant 4 : i32
          %mul3A_285 = arith.muli %scan3A_143, %mul3A_284 : i32
          %add3A_286 = arith.constant 3 : i32
          %add3A_287 = arith.addi %mul3A_285, %add3A_286 : i32
          %broadcast_in_dim3A_288 = vector.broadcast %add3A_287 : i32 to vector<16xi32>
          %gather3A_289 = tpu.vector_load_idx %arg10[%broadcast_in_dim3A, %broadcast_in_dim3A_288, %broadcast_in_dim3A_83] : memref<20x32x16xf32, #tpu.memory_space<vmem>>[vector<16xi32>, vector<16xi32>, vector<16xi32>], vector<16xf32>,
          %mul3A_290 = arith.constant 32 : i32
          %mul3A_291 = arith.muli %scan3A_77, %mul3A_290 : i32
          %add3A_292 = arith.addi %mul3A_291, %add3A_287 : i32
          %get3A_293 = arith.index_cast %add3A_292 : i32 to index
          %get3A_294 = arith.constant 0 : index
          %get3A_295 = tpu.vector_load %arg13[%get3A_293, %get3A_294] {strides = array<i32>} : memref<128x128xbf16, #tpu.memory_space<vmem>>, vector<32xbf16>,
          %unpack3A_296 = tpu.unpack_subelements %get3A_295, 0 {pack_format = #tpu.pack_format<interleaved>} : vector<32xbf16> -> vector<16xf32>
          %unpack3A_297 = tpu.unpack_subelements %get3A_295, 1 {pack_format = #tpu.pack_format<interleaved>} : vector<32xbf16> -> vector<16xf32>
          %mul3A_298 = arith.mulf %gather3A_289, %unpack3A_296 : vector<16xf32>
          %add3A_299 = arith.addf %add3A_254, %mul3A_298 : vector<16xf32>
          %mul3A_300 = arith.mulf %gather3A_289, %unpack3A_297 : vector<16xf32>
          %add3A_301 = arith.addf %add3A_256, %mul3A_300 : vector<16xf32>
          %get3A_302 = arith.index_cast %add3A_292 : i32 to index
          %get3A_303 = arith.constant 32 : index
          %get3A_304 = tpu.vector_load %arg13[%get3A_302, %get3A_303] {strides = array<i32>} : memref<128x128xbf16, #tpu.memory_space<vmem>>, vector<32xbf16>,
          %unpack3A_305 = tpu.unpack_subelements %get3A_304, 0 {pack_format = #tpu.pack_format<interleaved>} : vector<32xbf16> -> vector<16xf32>
          %unpack3A_306 = tpu.unpack_subelements %get3A_304, 1 {pack_format = #tpu.pack_format<interleaved>} : vector<32xbf16> -> vector<16xf32>
          %mul3A_307 = arith.mulf %gather3A_289, %unpack3A_305 : vector<16xf32>
          %add3A_308 = arith.addf %add3A_263, %mul3A_307 : vector<16xf32>
          %mul3A_309 = arith.mulf %gather3A_289, %unpack3A_306 : vector<16xf32>
          %add3A_310 = arith.addf %add3A_265, %mul3A_309 : vector<16xf32>
          %get3A_311 = arith.index_cast %add3A_292 : i32 to index
          %get3A_312 = arith.constant 64 : index
          %get3A_313 = tpu.vector_load %arg13[%get3A_311, %get3A_312] {strides = array<i32>} : memref<128x128xbf16, #tpu.memory_space<vmem>>, vector<32xbf16>,
          %unpack3A_314 = tpu.unpack_subelements %get3A_313, 0 {pack_format = #tpu.pack_format<interleaved>} : vector<32xbf16> -> vector<16xf32>
          %unpack3A_315 = tpu.unpack_subelements %get3A_313, 1 {pack_format = #tpu.pack_format<interleaved>} : vector<32xbf16> -> vector<16xf32>
          %mul3A_316 = arith.mulf %gather3A_289, %unpack3A_314 : vector<16xf32>
          %add3A_317 = arith.addf %add3A_272, %mul3A_316 : vector<16xf32>
          %mul3A_318 = arith.mulf %gather3A_289, %unpack3A_315 : vector<16xf32>
          %add3A_319 = arith.addf %add3A_274, %mul3A_318 : vector<16xf32>
          %get3A_320 = arith.index_cast %add3A_292 : i32 to index
          %get3A_321 = arith.constant 96 : index
          %get3A_322 = tpu.vector_load %arg13[%get3A_320, %get3A_321] {strides = array<i32>} : memref<128x128xbf16, #tpu.memory_space<vmem>>, vector<32xbf16>,
          %unpack3A_323 = tpu.unpack_subelements %get3A_322, 0 {pack_format = #tpu.pack_format<interleaved>} : vector<32xbf16> -> vector<16xf32>
          %unpack3A_324 = tpu.unpack_subelements %get3A_322, 1 {pack_format = #tpu.pack_format<interleaved>} : vector<32xbf16> -> vector<16xf32>
          %mul3A_325 = arith.mulf %gather3A_289, %unpack3A_323 : vector<16xf32>
          %add3A_326 = arith.addf %add3A_281, %mul3A_325 : vector<16xf32>
          %mul3A_327 = arith.mulf %gather3A_289, %unpack3A_324 : vector<16xf32>
          %add3A_328 = arith.addf %add3A_283, %mul3A_327 : vector<16xf32>
          scf.yield %add3A_299, %add3A_301, %add3A_308, %add3A_310, %add3A_317, %add3A_319, %add3A_326, %add3A_328 : vector<16xf32>, vector<16xf32>, vector<16xf32>, vector<16xf32>, vector<16xf32>, vector<16xf32>, vector<16xf32>, vector<16xf32>
        }
        %scan3A_106 = arith.constant 8 : i32
        %mul3A_107 = arith.constant 2 : i32
        %mul3A_108 = vector.broadcast %mul3A_107 : i32 to vector<16xi32>
        %mul3A_109 = arith.muli %mul3A_108, %iota3A : vector<16xi32>
        %add3A_110 = arith.constant 0 : i32
        %add3A_111 = vector.broadcast %add3A_110 : i32 to vector<16xi32>
        %add3A_112 = arith.addi %add3A_111, %mul3A_109 : vector<16xi32>
        tpu.vector_store_idx %arg14[%broadcast_in_dim3A_84, %add3A_112], %scan3A_105#0 : memref<320x128xf32, #tpu.memory_space<vmem>>[vector<16xi32>, vector<16xi32>], vector<16xf32>,
        %add3A_113 = arith.constant 1 : i32
        %add3A_114 = vector.broadcast %add3A_113 : i32 to vector<16xi32>
        %add3A_115 = arith.addi %add3A_112, %add3A_114 : vector<16xi32>
        tpu.vector_store_idx %arg14[%broadcast_in_dim3A_84, %add3A_115], %scan3A_105#1 : memref<320x128xf32, #tpu.memory_space<vmem>>[vector<16xi32>, vector<16xi32>], vector<16xf32>,
        %mul3A_116 = arith.constant 2 : i32
        %mul3A_117 = vector.broadcast %mul3A_116 : i32 to vector<16xi32>
        %mul3A_118 = arith.muli %mul3A_117, %iota3A : vector<16xi32>
        %add3A_119 = arith.constant 32 : i32
        %add3A_120 = vector.broadcast %add3A_119 : i32 to vector<16xi32>
        %add3A_121 = arith.addi %add3A_120, %mul3A_118 : vector<16xi32>
        tpu.vector_store_idx %arg14[%broadcast_in_dim3A_84, %add3A_121], %scan3A_105#2 : memref<320x128xf32, #tpu.memory_space<vmem>>[vector<16xi32>, vector<16xi32>], vector<16xf32>,
        %add3A_122 = arith.constant 1 : i32
        %add3A_123 = vector.broadcast %add3A_122 : i32 to vector<16xi32>
        %add3A_124 = arith.addi %add3A_121, %add3A_123 : vector<16xi32>
        tpu.vector_store_idx %arg14[%broadcast_in_dim3A_84, %add3A_124], %scan3A_105#3 : memref<320x128xf32, #tpu.memory_space<vmem>>[vector<16xi32>, vector<16xi32>], vector<16xf32>,
        %mul3A_125 = arith.constant 2 : i32
        %mul3A_126 = vector.broadcast %mul3A_125 : i32 to vector<16xi32>
        %mul3A_127 = arith.muli %mul3A_126, %iota3A : vector<16xi32>
        %add3A_128 = arith.constant 64 : i32
        %add3A_129 = vector.broadcast %add3A_128 : i32 to vector<16xi32>
        %add3A_130 = arith.addi %add3A_129, %mul3A_127 : vector<16xi32>
        tpu.vector_store_idx %arg14[%broadcast_in_dim3A_84, %add3A_130], %scan3A_105#4 : memref<320x128xf32, #tpu.memory_space<vmem>>[vector<16xi32>, vector<16xi32>], vector<16xf32>,
        %add3A_131 = arith.constant 1 : i32
        %add3A_132 = vector.broadcast %add3A_131 : i32 to vector<16xi32>
        %add3A_133 = arith.addi %add3A_130, %add3A_132 : vector<16xi32>
        tpu.vector_store_idx %arg14[%broadcast_in_dim3A_84, %add3A_133], %scan3A_105#5 : memref<320x128xf32, #tpu.memory_space<vmem>>[vector<16xi32>, vector<16xi32>], vector<16xf32>,
        %mul3A_134 = arith.constant 2 : i32
        %mul3A_135 = vector.broadcast %mul3A_134 : i32 to vector<16xi32>
        %mul3A_136 = arith.muli %mul3A_135, %iota3A : vector<16xi32>
        %add3A_137 = arith.constant 96 : i32
        %add3A_138 = vector.broadcast %add3A_137 : i32 to vector<16xi32>
        %add3A_139 = arith.addi %add3A_138, %mul3A_136 : vector<16xi32>
        tpu.vector_store_idx %arg14[%broadcast_in_dim3A_84, %add3A_139], %scan3A_105#6 : memref<320x128xf32, #tpu.memory_space<vmem>>[vector<16xi32>, vector<16xi32>], vector<16xf32>,
        %add3A_140 = arith.constant 1 : i32
        %add3A_141 = vector.broadcast %add3A_140 : i32 to vector<16xi32>
        %add3A_142 = arith.addi %add3A_139, %add3A_141 : vector<16xi32>
        tpu.vector_store_idx %arg14[%broadcast_in_dim3A_84, %add3A_142], %scan3A_105#7 : memref<320x128xf32, #tpu.memory_space<vmem>>[vector<16xi32>, vector<16xi32>], vector<16xf32>,
      }
      %scan3A_69 = arith.constant 4 : i32
      %add3A_70 = arith.constant 2 : i32
      %add3A_71 = arith.addi %add3A_58, %add3A_70 : i32
      %lt3A_72 = arith.constant 80 : i32
      %lt3A_73 = arith.cmpi slt, %add3A_71, %lt3A_72 : i32
      %convert_element_type3A_74 = arith.extui %lt3A_73 : i1 to i32
      %cond3A_75 = arith.constant 0 : i32
      %cond3A_76 = arith.cmpi ne, %convert_element_type3A_74, %cond3A_75 : i32
      scf.if %cond3A_76 {
        %add3A_77 = arith.constant 2 : i32
        %add3A_78 = arith.addi %add3A_58, %add3A_77 : i32
        %mul3A_79 = arith.constant 4 : i32
        %mul3A_80 = arith.muli %add3A_78, %mul3A_79 : i32
        %mul3A_81 = arith.constant 32 : i32
        %mul3A_82 = arith.muli %mul3A_80, %mul3A_81 : i32
        %dma_start3A_83 = tpu.memref_slice %arg7[%mul3A_82] : memref<10240xi32, #tpu.memory_space<vmem>> -> memref<128xi32, #tpu.memory_space<vmem>>
        %dma_start3A_84 = arith.constant 0 : i32
        %dma_start3A_85 = arith.constant 0 : i32
        %dma_start3A_86 = tpu.memref_slice %arg15[%dma_start3A_84, %dma_start3A_85] : memref<10240x128xbf16, #tpu.memory_space<vmem_shared>> -> memref<10240x128xbf16, #tpu.memory_space<vmem_shared>>
        tpu.enqueue_indirect_dma source(%dma_start3A_86 : memref<10240x128xbf16, #tpu.memory_space<vmem_shared>>) target(%arg13 : memref<128x128xbf16, #tpu.memory_space<vmem>>) offsets(%dma_start3A_83 : memref<128xi32, #tpu.memory_space<vmem>>) semaphore(%arg17 : memref<!tpu.dma_semaphore, #tpu.memory_space<semaphore_mem>>)
      } else {
      }
    }
    %scan3A_26 = arith.constant 40 : i32
    %lt3A = arith.constant 31 : i32
    %lt3A_27 = arith.cmpi slt, %add3A, %lt3A : i32
    %convert_element_type3A = arith.extui %lt3A_27 : i1 to i32
    %cond3A = arith.constant 0 : i32
    %cond3A_28 = arith.cmpi ne, %convert_element_type3A, %cond3A : i32
    scf.if %cond3A_28 {
      "tpu.region"() ({
        %run_scoped3A = tpu.sem_alloc : memref<!tpu.dma_semaphore, #tpu.memory_space<semaphore_mem>>
        %dma_start3A_33 = arith.constant 0 : i32
        %dma_start3A_34 = tpu.memref_slice %arg6[%mul3A_2, %dma_start3A_33] : memref<10000x128xf32, #tpu.memory_space<hbm>> -> memref<320x128xf32, #tpu.memory_space<hbm>>
        %dma_start3A_35 = arith.constant 0 : i32
        %dma_start3A_36 = tpu.memref_slice %arg6[%mul3A_2, %dma_start3A_35] : memref<10000x128xf32, #tpu.memory_space<hbm>> -> memref<320x128xf32, #tpu.memory_space<hbm>>
        tpu.enqueue_dma source(%arg14 : memref<320x128xf32, #tpu.memory_space<vmem>>) target(%dma_start3A_36 : memref<320x128xf32, #tpu.memory_space<hbm>>) target_semaphore(%run_scoped3A : memref<!tpu.dma_semaphore, #tpu.memory_space<semaphore_mem>>)
        %dma_wait3A = arith.constant 0 : i32
        %dma_wait3A_37 = tpu.memref_slice %arg6[%mul3A_2, %dma_wait3A] : memref<10000x128xf32, #tpu.memory_space<hbm>> -> memref<320x128xf32, #tpu.memory_space<hbm>>
        %dma_wait3A_38 = arith.constant 0 : i32
        %dma_wait3A_39 = tpu.memref_slice %arg6[%mul3A_2, %dma_wait3A_38] : memref<10000x128xf32, #tpu.memory_space<hbm>> -> memref<320x128xf32, #tpu.memory_space<hbm>>
        tpu.wait_dma2 semaphore(%run_scoped3A : memref<!tpu.dma_semaphore, #tpu.memory_space<semaphore_mem>>) src(%arg14 : memref<320x128xf32, #tpu.memory_space<vmem>>) dst(%dma_wait3A_39 : memref<320x128xf32, #tpu.memory_space<hbm>>)
        tpu.yield
      }) : () -> ()
    } else {
    }
    %eq3A = arith.constant 31 : i32
    %eq3A_29 = arith.cmpi eq, %add3A, %eq3A : i32
    %convert_element_type3A_30 = arith.extui %eq3A_29 : i1 to i32
    %cond3A_31 = arith.constant 0 : i32
    %cond3A_32 = arith.cmpi ne, %convert_element_type3A_30, %cond3A_31 : i32
    scf.if %cond3A_32 {
      "tpu.region"() ({
        %run_scoped3A = tpu.sem_alloc : memref<!tpu.dma_semaphore, #tpu.memory_space<semaphore_mem>>
        %dma_start3A_33 = arith.constant 0 : i32
        %dma_start3A_34 = arith.constant 0 : i32
        %dma_start3A_35 = tpu.memref_slice %arg14[%dma_start3A_33, %dma_start3A_34] : memref<320x128xf32, #tpu.memory_space<vmem>> -> memref<80x128xf32, #tpu.memory_space<vmem>>
        %dma_start3A_36 = arith.constant 0 : i32
        %dma_start3A_37 = tpu.memref_slice %arg6[%mul3A_2, %dma_start3A_36] : memref<10000x128xf32, #tpu.memory_space<hbm>> -> memref<80x128xf32, #tpu.memory_space<hbm>>
        %dma_start3A_38 = arith.constant 0 : i32
        %dma_start3A_39 = tpu.memref_slice %arg6[%mul3A_2, %dma_start3A_38] : memref<10000x128xf32, #tpu.memory_space<hbm>> -> memref<80x128xf32, #tpu.memory_space<hbm>>
        %dma_start3A_40 = arith.constant 0 : i32
        %dma_start3A_41 = arith.constant 0 : i32
        %dma_start3A_42 = tpu.memref_slice %arg14[%dma_start3A_40, %dma_start3A_41] : memref<320x128xf32, #tpu.memory_space<vmem>> -> memref<80x128xf32, #tpu.memory_space<vmem>>
        tpu.enqueue_dma source(%dma_start3A_42 : memref<80x128xf32, #tpu.memory_space<vmem>>) target(%dma_start3A_39 : memref<80x128xf32, #tpu.memory_space<hbm>>) target_semaphore(%run_scoped3A : memref<!tpu.dma_semaphore, #tpu.memory_space<semaphore_mem>>)
        %dma_wait3A = arith.constant 0 : i32
        %dma_wait3A_43 = arith.constant 0 : i32
        %dma_wait3A_44 = tpu.memref_slice %arg14[%dma_wait3A, %dma_wait3A_43] : memref<320x128xf32, #tpu.memory_space<vmem>> -> memref<80x128xf32, #tpu.memory_space<vmem>>
        %dma_wait3A_45 = arith.constant 0 : i32
        %dma_wait3A_46 = tpu.memref_slice %arg6[%mul3A_2, %dma_wait3A_45] : memref<10000x128xf32, #tpu.memory_space<hbm>> -> memref<80x128xf32, #tpu.memory_space<hbm>>
        %dma_wait3A_47 = arith.constant 0 : i32
        %dma_wait3A_48 = tpu.memref_slice %arg6[%mul3A_2, %dma_wait3A_47] : memref<10000x128xf32, #tpu.memory_space<hbm>> -> memref<80x128xf32, #tpu.memory_space<hbm>>
        %dma_wait3A_49 = arith.constant 0 : i32
        %dma_wait3A_50 = arith.constant 0 : i32
        %dma_wait3A_51 = tpu.memref_slice %arg14[%dma_wait3A_49, %dma_wait3A_50] : memref<320x128xf32, #tpu.memory_space<vmem>> -> memref<80x128xf32, #tpu.memory_space<vmem>>
        tpu.wait_dma2 semaphore(%run_scoped3A : memref<!tpu.dma_semaphore, #tpu.memory_space<semaphore_mem>>) src(%dma_wait3A_51 : memref<80x128xf32, #tpu.memory_space<vmem>>) dst(%dma_wait3A_48 : memref<80x128xf32, #tpu.memory_space<hbm>>)
        tpu.yield
      }) : () -> ()
    } else {
    }
    return
  }
}

module attributes {stable_mosaic.version = 14 : i64} {
  func.func @_tc_body(%arg0: i32, %arg1: memref<512x128xf32, #tpu.memory_space<vmem>>, %arg2: memref<128x128xf32, #tpu.memory_space<vmem>>, %arg3: memref<128x128xf32, #tpu.memory_space<vmem>>, %arg4: memref<256x1xf32, #tpu.memory_space<vmem>>, %arg5: memref<1x1xf32, #tpu.memory_space<vmem>>, %arg6: memref<512x128xbf16, #tpu.memory_space<vmem>>, %arg7: memref<8x512xf32, #tpu.memory_space<vmem>>) attributes {dimension_semantics = [#tpu.dimension_semantics<arbitrary>], iteration_bounds = array<i64: 20>, scalar_prefetch = 0 : i64, scratch_operands = 0 : i64, tpu.core_type = #tpu.core_type<tc>, window_params = [{transform_indices = @transform_0, window_bounds = array<i64: 512, 128>}, {pipeline_mode = #tpu.pipeline_mode<synchronous>, transform_indices = @transform_1, window_bounds = array<i64: 128, 128>}, {pipeline_mode = #tpu.pipeline_mode<synchronous>, transform_indices = @transform_2, window_bounds = array<i64: 128, 128>}, {pipeline_mode = #tpu.pipeline_mode<synchronous>, transform_indices = @transform_3, window_bounds = array<i64: 256, 1>}, {pipeline_mode = #tpu.pipeline_mode<synchronous>, transform_indices = @transform_4, window_bounds = array<i64: 1, 1>}, {transform_indices = @transform_5, window_bounds = array<i64: 512, 128>}, {transform_indices = @transform_6, window_bounds = array<i64: 8, 512>}]} {
    %get3A = arith.constant 0 : index
    %get3A_0 = arith.constant 0 : index
    %get3A_1 = vector.load %arg1[%get3A, %get3A_0] : memref<512x128xf32, #tpu.memory_space<vmem>>, vector<512x128xf32>
    %get3A_2 = arith.constant 0 : index
    %get3A_3 = arith.constant 0 : index
    %get3A_4 = vector.load %arg3[%get3A_2, %get3A_3] : memref<128x128xf32, #tpu.memory_space<vmem>>, vector<128x128xf32>
    %get3A_5 = arith.constant 0 : index
    %get3A_6 = arith.constant 0 : index
    %get3A_7 = vector.load %arg4[%get3A_5, %get3A_6] : memref<256x1xf32, #tpu.memory_space<vmem>>, vector<128x1xf32>
    %get3A_8 = arith.constant 128 : index
    %get3A_9 = arith.constant 0 : index
    %get3A_10 = vector.load %arg4[%get3A_8, %get3A_9] : memref<256x1xf32, #tpu.memory_space<vmem>>, vector<128x1xf32>
    %get3A_11 = arith.constant 0 : index
    %get3A_12 = arith.constant 0 : index
    %get3A_13 = vector.load %arg2[%get3A_11, %get3A_12] : memref<128x128xf32, #tpu.memory_space<vmem>>, vector<128x128xf32>
    %dot_general3A = arith.constant dense<0.000000e+00> : vector<128x1xf32>
    %dot_general3A_14 = tpu.matmul %get3A_13, %get3A_7, %dot_general3A {dimension_numbers = #tpu.dot_dimension_numbers<[1], [0], [0], [1], [0, 0, 1, 1], [], []>, transpose_lhs_hint = false} : vector<128x128xf32>, vector<128x1xf32>, vector<128x1xf32> -> vector<128x1xf32>
    %dot_general3A_15 = arith.constant dense<0.000000e+00> : vector<128x1xf32>
    %dot_general3A_16 = tpu.matmul %get3A_4, %get3A_10, %dot_general3A_15 {dimension_numbers = #tpu.dot_dimension_numbers<[1], [0], [0], [1], [0, 0, 1, 1], [], []>, transpose_lhs_hint = false} : vector<128x128xf32>, vector<128x1xf32>, vector<128x1xf32> -> vector<128x1xf32>
    %broadcast_in_dim3A = arith.constant 0.000000e+00 : f32
    %broadcast_in_dim3A_17 = vector.broadcast %broadcast_in_dim3A : f32 to vector<128x6xf32>
    %concatenate3A = tpu.concatenate %get3A_4, %dot_general3A_14, %dot_general3A_16, %broadcast_in_dim3A_17 in 1 : vector<128x128xf32>, vector<128x1xf32>, vector<128x1xf32>, vector<128x6xf32> -> vector<128x136xf32>
    %dot_general3A_18 = arith.constant dense<0.000000e+00> : vector<512x136xf32>
    %dot_general3A_19 = tpu.matmul %get3A_1, %concatenate3A, %dot_general3A_18 {dimension_numbers = #tpu.dot_dimension_numbers<[1], [0], [0], [1], [0, 0, 1, 1], [], []>, transpose_lhs_hint = false} : vector<512x128xf32>, vector<128x136xf32>, vector<512x136xf32> -> vector<512x136xf32>
    %slice3A = vector.extract_strided_slice %dot_general3A_19 {offsets = [0, 0], sizes = [512, 128], strides = [1, 1]} : vector<512x136xf32> to vector<512x128xf32>
    %convert_element_type3A = arith.truncf %slice3A : vector<512x128xf32> to vector<512x128xbf16>
    %swap3A = arith.constant 0 : index
    %swap3A_20 = arith.constant 0 : index
    %swap3A_21 = vector.load %arg6[%swap3A, %swap3A_20] : memref<512x128xbf16, #tpu.memory_space<vmem>>, vector<512x128xbf16>
    tpu.vector_store %arg6[%swap3A, %swap3A_20], %convert_element_type3A {strides = array<i32>} : memref<512x128xbf16, #tpu.memory_space<vmem>>, vector<512x128xbf16>,
    %slice3A_22 = vector.extract_strided_slice %dot_general3A_19 {offsets = [0, 128], sizes = [512, 1], strides = [1, 1]} : vector<512x136xf32> to vector<512x1xf32>
    %transpose3A = tpu.transpose %slice3A_22, [1, 0] : vector<512x1xf32> -> vector<1x512xf32>
    %get3A_23 = arith.constant 0 : index
    %get3A_24 = arith.constant 0 : index
    %get3A_25 = vector.load %arg5[%get3A_23, %get3A_24] : memref<1x1xf32, #tpu.memory_space<vmem>>, vector<1x1xf32>
    %add3A = vector.broadcast %get3A_25 : vector<1x1xf32> to vector<1x512xf32>
    %add3A_26 = arith.addf %transpose3A, %add3A : vector<1x512xf32>
    %slice3A_27 = vector.extract_strided_slice %dot_general3A_19 {offsets = [0, 129], sizes = [512, 1], strides = [1, 1]} : vector<512x136xf32> to vector<512x1xf32>
    %transpose3A_28 = tpu.transpose %slice3A_27, [1, 0] : vector<512x1xf32> -> vector<1x512xf32>
    %broadcast_in_dim3A_29 = arith.constant 0.000000e+00 : f32
    %broadcast_in_dim3A_30 = vector.broadcast %broadcast_in_dim3A_29 : f32 to vector<6x512xf32>
    %concatenate3A_31 = tpu.concatenate %add3A_26, %transpose3A_28, %broadcast_in_dim3A_30 in 0 : vector<1x512xf32>, vector<1x512xf32>, vector<6x512xf32> -> vector<8x512xf32>
    %swap3A_32 = arith.constant 0 : index
    %swap3A_33 = arith.constant 0 : index
    %swap3A_34 = vector.load %arg7[%swap3A_32, %swap3A_33] : memref<8x512xf32, #tpu.memory_space<vmem>>, vector<8x512xf32>
    tpu.vector_store %arg7[%swap3A_32, %swap3A_33], %concatenate3A_31 {strides = array<i32>} : memref<8x512xf32, #tpu.memory_space<vmem>>, vector<8x512xf32>,
    return
  }
  func.func @transform_0(%arg0: i32) -> (i32, i32) {
    %c0_i32 = arith.constant 0 : i32
    %c0_i32_0 = arith.constant 0 : i32
    return %arg0, %c0_i32 : i32, i32
  }
  func.func @transform_1(%arg0: i32) -> (i32, i32) {
    %c0_i32 = arith.constant 0 : i32
    %c0_i32_0 = arith.constant 0 : i32
    %c0_i32_1 = arith.constant 0 : i32
    return %c0_i32, %c0_i32_0 : i32, i32
  }
  func.func @transform_2(%arg0: i32) -> (i32, i32) {
    %c0_i32 = arith.constant 0 : i32
    %c0_i32_0 = arith.constant 0 : i32
    %c0_i32_1 = arith.constant 0 : i32
    return %c0_i32, %c0_i32_0 : i32, i32
  }
  func.func @transform_3(%arg0: i32) -> (i32, i32) {
    %c0_i32 = arith.constant 0 : i32
    %c0_i32_0 = arith.constant 0 : i32
    %c0_i32_1 = arith.constant 0 : i32
    return %c0_i32, %c0_i32_0 : i32, i32
  }
  func.func @transform_4(%arg0: i32) -> (i32, i32) {
    %c0_i32 = arith.constant 0 : i32
    %c0_i32_0 = arith.constant 0 : i32
    %c0_i32_1 = arith.constant 0 : i32
    return %c0_i32, %c0_i32_0 : i32, i32
  }
  func.func @transform_5(%arg0: i32) -> (i32, i32) {
    %c0_i32 = arith.constant 0 : i32
    %c0_i32_0 = arith.constant 0 : i32
    return %arg0, %c0_i32 : i32, i32
  }
  func.func @transform_6(%arg0: i32) -> (i32, i32) {
    %c0_i32 = arith.constant 0 : i32
    %c0_i32_0 = arith.constant 0 : i32
    return %c0_i32, %arg0 : i32, i32
  }
}

</mosaic_0001>

<sc_bundles>
// kernel: kernel.4.cloned.1.call-start
scs
__scs_entry_jumppad:
0x0: {  	(pc) =	sbr.rel $0x88, $3  }
0x1: {  	(tag) =	ssettag $0x0;
	lr =	simm.s32 $0x1  }
0x2: {  	[smem:$0x3F9B] =	sst lr;
	_ =	strace $0xD0000000  }
0x3: {  	_ = 	snop  }
0x4: {  	_ = 	snop  }
0x5: {  	_ = 	snop  }
0x6: {  	_ = 	snop  }
0x7: {  	_ = 	snop  }
__scs_overlays_trampoline_lowered:
0x8: {  	[smem:$0x3FAA] =	sst s0  }
0x9: {  	[smem:$0x3FAB] =	sst s1  }
0xa: {  	[smem:$0x3FAC] =	sst s2  }
0xb: {  	[smem:$0x3FAD] =	sst s3  }
0xc: {  	[smem:$0x3FAE] =	sst s4  }
0xd: {  	[smem:$0x3FAF] =	sst s5  }
0xe: {  	[smem:$0x3FB0] =	sst s6  }
0xf: {  	[smem:$0x3FB1] =	sst s7  }
0x10: {  	[smem:$0x3FB2] =	sst s8  }
0x11: {  	[smem:$0x3FB3] =	sst s9;
	s0 =	simm.s32 @!p0 $0x0  }
0x12: {  	s1 =	sld [smem:$0x3F99];
	s0 =	simm.s32 @p0 $0x1  }
0x13: {  	[smem:$0x3FB4] =	sst s0;
	s0 =	simm.s32 @!p1 $0x0  }
0x14: {  	s2 =	sld [smem:$0x3F98];
	s0 =	simm.s32 @p1 $0x1  }
0x15: {  	[smem:$0x3FB5] =	sst s0;
	s0 =	simm.s32 @!p2 $0x0  }
0x16: {  	s3 =	sld [smem:$0x3FDB];
	s0 =	simm.s32 @p2 $0x1  }
0x17: {  	s4 =	simm.s32 $0x1BF5;
	[smem:$0x3FB7] =	sst s0  }
0x18: {  	s0 =	sld [smem:$0x3F9A];
	_ =	swait.ge [sflag:s4], $0x0  }
0x19: {  	s7 =	sld [smem:$0x3F9B]  }
0x1a: {  	s8 =	sadd.s32 $0xFFFFE003, lr  }
0x1b: {  	s9 =	sadd.s32 $0xFFFFFEF7, lr;
	s5 =	simm.s32 $0xFFFFFFFF;
	p2 =	slt.u32 s8, $0xFFFFF086  }
0x1c: {  	p1 =	slt.u32 s9, $0xF7A;
	s5 =	simm.s32 @!p2 $0x0  }
0x1d: {  	s5 =	simm.s32 @p1 $0x1;
	p0 =	seq.s32 s7, s2  }
0x1e: {  	s7 =	smul.u32 @!p0 $0xF7A, s2;
	p2 =	seq.s32 @!p0 s5, $0x0  }
0x1f: {  	s9 =	smul.u32 $0xF7A, s1;
	s8 =	simm.s32 @!p0 $0x1BF5;
	p2 =	por !p2, p0  }
0x20: {  	[sflag:s8] =	ssyncset.s32 @!p0 $0xFFFFF086;
	s6 =	sadd.s32 @!p0 s3, s7;
	s7 =	simm.s32 @!p0 $0x108  }
0x21: {  	s3 =	sadd.s32 s3, s9;
	s6 =	sadd.s32 @!p0 $0x88, s6;
	s7 =	simm.s32 @p2 $0x1082  }
0x22: {  	[simem:s7], [sflag:s8] =	dma.local @!p0 [hbm:s6], $0xF7A  }
0x23: {  	s9 =	sor.u32 $0xD0000000, s2;
	s6 =	simm.s32 $0x108;
	_ =	swait.ge @!p0 [sflag:s8], $0x0  }
0x24: {  	s3 =	sadd.s32 $0x88, s3;
	s6 =	simm.s32 @!p1 $0x1082;
	[sflag:s4] =	ssyncset.s32 $0xFFFFF086  }
0x25: {  	[simem:s6], [sflag:s4] =	dma.local [hbm:s3], $0xF7A  }
0x26: {  	[smem:$0x3F9B] =	sst s1;
	(tag) =	ssettag s2;
	_ =	strace s9  }
0x27: {  	s1 =	sld [smem:$0x3FAB]  }
0x28: {  	s2 =	sld [smem:$0x3FAC]  }
0x29: {  	s4 =	sld [smem:$0x3FAE]  }
0x2a: {  	p0 =	seq.s32 s5, $0x0;
	s5 =	sld [smem:$0x3FAF]  }
0x2b: {  	s6 =	sld [smem:$0x3FB0]  }
0x2c: {  	s7 =	sld [smem:$0x3FB1]  }
0x2d: {  	s3 =	simm.s32 $0x108;
	s8 =	sld [smem:$0x3FB2]  }
0x2e: {  	s3 =	simm.s32 @!p0 $0x1082;
	s9 =	sld [smem:$0x3FB3]  }
0x2f: {  	lr =	sadd.s32 s0, s3;
	s0 =	sld [smem:$0x3FAA]  }
0x30: {  	s3 =	sld [smem:$0x3FAD]  }
0x31: {  	[smem:$0x3FB6] =	sst s10  }
0x32: {  	s10 =	sld [smem:$0x3FB4];
	_ =	sdelay $0x3  }
0x33: {  	p0 =	seq.s32 s10, $0x1;
	s10 =	sld [smem:$0x3FB6];
	_ =	sdelay $0x3  }
0x34: {  	[smem:$0x3FB6] =	sst s10  }
0x35: {  	s10 =	sld [smem:$0x3FB5];
	_ =	sdelay $0x3  }
0x36: {  	p1 =	seq.s32 s10, $0x1;
	s10 =	sld [smem:$0x3FB6];
	_ =	sdelay $0x3  }
0x37: {  	[smem:$0x3FB6] =	sst s10  }
0x38: {  	s10 =	sld [smem:$0x3FB7]  }
0x39: {  	_ = 	snop;
	(pc) =	sbr.ind lr, $3  }
0x3a: {  	_ = 	snop  }
0x3b: {  	_ = 	snop  }
0x3c: {  	p2 =	seq.s32 s10, $0x1;
	s10 =	sld [smem:$0x3FB6]  }
0x3d: {  	_ =	shalt  }
0x3e: {  	_ =	shalt  }
0x3f: {  	_ =	shalt  }
0x40: {  	_ =	shalt  }
0x41: {  	_ =	shalt  }
0x42: {  	_ =	shalt  }
0x43: {  	_ =	shalt  }
0x44: {  	_ =	shalt  }
0x45: {  	_ =	shalt  }
0x46: {  	_ =	shalt  }
0x47: {  	_ =	shalt  }
0x48: {  	_ =	shalt  }
0x49: {  	_ =	shalt  }
0x4a: {  	_ =	shalt  }
0x4b: {  	_ =	shalt  }
0x4c: {  	_ =	shalt  }
0x4d: {  	_ =	shalt  }
0x4e: {  	_ =	shalt  }
0x4f: {  	_ =	shalt  }
0x50: {  	_ =	shalt  }
0x51: {  	_ =	shalt  }
0x52: {  	_ =	shalt  }
0x53: {  	_ =	shalt  }
0x54: {  	_ =	shalt  }
0x55: {  	_ =	shalt  }
0x56: {  	_ =	shalt  }
0x57: {  	_ =	shalt  }
0x58: {  	_ =	shalt  }
0x59: {  	_ =	shalt  }
0x5a: {  	_ =	shalt  }
0x5b: {  	_ =	shalt  }
0x5c: {  	_ =	shalt  }
0x5d: {  	_ =	shalt  }
0x5e: {  	_ =	shalt  }
0x5f: {  	_ =	shalt  }
0x60: {  	_ =	shalt  }
0x61: {  	_ =	shalt  }
0x62: {  	_ =	shalt  }
0x63: {  	_ =	shalt  }
0x64: {  	_ =	shalt  }
0x65: {  	_ =	shalt  }
0x66: {  	_ =	shalt  }
0x67: {  	_ =	shalt  }
0x68: {  	_ =	shalt  }
0x69: {  	_ =	shalt  }
0x6a: {  	_ =	shalt  }
0x6b: {  	_ =	shalt  }
0x6c: {  	_ =	shalt  }
0x6d: {  	_ =	shalt  }
0x6e: {  	_ =	shalt  }
0x6f: {  	_ =	shalt  }
0x70: {  	_ =	shalt  }
0x71: {  	_ =	shalt  }
0x72: {  	_ =	shalt  }
0x73: {  	_ =	shalt  }
0x74: {  	_ =	shalt  }
0x75: {  	_ =	shalt  }
0x76: {  	_ =	shalt  }
0x77: {  	_ =	shalt  }
0x78: {  	_ =	shalt  }
0x79: {  	_ =	shalt  }
0x7a: {  	_ =	shalt  }
0x7b: {  	_ =	shalt  }
0x7c: {  	_ =	shalt  }
0x7d: {  	_ =	shalt  }
0x7e: {  	_ =	shalt  }
0x7f: {  	_ =	shalt  }
0x80: {  	_ =	shalt  }
0x81: {  	_ =	shalt  }
0x82: {  	_ =	shalt  }
0x83: {  	_ =	shalt  }
0x84: {  	_ =	shalt  }
0x85: {  	_ =	shalt  }
0x86: {  	_ =	shalt  }
0x87: {  	_ =	shalt  }
.Lfunc_end0:
.L_simem_size_0:
called_computation_lowered:
.L_overlay_start_0:
0x88: {  	s2 =	sld [smem:$0x3FD9]  }
0x89: {  	s3 =	sld [smem:$0x3FFE];
	_ =	sdelay $0x1  }
0x8a: {  	s1 =	srdreg.scid  }
0x8b: {  	s0 =	sand.u32 $0x1, s1  }
0x8c: {  	s17 =	sshll.u32 s0, $0xA;
	s2 =	sadd.s32 s3, s2  }
0x8d: {  	s2 =	sadd.s32 s2, s17  }
0x8e: {  	[smem:$0x3FC2] =	sst s2  }
0x8f: {  	_ = 	snop  }
0x90: {  	s2 =	sld [smem:$0x3FD0];
	(tm) =	ssettm $0x1  }
0x91: {  	s18 =	sld [smem:$0x3FFB];
	_ =	sdelay $0x3  }
0x92: {  	_ =	strace s18  }
0x93: {  	s3 =	sld [smem:$0x3FFC];
	_ =	sdelay $0x3  }
0x94: {  	_ =	strace s3  }
0x95: {  	s3 =	sld [smem:$0x3FFD];
	_ =	sdelay $0x3  }
0x96: {  	_ =	strace s3  }
0x97: {  	_ =	strace $0x8FFFFFFF  }
0x98: {  	s19 =	sld [smem:$0x3FDB];
	_ =	sdelay $0x1  }
0x99: {  	s4 =	simm.s32 $_scs_section_size  }
0x9a: {  	s5 =	simm.s32 $_size__tile_overlayer_lowered;
	s6 =	simm.s32 $_tile_overlayer_lowered  }
0x9b: {  	s22 =	simm.s32 $0x1BFF;
	s21 =	sshll.u32 s6, $0x1;
	s3 =	sadd.s32 s4, s19  }
0x9c: {  	s7 =	simm.s32 $0x0;
	s20 =	sshll.u32 s5, $0x1;
	s5 =	sadd.s32 s21, s3  }
0x9d: {  	[timem:s7], [sflag:s22] =	dma.local [hbm:s5], s20  }
0x9e: {  	_ =	swait.ge [sflag:s22], s20  }
0x9f: {  	s4 =	ssub.s32 $0x0, s20;
	[sflag:s22] =	ssyncset.done $0x0  }
0xa0: {  	[sflag:s22] =	ssyncadd.s32 s4;
	_ =	sdelay $0x1  }
0xa1: {  	s23 =	simm.s32 $0x1B8B  }
0xa2: {  	_ =	swait.ge [sflag:s23], $0x1  }
0xa3: {  	[sflag:s23] =	ssyncset.done $0x0  }
0xa4: {  	s25 =	simm.s32 $0x1B8E;
	s24 =	sld [smem:$0x3FFE];
	[sflag:s23] =	ssyncadd.s32 $0xFFFFFFFF  }
0xa5: {  	s26 =	simm.s32 $execute0_lowered;
	[smem:$0x3FD2] =	sst s25  }
0xa6: {  	s5 =	sshll.u32 s26, $0x1;
	_ =	strace $0x80000046;
	[dreg:$0x1] =	wrdreg $0xFFFFFFFF  }
0xa7: {  	s28 =	simm.s32 $_size_execute0_lowered;
	s3 =	sadd.s32 s3, s5;
	[dreg:$0x0] =	wrdreg $0x0  }
0xa8: {  	s5 =	sshll.u32 s28, $0x1;
	[dreg:$0x2] =	wrdreg s3  }
0xa9: {  	[dreg:$0x3] =	wrdreg s5  }
0xaa: {  	[dreg:$0x4] =	wrdreg $0xC0  }
0xab: {  	_ =	task [dreg:s7], $0x5FFFF  }
0xac: {  	[dreg:$0x1] =	wrdreg $0xFFFFFFFF  }
0xad: {  	[dreg:$0x0] =	wrdreg $0x60  }
0xae: {  	[dreg:$0x2] =	wrdreg s24  }
0xaf: {  	[dreg:$0x3] =	wrdreg s2  }
0xb0: {  	[dreg:$0x4] =	wrdreg $0x15B400  }
0xb1: {  	[dreg:$0x5] =	wrdreg $0x9  }
0xb2: {  	_ =	task.clear_ibuf [dreg:s7], $0x6FFFF;
	_ =	strace $0x90000046  }
0xb3: {  	s29 =	simm.s32 $0x9;
	_ =	strace $0x80000048  }
0xb4: {  	_ =	swait.ge [sflag:s29], $0x1  }
0xb5: {  	[sflag:s29] =	ssyncadd.s32 $0xFFFFFFFF  }
0xb6: {  	_ =	strace $0x90000048  }
0xb7: {  	_ =	sfence  }
0xb8: {  	s30 =	sld [smem:$0x0];
	_ =	sdelay $0x2  }
0xb9: {  	s31 =	sshll.u32 s1, $0xD;
	s1 =	sshrl.u32 s1, $0x2  }
0xba: {  	s3 =	sand.u32 $0x4000, s31;
	s1 =	sadd.s32 s1, s30  }
0xbb: {  	s0 =	sor.u32 s3, s0;
	s1 =	sshll.u32 s1, $0x11  }
0xbc: {  	s0 =	sor.u32 s1, s0  }
0xbd: {  	s0 =	sadd.s32 $0x8F2B, s0  }
0xbe: {  	[sflag:s0] =	ssyncadd.remote.s32 $0x1  }
0xbf: {  	_ =	sfence.sel $0xFFFF  }
0xc0: {  	[dreg:$0x0] =	wrdreg $0xFFFFFFFF;
	(pc) =	sbr.abs _section_cstart, $3  }
0xc1: {  	[dreg:$0x1] =	wrdreg $0xFFFFFFFF  }
0xc2: {  	_ =	task.clear_ibuf [dreg:s7], $0x2FFFF;
	_ =	strace $0x9FFFFFFF  }
0xc3: {  	(tm) =	ssettm $0x7FFFFFFF  }
tec
execute0_lowered:
.L_overlay_start_1:
0x0: {  	(tag) =	ssettag $0x1  }
0x1: {  	v0 =	vlaneseq.u32  }
0x2: {  	s1 =	rddreg [dreg:$0x0];
	v1 =	vmul.u32 $0x20, v0  }
0x3: {  	s9 =	rddreg [dreg:$0x1];
	s3 =	simm.s32 $0x0  }
0x4: {  	[smem:$0x7FF] =	sst s3;
	v2 =	vor.u32 $0x1F, v1  }
0x5: {  	s2 =	rddreg [dreg:$0x2];
	_ =	strace $0x80000047;
	v30 =	vor.u32 $0xB, v1;
	[tilespmem:$0x1FEB0] =	vst v2  }
0x6: {  	v31 =	vor.u32 $0xC, v1;
	[tilespmem:$0x1FEC0] =	vst v30  }
0x7: {  	v32 =	vor.u32 $0xD, v1;
	[tilespmem:$0x1FED0] =	vst v31  }
0x8: {  	v5 =	vor.u32 $0xE, v1;
	[tilespmem:$0x1FEE0] =	vst v32  }
0x9: {  	v6 =	vor.u32 $0xF, v1;
	[tilespmem:$0x1FEF0] =	vst v5  }
0xa: {  	v7 =	vor.u32 $0x10, v1;
	[tilespmem:$0x1FF00] =	vst v6  }
0xb: {  	v8 =	vor.u32 $0x11, v1;
	[tilespmem:$0x1FF10] =	vst v7  }
0xc: {  	s12 =	stileid.u32;
	v9 =	vor.u32 $0x12, v1;
	[tilespmem:$0x1FF20] =	vst v8  }
0xd: {  	s0 =	srdreg.scid;
	s14 =	simm.s32 $0x80;
	s16 =	simm.s32 $0x9B40;
	v10 =	vor.u32 $0x13, v1;
	[tilespmem:$0x1FF30] =	vst v9  }
0xe: {  	s17 =	simm.s32 $0x2800;
	s18 =	simm.s32 $0x1;
	s19 =	simm.s32 $0x5140;
	v11 =	vor.u32 $0x14, v1;
	[tilespmem:$0x1FF40] =	vst v10  }
0xf: {  	s20 =	simm.s32 $0xBB40;
	s21 =	simm.s32 $0x2;
	s22 =	simm.s32 $0x0;
	v12 =	vor.u32 $0x15, v1;
	[tilespmem:$0x1FF50] =	vst v11  }
0x10: {  	s4 =	sand.u32 $0x1, s0;
	s24 =	sshll.u32 s12, $0x1;
	s5 =	smul.u32 $0x14000, s12;
	v13 =	vor.u32 $0x16, v1;
	[tilespmem:$0x1FF60] =	vst v12  }
0x11: {  	s26 =	sadd.s32 $0x1F400, s1;
	s12 =	sshll.u32 s12, $0x6;
	s0 =	sor.u32 s4, s24;
	v14 =	vor.u32 $0x17, v1;
	[tilespmem:$0x1FF70] =	vst v13  }
0x12: {  	s25 =	ssub.s32 $0x2, s4;
	[dreg:$0x4] =	wrdreg s26;
	s6 =	smul.u32 $0x28, s0;
	v15 =	vor.u32 $0x18, v1;
	[tilespmem:$0x1FF80] =	vst v14  }
0x13: {  	s12 =	sor.u32 $0x1C03, s12;
	s7 =	sshrl.u32 s5, $0x4;
	s8 =	smul.u32 $0x500, s0;
	v16 =	vor.u32 $0x19, v1;
	[tilespmem:$0x1FF90] =	vst v15  }
0x14: {  	s28 =	sshrl.u32 s25, $0x1;
	s29 =	sshrl.u32 s5, $0x1;
	s30 =	smul.u32 $0x1400, s0;
	v17 =	vor.u32 $0x1A, v1;
	[tilespmem:$0x1FFA0] =	vst v16  }
0x15: {  	v20 =	vor.u32 $0x1, v1;
	v18 =	vor.u32 $0x1B, v1;
	p0 =	seq.s32 s0, $0x1F;
	s7 =	sadd.s32 s7, s1;
	s11 =	ssub.s32 s25, s28;
	[tilespmem:$0x1FFB0] =	vst v17  }
0x16: {  	v21 =	vor.u32 $0x2, v1;
	v22 =	vor.u32 $0x3, v1;
	v19 =	vor.u32 $0x1C, v1;
	s31 =	sadd.s32 s29, s2;
	[tilespmem:$0x1FFC0] =	vst v18;
	s10 =	sadd.s32 s6, s1;
	s1 =	sadd.s32 s8, s1  }
0x17: {  	v23 =	vor.u32 $0x4, v1;
	v24 =	vor.u32 $0x5, v1;
	v62 =	vor.u32 $0x1D, v1;
	[tilespmem:$0x1FFD0] =	vst v19;
	s6 =	sadd.s32 $0xB400, s7;
	s8 =	sadd.s32 s9, s30;
	s9 =	sadd.s32 $0x26C00, s9  }
0x18: {  	v25 =	vor.u32 $0x6, v1;
	v26 =	vor.u32 $0x7, v1;
	v63 =	vor.u32 $0x1E, v1;
	[tilespmem:$0x1FFE0] =	vst v62;
	s13 =	sshrl.u32 s31, $0x3;
	s1 =	sadd.s32 $0x1400, s1;
	s7 =	sadd.s32 $0x1FA00, s10  }
0x19: {  	v27 =	vor.u32 $0x8, v1;
	v28 =	vor.u32 $0x9, v1;
	v29 =	vor.u32 $0xA, v1;
	[tilespmem:$0x1FFF0] =	vst v63;
	s10 =	smax.u32 s11, $0x1;
	s11 =	simm.s32 $0x3;
	[dreg:$0x5] =	wrdreg s1  }
.LBB2_1:
0x1a: {  	s0 =	rddreg [dreg:$0x5]  }
0x1b: {  	[tilespmem:s3], [sflag:$0x3] =	stream.linear.gather [hbm4b:s0+s3], $0x2800, $0x38;
	[tilespmem:$0x1FB40] =	vst v63  }
0x1c: {  	_ =	swait.ge [sflag:s11], $0x2800  }
0x1d: {  	[sflag:s11] =	ssyncset.done $0x0  }
0x1e: {  	[sflag:s11] =	ssyncadd.s32 $0xFFFFD800  }
0x1f: {  	[spmem:s13], [sflag:s12] =	dma.local [hbm:s6], $0x1400  }
0x20: {  	_ =	swait.ge [sflag:s11], $0x1400  }
0x21: {  	[sflag:s11] =	ssyncset.done $0x0  }
0x22: {  	[sflag:s11] =	ssyncadd.s32 $0xFFFFEC00  }
0x23: {  	s30 =	simm.s32 $0x7B40;
	[bflag:$0x0] =	sbarrier.arrive $0xFFFF  }
0x24: {  	[tilespmem:s30], [sflag:$0x1] =	stream.indirect.gather [spmem:s2], $0x40, s3, s14, $0xb8;
	[tilespmem:$0x1FB40] =	vst v63  }
0x25: {  	_ = 	snop  }
0x26: {  	[tilespmem:s16], [sflag:$0x2] =	stream.indirect.gather [spmem:s2], $0x40, s14, s14, $0xb8;
	[tilespmem:$0x1FB40] =	vst v63  }
0x27: {  	s31 =	rddreg [dreg:$0x4]  }
0x28: {  	[tilespmem:s17], [sflag:$0x3] =	stream.linear.gather [hbm4b:s31+s3], $0x2800, $0x38;
	[tilespmem:$0x1FB40] =	vst v63  }
0x29: {  	_ =	swait.ge [sflag:s11], $0x2800  }
0x2a: {  	[sflag:s11] =	ssyncset.done $0x0  }
0x2b: {  	s24 =	simm.s32 $0x5000;
	[sflag:s11] =	ssyncadd.s32 $0xFFFFD800  }
0x2c: {  	[tilespmem:s24], [sflag:$0x3] =	stream.linear.gather [hbm4b:s7+s3], $0x140, $0x38;
	[tilespmem:$0x1FB40] =	vst v63  }
0x2d: {  	_ =	swait.ge [sflag:s11], $0x140  }
0x2e: {  	[sflag:s11] =	ssyncset.done $0x0  }
0x2f: {  	s25 =	simm.s32 $0x5240;
	s26 =	simm.s32 $0x0;
	[sflag:s11] =	ssyncadd.s32 $0xFFFFFEC0  }
.LBB2_2:
0x30: {  	v2 =	vor.u32 s26, v1;
	_ =	sdelay $0x3  }
0x31: {  	s23 =	simm.s32 $0x0  }
0x32: {  	v2 =	vld.idx.msk [tilespmem:v2+s23+$0x0], $0xffff;
	_ =	sdelay $0x6  }
0x33: {  	v34 =	vld [tilespmem:s24+$0x0]  }
0x34: {  	v2 =	vld.idx.msk [tilespmem:v2+s17+$0x0], $0xffff;
	_ =	sdelay $0x4  }
0x35: {  	v2 =	vadd.f32 v2, v34  }
0x36: {  	v3 =	vor.u32 s26, v20  }
0x37: {  	v4 =	vmul.f32 $2.000000030e-01, v2  }
0x38: {  	vm0 =	vgt.f32 v2, $0.0e+00  }
0x39: {  	v33 =	vsel vm0, v2, v4  }
0x3a: {  	[tilespmem:$0x7940] =	vst v33  }
0x3b: {  	v2 =	vld.idx.msk [tilespmem:v3+s23+$0x0], $0xffff;
	_ =	sdelay $0x7  }
0x3c: {  	v2 =	vld.idx.msk [tilespmem:v2+s17+$0x0], $0xffff;
	_ =	sdelay $0x4  }
0x3d: {  	v2 =	vadd.f32 v2, v34  }
0x3e: {  	v3 =	vor.u32 s26, v21  }
0x3f: {  	v4 =	vmul.f32 $2.000000030e-01, v2  }
0x40: {  	vm9 =	vgt.f32 v2, $0.0e+00  }
0x41: {  	v35 =	vsel vm9, v2, v4  }
0x42: {  	[tilespmem:$0x7950] =	vst v35  }
0x43: {  	v2 =	vld.idx.msk [tilespmem:v3+s23+$0x0], $0xffff;
	_ =	sdelay $0x7  }
0x44: {  	v2 =	vld.idx.msk [tilespmem:v2+s17+$0x0], $0xffff;
	_ =	sdelay $0x4  }
0x45: {  	v2 =	vadd.f32 v2, v34  }
0x46: {  	v3 =	vor.u32 s26, v22  }
0x47: {  	v4 =	vmul.f32 $2.000000030e-01, v2  }
0x48: {  	vm10 =	vgt.f32 v2, $0.0e+00  }
0x49: {  	v36 =	vsel vm10, v2, v4  }
0x4a: {  	[tilespmem:$0x7960] =	vst v36  }
0x4b: {  	v2 =	vld.idx.msk [tilespmem:v3+s23+$0x0], $0xffff;
	_ =	sdelay $0x7  }
0x4c: {  	v2 =	vld.idx.msk [tilespmem:v2+s17+$0x0], $0xffff;
	_ =	sdelay $0x4  }
0x4d: {  	v2 =	vadd.f32 v2, v34  }
0x4e: {  	v3 =	vor.u32 s26, v23  }
0x4f: {  	v4 =	vmul.f32 $2.000000030e-01, v2  }
0x50: {  	vm11 =	vgt.f32 v2, $0.0e+00  }
0x51: {  	v37 =	vsel vm11, v2, v4  }
0x52: {  	[tilespmem:$0x7970] =	vst v37  }
0x53: {  	v2 =	vld.idx.msk [tilespmem:v3+s23+$0x0], $0xffff;
	_ =	sdelay $0x7  }
0x54: {  	v2 =	vld.idx.msk [tilespmem:v2+s17+$0x0], $0xffff;
	_ =	sdelay $0x4  }
0x55: {  	v2 =	vadd.f32 v2, v34  }
0x56: {  	v3 =	vor.u32 s26, v24  }
0x57: {  	v4 =	vmul.f32 $2.000000030e-01, v2  }
0x58: {  	vm12 =	vgt.f32 v2, $0.0e+00  }
0x59: {  	v38 =	vsel vm12, v2, v4  }
0x5a: {  	[tilespmem:$0x7980] =	vst v38  }
0x5b: {  	v2 =	vld.idx.msk [tilespmem:v3+s23+$0x0], $0xffff;
	_ =	sdelay $0x7  }
0x5c: {  	v2 =	vld.idx.msk [tilespmem:v2+s17+$0x0], $0xffff;
	_ =	sdelay $0x4  }
0x5d: {  	v2 =	vadd.f32 v2, v34  }
0x5e: {  	v3 =	vor.u32 s26, v25  }
0x5f: {  	v4 =	vmul.f32 $2.000000030e-01, v2  }
0x60: {  	vm13 =	vgt.f32 v2, $0.0e+00  }
0x61: {  	v39 =	vsel vm13, v2, v4  }
0x62: {  	[tilespmem:$0x7990] =	vst v39  }
0x63: {  	v2 =	vld.idx.msk [tilespmem:v3+s23+$0x0], $0xffff;
	_ =	sdelay $0x7  }
0x64: {  	v2 =	vld.idx.msk [tilespmem:v2+s17+$0x0], $0xffff;
	_ =	sdelay $0x4  }
0x65: {  	v2 =	vadd.f32 v2, v34  }
0x66: {  	v3 =	vor.u32 s26, v26  }
0x67: {  	v4 =	vmul.f32 $2.000000030e-01, v2  }
0x68: {  	vm14 =	vgt.f32 v2, $0.0e+00  }
0x69: {  	v40 =	vsel vm14, v2, v4  }
0x6a: {  	[tilespmem:$0x79A0] =	vst v40  }
0x6b: {  	v2 =	vld.idx.msk [tilespmem:v3+s23+$0x0], $0xffff;
	_ =	sdelay $0x7  }
0x6c: {  	v2 =	vld.idx.msk [tilespmem:v2+s17+$0x0], $0xffff;
	_ =	sdelay $0x4  }
0x6d: {  	v2 =	vadd.f32 v2, v34  }
0x6e: {  	v3 =	vor.u32 s26, v27  }
0x6f: {  	v4 =	vmul.f32 $2.000000030e-01, v2  }
0x70: {  	vm15 =	vgt.f32 v2, $0.0e+00  }
0x71: {  	v41 =	vsel vm15, v2, v4  }
0x72: {  	[tilespmem:$0x79B0] =	vst v41  }
0x73: {  	v2 =	vld.idx.msk [tilespmem:v3+s23+$0x0], $0xffff;
	_ =	sdelay $0x7  }
0x74: {  	v2 =	vld.idx.msk [tilespmem:v2+s17+$0x0], $0xffff;
	_ =	sdelay $0x4  }
0x75: {  	v2 =	vadd.f32 v2, v34  }
0x76: {  	v3 =	vor.u32 s26, v28  }
0x77: {  	v4 =	vmul.f32 $2.000000030e-01, v2  }
0x78: {  	vm4 =	vgt.f32 v2, $0.0e+00  }
0x79: {  	v42 =	vsel vm4, v2, v4  }
0x7a: {  	[tilespmem:$0x79C0] =	vst v42  }
0x7b: {  	v2 =	vld.idx.msk [tilespmem:v3+s23+$0x0], $0xffff;
	_ =	sdelay $0x7  }
0x7c: {  	v2 =	vld.idx.msk [tilespmem:v2+s17+$0x0], $0xffff;
	_ =	sdelay $0x4  }
0x7d: {  	v2 =	vadd.f32 v2, v34  }
0x7e: {  	v3 =	vor.u32 s26, v29  }
0x7f: {  	v4 =	vmul.f32 $2.000000030e-01, v2  }
0x80: {  	vm5 =	vgt.f32 v2, $0.0e+00  }
0x81: {  	v43 =	vsel vm5, v2, v4  }
0x82: {  	[tilespmem:$0x79D0] =	vst v43  }
0x83: {  	v2 =	vld.idx.msk [tilespmem:v3+s23+$0x0], $0xffff;
	_ =	sdelay $0x7  }
0x84: {  	v2 =	vld.idx.msk [tilespmem:v2+s17+$0x0], $0xffff;
	_ =	sdelay $0x4  }
0x85: {  	v2 =	vadd.f32 v2, v34  }
0x86: {  	v3 =	vor.u32 s26, v30  }
0x87: {  	v4 =	vmul.f32 $2.000000030e-01, v2  }
0x88: {  	vm6 =	vgt.f32 v2, $0.0e+00  }
0x89: {  	v44 =	vsel vm6, v2, v4  }
0x8a: {  	[tilespmem:$0x79E0] =	vst v44  }
0x8b: {  	v2 =	vld.idx.msk [tilespmem:v3+s23+$0x0], $0xffff;
	_ =	sdelay $0x7  }
0x8c: {  	v2 =	vld.idx.msk [tilespmem:v2+s17+$0x0], $0xffff;
	_ =	sdelay $0x4  }
0x8d: {  	v2 =	vadd.f32 v2, v34  }
0x8e: {  	v3 =	vor.u32 s26, v31  }
0x8f: {  	v4 =	vmul.f32 $2.000000030e-01, v2  }
0x90: {  	vm7 =	vgt.f32 v2, $0.0e+00  }
0x91: {  	v45 =	vsel vm7, v2, v4  }
0x92: {  	[tilespmem:$0x79F0] =	vst v45  }
0x93: {  	v2 =	vld.idx.msk [tilespmem:v3+s23+$0x0], $0xffff;
	_ =	sdelay $0x7  }
0x94: {  	v2 =	vld.idx.msk [tilespmem:v2+s17+$0x0], $0xffff;
	_ =	sdelay $0x4  }
0x95: {  	v2 =	vadd.f32 v2, v34  }
0x96: {  	v3 =	vor.u32 s26, v32  }
0x97: {  	v4 =	vmul.f32 $2.000000030e-01, v2  }
0x98: {  	vm8 =	vgt.f32 v2, $0.0e+00  }
0x99: {  	v46 =	vsel vm8, v2, v4  }
0x9a: {  	[tilespmem:$0x7A00] =	vst v46  }
0x9b: {  	v2 =	vld.idx.msk [tilespmem:v3+s23+$0x0], $0xffff;
	_ =	sdelay $0x7  }
0x9c: {  	v2 =	vld.idx.msk [tilespmem:v2+s17+$0x0], $0xffff;
	_ =	sdelay $0x4  }
0x9d: {  	v2 =	vadd.f32 v2, v34  }
0x9e: {  	v3 =	vor.u32 s26, v5  }
0x9f: {  	v4 =	vmul.f32 $2.000000030e-01, v2  }
0xa0: {  	vm9 =	vgt.f32 v2, $0.0e+00  }
0xa1: {  	v47 =	vsel vm9, v2, v4  }
0xa2: {  	[tilespmem:$0x7A10] =	vst v47  }
0xa3: {  	v2 =	vld.idx.msk [tilespmem:v3+s23+$0x0], $0xffff;
	_ =	sdelay $0x7  }
0xa4: {  	v2 =	vld.idx.msk [tilespmem:v2+s17+$0x0], $0xffff;
	_ =	sdelay $0x4  }
0xa5: {  	v2 =	vadd.f32 v2, v34  }
0xa6: {  	v3 =	vor.u32 s26, v6  }
0xa7: {  	v4 =	vmul.f32 $2.000000030e-01, v2  }
0xa8: {  	vm10 =	vgt.f32 v2, $0.0e+00  }
0xa9: {  	v48 =	vsel vm10, v2, v4  }
0xaa: {  	[tilespmem:$0x7A20] =	vst v48  }
0xab: {  	v2 =	vld.idx.msk [tilespmem:v3+s23+$0x0], $0xffff;
	_ =	sdelay $0x7  }
0xac: {  	v2 =	vld.idx.msk [tilespmem:v2+s17+$0x0], $0xffff;
	_ =	sdelay $0x4  }
0xad: {  	v2 =	vadd.f32 v2, v34  }
0xae: {  	v3 =	vor.u32 s26, v7  }
0xaf: {  	v4 =	vmul.f32 $2.000000030e-01, v2  }
0xb0: {  	vm11 =	vgt.f32 v2, $0.0e+00  }
0xb1: {  	v49 =	vsel vm11, v2, v4  }
0xb2: {  	[tilespmem:$0x7A30] =	vst v49  }
0xb3: {  	v2 =	vld.idx.msk [tilespmem:v3+s23+$0x0], $0xffff;
	_ =	sdelay $0x7  }
0xb4: {  	v2 =	vld.idx.msk [tilespmem:v2+s17+$0x0], $0xffff;
	_ =	sdelay $0x4  }
0xb5: {  	v2 =	vadd.f32 v2, v34  }
0xb6: {  	v3 =	vor.u32 s26, v8  }
0xb7: {  	v4 =	vmul.f32 $2.000000030e-01, v2  }
0xb8: {  	vm12 =	vgt.f32 v2, $0.0e+00  }
0xb9: {  	v50 =	vsel vm12, v2, v4  }
0xba: {  	[tilespmem:$0x7A40] =	vst v50  }
0xbb: {  	v2 =	vld.idx.msk [tilespmem:v3+s23+$0x0], $0xffff;
	_ =	sdelay $0x7  }
0xbc: {  	v2 =	vld.idx.msk [tilespmem:v2+s17+$0x0], $0xffff;
	_ =	sdelay $0x4  }
0xbd: {  	v2 =	vadd.f32 v2, v34  }
0xbe: {  	v3 =	vor.u32 s26, v9  }
0xbf: {  	v4 =	vmul.f32 $2.000000030e-01, v2  }
0xc0: {  	vm13 =	vgt.f32 v2, $0.0e+00  }
0xc1: {  	v51 =	vsel vm13, v2, v4  }
0xc2: {  	[tilespmem:$0x7A50] =	vst v51  }
0xc3: {  	v2 =	vld.idx.msk [tilespmem:v3+s23+$0x0], $0xffff;
	_ =	sdelay $0x7  }
0xc4: {  	v2 =	vld.idx.msk [tilespmem:v2+s17+$0x0], $0xffff;
	_ =	sdelay $0x4  }
0xc5: {  	v2 =	vadd.f32 v2, v34  }
0xc6: {  	v3 =	vor.u32 s26, v10  }
0xc7: {  	v4 =	vmul.f32 $2.000000030e-01, v2  }
0xc8: {  	vm14 =	vgt.f32 v2, $0.0e+00  }
0xc9: {  	v52 =	vsel vm14, v2, v4  }
0xca: {  	[tilespmem:$0x7A60] =	vst v52  }
0xcb: {  	v2 =	vld.idx.msk [tilespmem:v3+s23+$0x0], $0xffff;
	_ =	sdelay $0x7  }
0xcc: {  	v2 =	vld.idx.msk [tilespmem:v2+s17+$0x0], $0xffff;
	_ =	sdelay $0x4  }
0xcd: {  	v2 =	vadd.f32 v2, v34  }
0xce: {  	v3 =	vor.u32 s26, v11  }
0xcf: {  	v4 =	vmul.f32 $2.000000030e-01, v2  }
0xd0: {  	vm15 =	vgt.f32 v2, $0.0e+00  }
0xd1: {  	v53 =	vsel vm15, v2, v4  }
0xd2: {  	[tilespmem:$0x7A70] =	vst v53  }
0xd3: {  	v2 =	vld.idx.msk [tilespmem:v3+s23+$0x0], $0xffff;
	_ =	sdelay $0x7  }
0xd4: {  	v2 =	vld.idx.msk [tilespmem:v2+s17+$0x0], $0xffff;
	_ =	sdelay $0x4  }
0xd5: {  	v2 =	vadd.f32 v2, v34  }
0xd6: {  	v3 =	vor.u32 s26, v12  }
0xd7: {  	v4 =	vmul.f32 $2.000000030e-01, v2  }
0xd8: {  	vm4 =	vgt.f32 v2, $0.0e+00  }
0xd9: {  	v54 =	vsel vm4, v2, v4  }
0xda: {  	[tilespmem:$0x7A80] =	vst v54  }
0xdb: {  	v2 =	vld.idx.msk [tilespmem:v3+s23+$0x0], $0xffff;
	_ =	sdelay $0x7  }
0xdc: {  	v2 =	vld.idx.msk [tilespmem:v2+s17+$0x0], $0xffff;
	_ =	sdelay $0x4  }
0xdd: {  	v2 =	vadd.f32 v2, v34  }
0xde: {  	v3 =	vor.u32 s26, v13  }
0xdf: {  	v4 =	vmul.f32 $2.000000030e-01, v2  }
0xe0: {  	vm5 =	vgt.f32 v2, $0.0e+00  }
0xe1: {  	v55 =	vsel vm5, v2, v4  }
0xe2: {  	[tilespmem:$0x7A90] =	vst v55  }
0xe3: {  	v2 =	vld.idx.msk [tilespmem:v3+s23+$0x0], $0xffff;
	_ =	sdelay $0x7  }
0xe4: {  	v2 =	vld.idx.msk [tilespmem:v2+s17+$0x0], $0xffff;
	_ =	sdelay $0x4  }
0xe5: {  	v2 =	vadd.f32 v2, v34  }
0xe6: {  	v3 =	vor.u32 s26, v14  }
0xe7: {  	v4 =	vmul.f32 $2.000000030e-01, v2  }
0xe8: {  	vm6 =	vgt.f32 v2, $0.0e+00  }
0xe9: {  	v56 =	vsel vm6, v2, v4  }
0xea: {  	[tilespmem:$0x7AA0] =	vst v56  }
0xeb: {  	v2 =	vld.idx.msk [tilespmem:v3+s23+$0x0], $0xffff;
	_ =	sdelay $0x7  }
0xec: {  	v2 =	vld.idx.msk [tilespmem:v2+s17+$0x0], $0xffff;
	_ =	sdelay $0x4  }
0xed: {  	v2 =	vadd.f32 v2, v34  }
0xee: {  	v3 =	vor.u32 s26, v15  }
0xef: {  	v4 =	vmul.f32 $2.000000030e-01, v2  }
0xf0: {  	vm7 =	vgt.f32 v2, $0.0e+00  }
0xf1: {  	v57 =	vsel vm7, v2, v4  }
0xf2: {  	[tilespmem:$0x7AB0] =	vst v57  }
0xf3: {  	v2 =	vld.idx.msk [tilespmem:v3+s23+$0x0], $0xffff;
	_ =	sdelay $0x7  }
0xf4: {  	v2 =	vld.idx.msk [tilespmem:v2+s17+$0x0], $0xffff;
	_ =	sdelay $0x4  }
0xf5: {  	v2 =	vadd.f32 v2, v34  }
0xf6: {  	v3 =	vor.u32 s26, v16  }
0xf7: {  	v4 =	vmul.f32 $2.000000030e-01, v2  }
0xf8: {  	vm8 =	vgt.f32 v2, $0.0e+00  }
0xf9: {  	v58 =	vsel vm8, v2, v4  }
0xfa: {  	[tilespmem:$0x7AC0] =	vst v58  }
0xfb: {  	v2 =	vld.idx.msk [tilespmem:v3+s23+$0x0], $0xffff;
	_ =	sdelay $0x7  }
0xfc: {  	v2 =	vld.idx.msk [tilespmem:v2+s17+$0x0], $0xffff;
	_ =	sdelay $0x4  }
0xfd: {  	v2 =	vadd.f32 v2, v34  }
0xfe: {  	v3 =	vor.u32 s26, v17  }
0xff: {  	v4 =	vmul.f32 $2.000000030e-01, v2  }
0x100: {  	vm9 =	vgt.f32 v2, $0.0e+00  }
0x101: {  	v59 =	vsel vm9, v2, v4  }
0x102: {  	[tilespmem:$0x7AD0] =	vst v59  }
0x103: {  	v2 =	vld.idx.msk [tilespmem:v3+s23+$0x0], $0xffff;
	_ =	sdelay $0x7  }
0x104: {  	v2 =	vld.idx.msk [tilespmem:v2+s17+$0x0], $0xffff;
	_ =	sdelay $0x4  }
0x105: {  	v2 =	vadd.f32 v2, v34  }
0x106: {  	v3 =	vor.u32 s26, v18  }
0x107: {  	v4 =	vmul.f32 $2.000000030e-01, v2  }
0x108: {  	vm10 =	vgt.f32 v2, $0.0e+00  }
0x109: {  	v60 =	vsel vm10, v2, v4  }
0x10a: {  	[tilespmem:$0x7AE0] =	vst v60  }
0x10b: {  	v2 =	vld.idx.msk [tilespmem:v3+s23+$0x0], $0xffff;
	_ =	sdelay $0x7  }
0x10c: {  	v2 =	vld.idx.msk [tilespmem:v2+s17+$0x0], $0xffff;
	_ =	sdelay $0x4  }
0x10d: {  	v2 =	vadd.f32 v2, v34  }
0x10e: {  	v3 =	vor.u32 s26, v19  }
0x10f: {  	v4 =	vmul.f32 $2.000000030e-01, v2  }
0x110: {  	vm11 =	vgt.f32 v2, $0.0e+00  }
0x111: {  	v61 =	vsel vm11, v2, v4  }
0x112: {  	[tilespmem:$0x7AF0] =	vst v61  }
0x113: {  	v2 =	vld.idx.msk [tilespmem:v3+s23+$0x0], $0xffff;
	_ =	sdelay $0x7  }
0x114: {  	v2 =	vld.idx.msk [tilespmem:v2+s17+$0x0], $0xffff;
	_ =	sdelay $0x4  }
0x115: {  	v2 =	vadd.f32 v2, v34  }
0x116: {  	v3 =	vor.u32 s26, v62  }
0x117: {  	v4 =	vmul.f32 $2.000000030e-01, v2  }
0x118: {  	vm12 =	vgt.f32 v2, $0.0e+00  }
0x119: {  	v62 =	vsel vm12, v2, v4  }
0x11a: {  	[tilespmem:$0x7B00] =	vst v62  }
0x11b: {  	v2 =	vld.idx.msk [tilespmem:v3+s23+$0x0], $0xffff;
	_ =	sdelay $0x7  }
0x11c: {  	v2 =	vld.idx.msk [tilespmem:v2+s17+$0x0], $0xffff;
	_ =	sdelay $0x4  }
0x11d: {  	v2 =	vadd.f32 v2, v34  }
0x11e: {  	v3 =	vor.u32 s26, v63  }
0x11f: {  	v4 =	vmul.f32 $2.000000030e-01, v2  }
0x120: {  	vm13 =	vgt.f32 v2, $0.0e+00  }
0x121: {  	v63 =	vsel vm13, v2, v4  }
0x122: {  	[tilespmem:$0x7B10] =	vst v63  }
0x123: {  	v2 =	vld.idx.msk [tilespmem:v3+s23+$0x0], $0xffff;
	_ =	sdelay $0x5  }
0x124: {  	v3 =	vmax.f32 v33, $-3.000000010e+38  }
0x125: {  	v3 =	vmax.f32 v3, v35  }
0x126: {  	v3 =	vmax.f32 v3, v36;
	v2 =	vld.idx.msk [tilespmem:v2+s17+$0x0], $0xffff  }
0x127: {  	v4 =	vld [tilespmem:$0x1FEB0];
	v3 =	vmax.f32 v3, v37  }
0x128: {  	v3 =	vmax.f32 v3, v38  }
0x129: {  	v3 =	vmax.f32 v3, v39  }
0x12a: {  	v3 =	vmax.f32 v3, v40  }
0x12b: {  	v3 =	vmax.f32 v3, v41;
	v2 =	vadd.f32 v2, v34  }
0x12c: {  	v4 =	vor.u32 s26, v4;
	v3 =	vmax.f32 v3, v42  }
0x12d: {  	v3 =	vmax.f32 v3, v43;
	v5 =	vmul.f32 $2.000000030e-01, v2  }
0x12e: {  	v3 =	vmax.f32 v3, v44;
	vm14 =	vgt.f32 v2, $0.0e+00  }
0x12f: {  	v3 =	vmax.f32 v3, v45;
	v2 =	vsel vm14, v2, v5  }
0x130: {  	v3 =	vmax.f32 v3, v46;
	[tilespmem:$0x7B20] =	vst v2  }
0x131: {  	v3 =	vmax.f32 v3, v47;
	v4 =	vld.idx.msk [tilespmem:v4+s23+$0x0], $0xffff  }
0x132: {  	v3 =	vmax.f32 v3, v48  }
0x133: {  	v3 =	vmax.f32 v3, v49  }
0x134: {  	v3 =	vmax.f32 v3, v50  }
0x135: {  	v3 =	vmax.f32 v3, v51  }
0x136: {  	v3 =	vmax.f32 v3, v52  }
0x137: {  	v3 =	vmax.f32 v3, v53  }
0x138: {  	v3 =	vmax.f32 v3, v54  }
0x139: {  	v3 =	vmax.f32 v3, v55;
	v4 =	vld.idx.msk [tilespmem:v4+s17+$0x0], $0xffff  }
0x13a: {  	v3 =	vmax.f32 v3, v56  }
0x13b: {  	v3 =	vmax.f32 v3, v57  }
0x13c: {  	v3 =	vmax.f32 v3, v58  }
0x13d: {  	v3 =	vmax.f32 v3, v59  }
0x13e: {  	v3 =	vmax.f32 v3, v60;
	v4 =	vadd.f32 v4, v34  }
0x13f: {  	v3 =	vmax.f32 v3, v61  }
0x140: {  	v3 =	vmax.f32 v3, v62;
	v5 =	vmul.f32 $2.000000030e-01, v4  }
0x141: {  	v3 =	vmax.f32 v3, v63;
	vm15 =	vgt.f32 v4, $0.0e+00  }
0x142: {  	v3 =	vmax.f32 v3, v2;
	v34 =	vsel vm15, v4, v5  }
0x143: {  	v3 =	vmax.f32 v3, v34  }
0x144: {  	v4 =	vsub.f32 v33, v3;
	_ =	sdelay $0x1  }
0x145: {  	v4 =	vmul.f32 $1.442695020e+00, v4  }
0x146: {  	v5 =	vsub.f32 v35, v3  }
0x147: {  	(erf) = vpow2.f32 v4  }
0x148: {  	v4 =	vmul.f32 $1.442695020e+00, v5;
	v5 =	vsub.f32 v36, v3;
	_ =	sdelay $0x1  }
0x149: {  	(erf) = vpow2.f32 v4;
	v4 =	vmul.f32 $1.442695020e+00, v5;
	v5 =	vsub.f32 v37, v3;
	_ =	sdelay $0x1  }
0x14a: {  	(erf) = vpow2.f32 v4;
	v4 =	vmul.f32 $1.442695020e+00, v5;
	v5 =	vsub.f32 v38, v3;
	_ =	sdelay $0x1  }
0x14b: {  	(erf) = vpow2.f32 v4;
	v4 =	vmul.f32 $1.442695020e+00, v5;
	v5 =	vsub.f32 v39, v3;
	_ =	sdelay $0x1  }
0x14c: {  	v33 =	vpop (erf);
	(erf) = vpow2.f32 v4;
	v4 =	vmul.f32 $1.442695020e+00, v5;
	v5 =	vsub.f32 v40, v3;
	_ =	sdelay $0x1  }
0x14d: {  	(erf) = vpow2.f32 v4;
	v4 =	vmul.f32 $1.442695020e+00, v5;
	v5 =	vsub.f32 v41, v3  }
0x14e: {  	v6 =	vadd.f32 $0.0e+00, v33  }
0x14f: {  	v8 =	vsub.f32 v42, v3;
	v7 =	vpop (erf);
	(erf) = vpow2.f32 v4;
	v4 =	vmul.f32 $1.442695020e+00, v5  }
0x150: {  	v6 =	vadd.f32 v6, v7  }
0x151: {  	v9 =	vsub.f32 v43, v3;
	v8 =	vmul.f32 $1.442695020e+00, v8;
	v5 =	vpop (erf)  }
0x152: {  	(erf) = vpow2.f32 v4;
	v6 =	vadd.f32 v6, v5  }
0x153: {  	v10 =	vsub.f32 v44, v3;
	v9 =	vmul.f32 $1.442695020e+00, v9;
	v4 =	vpop (erf)  }
0x154: {  	(erf) = vpow2.f32 v8;
	v6 =	vadd.f32 v6, v4  }
0x155: {  	v11 =	vsub.f32 v45, v3;
	v10 =	vmul.f32 $1.442695020e+00, v10;
	v8 =	vpop (erf)  }
0x156: {  	(erf) = vpow2.f32 v9;
	v6 =	vadd.f32 v6, v8  }
0x157: {  	v12 =	vsub.f32 v46, v3;
	v11 =	vmul.f32 $1.442695020e+00, v11;
	v9 =	vpop (erf)  }
0x158: {  	(erf) = vpow2.f32 v10;
	v6 =	vadd.f32 v6, v9  }
0x159: {  	v13 =	vsub.f32 v47, v3;
	v12 =	vmul.f32 $1.442695020e+00, v12;
	v10 =	vpop (erf)  }
0x15a: {  	(erf) = vpow2.f32 v11;
	v6 =	vadd.f32 v6, v10  }
0x15b: {  	v11 =	vpop (erf);
	(erf) = vpow2.f32 v12;
	v12 =	vmul.f32 $1.442695020e+00, v13;
	v13 =	vsub.f32 v48, v3  }
0x15c: {  	v6 =	vadd.f32 v6, v11  }
0x15d: {  	v15 =	vsub.f32 v49, v3;
	v14 =	vpop (erf);
	(erf) = vpow2.f32 v12;
	v12 =	vmul.f32 $1.442695020e+00, v13  }
0x15e: {  	v6 =	vadd.f32 v6, v14  }
0x15f: {  	v16 =	vsub.f32 v50, v3;
	v15 =	vmul.f32 $1.442695020e+00, v15;
	v13 =	vpop (erf)  }
0x160: {  	(erf) = vpow2.f32 v12;
	v6 =	vadd.f32 v6, v13  }
0x161: {  	v17 =	vsub.f32 v51, v3;
	v16 =	vmul.f32 $1.442695020e+00, v16;
	v12 =	vpop (erf)  }
0x162: {  	(erf) = vpow2.f32 v15;
	v6 =	vadd.f32 v6, v12  }
0x163: {  	v18 =	vsub.f32 v52, v3;
	v17 =	vmul.f32 $1.442695020e+00, v17;
	v15 =	vpop (erf)  }
0x164: {  	(erf) = vpow2.f32 v16;
	v6 =	vadd.f32 v6, v15  }
0x165: {  	v19 =	vsub.f32 v53, v3;
	v18 =	vmul.f32 $1.442695020e+00, v18;
	v16 =	vpop (erf)  }
0x166: {  	(erf) = vpow2.f32 v17;
	v6 =	vadd.f32 v6, v16  }
0x167: {  	v44 =	vsub.f32 v54, v3;
	v19 =	vmul.f32 $1.442695020e+00, v19;
	v17 =	vpop (erf)  }
0x168: {  	(erf) = vpow2.f32 v18;
	v6 =	vadd.f32 v6, v17  }
0x169: {  	v45 =	vsub.f32 v55, v3;
	v18 =	vpop (erf);
	(erf) = vpow2.f32 v19;
	v19 =	vmul.f32 $1.442695020e+00, v44  }
0x16a: {  	v6 =	vadd.f32 v6, v18  }
0x16b: {  	v36 =	vpop (erf);
	(erf) = vpow2.f32 v19;
	v19 =	vmul.f32 $1.442695020e+00, v45  }
0x16c: {  	v46 =	vsub.f32 v56, v3;
	v6 =	vadd.f32 v6, v36  }
0x16d: {  	v35 =	vpop (erf)  }
0x16e: {  	v37 =	vmul.f32 $1.442695020e+00, v46;
	(erf) = vpow2.f32 v19;
	v6 =	vadd.f32 v6, v35  }
0x16f: {  	v47 =	vsub.f32 v57, v3;
	v19 =	vpop (erf)  }
0x170: {  	(erf) = vpow2.f32 v37;
	v6 =	vadd.f32 v6, v19  }
0x171: {  	v49 =	vsub.f32 v58, v3;
	v38 =	vmul.f32 $1.442695020e+00, v47;
	v48 =	vpop (erf)  }
0x172: {  	v6 =	vadd.f32 v6, v48  }
0x173: {  	v39 =	vmul.f32 $1.442695020e+00, v49;
	(erf) = vpow2.f32 v38;
	v50 =	vpop (erf)  }
0x174: {  	v51 =	vsub.f32 v59, v3;
	v6 =	vadd.f32 v6, v50  }
0x175: {  	(erf) = vpow2.f32 v39;
	v52 =	vpop (erf)  }
0x176: {  	v53 =	vsub.f32 v60, v3;
	v40 =	vmul.f32 $1.442695020e+00, v51;
	v6 =	vadd.f32 v6, v52  }
0x177: {  	v55 =	vsub.f32 v61, v3;
	v54 =	vpop (erf)  }
0x178: {  	v41 =	vmul.f32 $1.442695020e+00, v53;
	(erf) = vpow2.f32 v40;
	v6 =	vadd.f32 v6, v54  }
0x179: {  	v57 =	vsub.f32 v62, v3;
	v58 =	vpop (erf)  }
0x17a: {  	v56 =	vmul.f32 $1.442695020e+00, v55;
	(erf) = vpow2.f32 v41;
	v6 =	vadd.f32 v6, v58  }
0x17b: {  	[tilespmem:$0x7950] =	vst v7  }
0x17c: {  	v59 =	vsub.f32 v63, v3;
	v7 =	vmul.f32 $1.442695020e+00, v57;
	[tilespmem:$0x7960] =	vst v5;
	(erf) = vpow2.f32 v56;
	v5 =	vpop (erf)  }
0x17d: {  	[tilespmem:$0x7970] =	vst v4;
	v4 =	vadd.f32 v6, v5  }
0x17e: {  	v2 =	vsub.f32 v2, v3;
	v61 =	vmul.f32 $1.442695020e+00, v59;
	(erf) = vpow2.f32 v7;
	v6 =	vpop (erf)  }
0x17f: {  	[tilespmem:$0x7940] =	vst v33;
	v3 =	vsub.f32 v34, v3;
	v4 =	vadd.f32 v4, v6  }
0x180: {  	v2 =	vmul.f32 $1.442695020e+00, v2;
	[tilespmem:$0x7980] =	vst v8;
	(erf) = vpow2.f32 v61  }
0x181: {  	[tilespmem:$0x7990] =	vst v9;
	v3 =	vmul.f32 $1.442695020e+00, v3;
	v7 =	vpop (erf)  }
0x182: {  	[tilespmem:$0x79A0] =	vst v10;
	(erf) = vpow2.f32 v2;
	v2 =	vadd.f32 v4, v7  }
0x183: {  	[tilespmem:$0x79B0] =	vst v11;
	v4 =	vpop (erf)  }
0x184: {  	[tilespmem:$0x79C0] =	vst v14;
	(erf) = vpow2.f32 v3;
	v2 =	vadd.f32 v2, v4  }
0x185: {  	[tilespmem:$0x79D0] =	vst v13;
	v3 =	vpop (erf)  }
0x186: {  	[tilespmem:$0x79E0] =	vst v12;
	v2 =	vadd.f32 v2, v3  }
0x187: {  	[tilespmem:$0x79F0] =	vst v15;
	v8 =	vpop (erf)  }
0x188: {  	[tilespmem:$0x7A00] =	vst v16;
	v2 =	vadd.f32 v2, v8  }
0x189: {  	[tilespmem:$0x7A10] =	vst v17;
	v9 =	vpop (erf)  }
0x18a: {  	[tilespmem:$0x7A20] =	vst v18;
	v2 =	vadd.f32 v2, v9  }
0x18b: {  	[tilespmem:$0x7A30] =	vst v36;
	v10 =	vpop (erf)  }
0x18c: {  	[tilespmem:$0x7A40] =	vst v35;
	v2 =	vadd.f32 v2, v10  }
0x18d: {  	[tilespmem:$0x7A50] =	vst v19;
	v11 =	vpop (erf)  }
0x18e: {  	[tilespmem:$0x7A60] =	vst v48;
	v2 =	vadd.f32 v2, v11  }
0x18f: {  	[tilespmem:$0x7A70] =	vst v50  }
0x190: {  	[tilespmem:$0x7A80] =	vst v52;
	(erf) = vrcp.f32 v2  }
0x191: {  	[tilespmem:$0x7A90] =	vst v54  }
0x192: {  	[tilespmem:$0x7AA0] =	vst v58  }
0x193: {  	[tilespmem:$0x7AB0] =	vst v5  }
0x194: {  	[tilespmem:$0x7AC0] =	vst v6  }
0x195: {  	[tilespmem:$0x7AD0] =	vst v7  }
0x196: {  	[tilespmem:$0x7AE0] =	vst v4  }
0x197: {  	[tilespmem:$0x7AF0] =	vst v3  }
0x198: {  	[tilespmem:$0x7B00] =	vst v8  }
0x199: {  	[tilespmem:$0x7B10] =	vst v9;
	v2 =	vpop (erf)  }
0x19a: {  	[tilespmem:$0x7B20] =	vst v10;
	v3 =	vmul.f32 v2, v33  }
0x19b: {  	[tilespmem:$0x7B30] =	vst v11  }
0x19c: {  	[tilespmem:s25+$0xFFFFFF00] =	vst v3  }
0x19d: {  	v3 =	vld [tilespmem:$0x7950];
	_ =	sdelay $0x4  }
0x19e: {  	v3 =	vmul.f32 v2, v3;
	_ =	sdelay $0x1  }
0x19f: {  	[tilespmem:s25+$0xFFFFFF10] =	vst v3  }
0x1a0: {  	v3 =	vld [tilespmem:$0x7960];
	_ =	sdelay $0x4  }
0x1a1: {  	v3 =	vmul.f32 v2, v3;
	_ =	sdelay $0x1  }
0x1a2: {  	[tilespmem:s25+$0xFFFFFF20] =	vst v3  }
0x1a3: {  	v3 =	vld [tilespmem:$0x7970];
	_ =	sdelay $0x4  }
0x1a4: {  	v3 =	vmul.f32 v2, v3;
	_ =	sdelay $0x1  }
0x1a5: {  	[tilespmem:s25+$0xFFFFFF30] =	vst v3  }
0x1a6: {  	v3 =	vld [tilespmem:$0x7980];
	_ =	sdelay $0x4  }
0x1a7: {  	v3 =	vmul.f32 v3, v2;
	_ =	sdelay $0x1  }
0x1a8: {  	[tilespmem:s25+$0xFFFFFF40] =	vst v3  }
0x1a9: {  	v3 =	vld [tilespmem:$0x7990];
	_ =	sdelay $0x4  }
0x1aa: {  	v3 =	vmul.f32 v3, v2;
	_ =	sdelay $0x1  }
0x1ab: {  	[tilespmem:s25+$0xFFFFFF50] =	vst v3  }
0x1ac: {  	v3 =	vld [tilespmem:$0x79A0];
	_ =	sdelay $0x4  }
0x1ad: {  	v3 =	vmul.f32 v3, v2;
	_ =	sdelay $0x1  }
0x1ae: {  	[tilespmem:s25+$0xFFFFFF60] =	vst v3  }
0x1af: {  	v3 =	vld [tilespmem:$0x79B0];
	_ =	sdelay $0x4  }
0x1b0: {  	v3 =	vmul.f32 v3, v2;
	_ =	sdelay $0x1  }
0x1b1: {  	[tilespmem:s25+$0xFFFFFF70] =	vst v3  }
0x1b2: {  	v3 =	vld [tilespmem:$0x79C0];
	_ =	sdelay $0x4  }
0x1b3: {  	v3 =	vmul.f32 v3, v2;
	_ =	sdelay $0x1  }
0x1b4: {  	[tilespmem:s25+$0xFFFFFF80] =	vst v3  }
0x1b5: {  	v3 =	vld [tilespmem:$0x79D0];
	_ =	sdelay $0x4  }
0x1b6: {  	v3 =	vmul.f32 v3, v2;
	_ =	sdelay $0x1  }
0x1b7: {  	[tilespmem:s25+$0xFFFFFF90] =	vst v3  }
0x1b8: {  	v3 =	vld [tilespmem:$0x79E0];
	_ =	sdelay $0x4  }
0x1b9: {  	v3 =	vmul.f32 v3, v2;
	_ =	sdelay $0x1  }
0x1ba: {  	[tilespmem:s25+$0xFFFFFFA0] =	vst v3  }
0x1bb: {  	v3 =	vld [tilespmem:$0x79F0];
	_ =	sdelay $0x4  }
0x1bc: {  	v3 =	vmul.f32 v3, v2;
	_ =	sdelay $0x1  }
0x1bd: {  	[tilespmem:s25+$0xFFFFFFB0] =	vst v3  }
0x1be: {  	v3 =	vld [tilespmem:$0x7A00];
	_ =	sdelay $0x4  }
0x1bf: {  	v3 =	vmul.f32 v3, v2;
	_ =	sdelay $0x1  }
0x1c0: {  	[tilespmem:s25+$0xFFFFFFC0] =	vst v3  }
0x1c1: {  	v3 =	vld [tilespmem:$0x7A10];
	_ =	sdelay $0x4  }
0x1c2: {  	v3 =	vmul.f32 v3, v2;
	_ =	sdelay $0x1  }
0x1c3: {  	[tilespmem:s25+$0xFFFFFFD0] =	vst v3  }
0x1c4: {  	v3 =	vld [tilespmem:$0x7A20];
	_ =	sdelay $0x4  }
0x1c5: {  	v3 =	vmul.f32 v3, v2;
	_ =	sdelay $0x1  }
0x1c6: {  	[tilespmem:s25+$0xFFFFFFE0] =	vst v3  }
0x1c7: {  	v3 =	vld [tilespmem:$0x7A30];
	_ =	sdelay $0x4  }
0x1c8: {  	v3 =	vmul.f32 v3, v2;
	_ =	sdelay $0x1  }
0x1c9: {  	[tilespmem:s25+$0xFFFFFFF0] =	vst v3  }
0x1ca: {  	v3 =	vld [tilespmem:$0x7A40];
	_ =	sdelay $0x4  }
0x1cb: {  	v3 =	vmul.f32 v3, v2;
	_ =	sdelay $0x1  }
0x1cc: {  	[tilespmem:s25+$0x0] =	vst v3  }
0x1cd: {  	v3 =	vld [tilespmem:$0x7A50];
	_ =	sdelay $0x4  }
0x1ce: {  	v3 =	vmul.f32 v3, v2;
	_ =	sdelay $0x1  }
0x1cf: {  	[tilespmem:s25+$0x10] =	vst v3  }
0x1d0: {  	v3 =	vld [tilespmem:$0x7A60];
	_ =	sdelay $0x4  }
0x1d1: {  	v3 =	vmul.f32 v3, v2;
	_ =	sdelay $0x1  }
0x1d2: {  	[tilespmem:s25+$0x20] =	vst v3  }
0x1d3: {  	v3 =	vld [tilespmem:$0x7A70];
	_ =	sdelay $0x4  }
0x1d4: {  	v3 =	vmul.f32 v3, v2;
	_ =	sdelay $0x1  }
0x1d5: {  	[tilespmem:s25+$0x30] =	vst v3  }
0x1d6: {  	v3 =	vld [tilespmem:$0x7A80];
	_ =	sdelay $0x4  }
0x1d7: {  	v3 =	vmul.f32 v3, v2;
	_ =	sdelay $0x1  }
0x1d8: {  	[tilespmem:s25+$0x40] =	vst v3  }
0x1d9: {  	v3 =	vld [tilespmem:$0x7A90];
	_ =	sdelay $0x4  }
0x1da: {  	v3 =	vmul.f32 v3, v2;
	_ =	sdelay $0x1  }
0x1db: {  	[tilespmem:s25+$0x50] =	vst v3  }
0x1dc: {  	v3 =	vld [tilespmem:$0x7AA0];
	_ =	sdelay $0x4  }
0x1dd: {  	v3 =	vmul.f32 v3, v2;
	_ =	sdelay $0x1  }
0x1de: {  	[tilespmem:s25+$0x60] =	vst v3  }
0x1df: {  	v3 =	vld [tilespmem:$0x7AB0];
	_ =	sdelay $0x4  }
0x1e0: {  	v3 =	vmul.f32 v3, v2;
	_ =	sdelay $0x1  }
0x1e1: {  	[tilespmem:s25+$0x70] =	vst v3  }
0x1e2: {  	v3 =	vld [tilespmem:$0x7AC0];
	_ =	sdelay $0x4  }
0x1e3: {  	v3 =	vmul.f32 v3, v2;
	_ =	sdelay $0x1  }
0x1e4: {  	[tilespmem:s25+$0x80] =	vst v3  }
0x1e5: {  	v3 =	vld [tilespmem:$0x7AD0];
	_ =	sdelay $0x4  }
0x1e6: {  	v3 =	vmul.f32 v3, v2;
	_ =	sdelay $0x1  }
0x1e7: {  	[tilespmem:s25+$0x90] =	vst v3  }
0x1e8: {  	v3 =	vld [tilespmem:$0x7AE0];
	_ =	sdelay $0x4  }
0x1e9: {  	v3 =	vmul.f32 v3, v2;
	_ =	sdelay $0x1  }
0x1ea: {  	[tilespmem:s25+$0xA0] =	vst v3  }
0x1eb: {  	v3 =	vld [tilespmem:$0x7AF0];
	_ =	sdelay $0x4  }
0x1ec: {  	v3 =	vmul.f32 v3, v2;
	_ =	sdelay $0x1  }
0x1ed: {  	[tilespmem:s25+$0xB0] =	vst v3  }
0x1ee: {  	v3 =	vld [tilespmem:$0x7B00];
	_ =	sdelay $0x4  }
0x1ef: {  	v3 =	vmul.f32 v3, v2;
	_ =	sdelay $0x1  }
0x1f0: {  	[tilespmem:s25+$0xC0] =	vst v3  }
0x1f1: {  	v3 =	vld [tilespmem:$0x7B10];
	_ =	sdelay $0x4  }
0x1f2: {  	v62 =	vld [tilespmem:$0x1FFE0];
	v3 =	vmul.f32 v3, v2  }
0x1f3: {  	v63 =	vld [tilespmem:$0x1FFF0]  }
0x1f4: {  	v14 =	vld [tilespmem:$0x1FF80];
	[tilespmem:s25+$0xD0] =	vst v3  }
0x1f5: {  	v3 =	vld [tilespmem:$0x7B20]  }
0x1f6: {  	v13 =	vld [tilespmem:$0x1FF70]  }
0x1f7: {  	v12 =	vld [tilespmem:$0x1FF60]  }
0x1f8: {  	v15 =	vld [tilespmem:$0x1FF90]  }
0x1f9: {  	v16 =	vld [tilespmem:$0x1FFA0]  }
0x1fa: {  	v17 =	vld [tilespmem:$0x1FFB0];
	v3 =	vmul.f32 v3, v2  }
0x1fb: {  	v18 =	vld [tilespmem:$0x1FFC0]  }
0x1fc: {  	v19 =	vld [tilespmem:$0x1FFD0];
	[tilespmem:s25+$0xE0] =	vst v3  }
0x1fd: {  	v3 =	vld [tilespmem:$0x7B30]  }
0x1fe: {  	v5 =	vld [tilespmem:$0x1FEF0]  }
0x1ff: {  	p1 =	sne.s32 s26, $0x2600;
	v6 =	vld [tilespmem:$0x1FF00]  }
.Ltmp0:
0x200: {  	v7 =	vld [tilespmem:$0x1FF10];
	(pc) =	sbr.rel @p1 .LBB2_2-.Ltmp0, $4  }
0x201: {  	v8 =	vld [tilespmem:$0x1FF20]  }
0x202: {  	v9 =	vld [tilespmem:$0x1FF30];
	v2 =	vmul.f32 v3, v2  }
0x203: {  	v10 =	vld [tilespmem:$0x1FF40]  }
0x204: {  	s24 =	sadd.s32 $0x10, s24;
	s26 =	sadd.s32 $0x200, s26;
	v11 =	vld [tilespmem:$0x1FF50];
	[tilespmem:s25+$0xF0] =	vst v2;
	s25 =	sadd.s32 $0x200, s25  }
.Ltmp1:
0x205: {  	_ = 	snop;
	(pc) =	sbr.rel .LBB2_3-.Ltmp1, $1  }
0x206: {  	_ =	sdelay $0x3  }
.LBB2_12:
0x207: {  	s0 =	sshrl.u32 s26, $0x2;
	v1 =	vmov v22  }
0x208: {  	s23 =	sadd.s32 $0x1, s23;
	v20 =	vmovc v23;
	v21 =	vmovc v24;
	v22 =	vmov v25;
	v23 =	vmov v26;
	v24 =	vmov v27;
	s0 =	sadd.s32 $0x180, s0  }
0x209: {  	v25 =	vmovc v28;
	v26 =	vmovc v29;
	v27 =	vmov v30;
	v28 =	vmov v31;
	v29 =	vmov v32;
	[tilespmem:s16], [sflag:$0x2] =	stream.indirect.gather [spmem:s2], $0x40, s0, s14, $0xb8;
	[tilespmem:$0x1FB40] =	vst v63  }
.LBB2_3:
0x20a: {  	_ =	swait.ge [sflag:s18], $0x2000;
	s25 =	sshll.u32 s23, $0x3  }
0x20b: {  	s0 =	sshll.u32 s23, $0x8;
	s26 =	simm.s32 $0x7BC0;
	[sflag:s18] =	ssyncset.done $0x0  }
0x20c: {  	s28 =	simm.s32 $0x0;
	s24 =	sand.u32 $0xFFFFFE00, s0;
	[sflag:s18] =	ssyncadd.s32 $0xFFFFE000  }
.LBB2_4:
0x20d: {  	v2 =	vld [tilespmem:s26+$0x40]  }
0x20e: {  	v3 =	vld [tilespmem:s26+$0x50]  }
0x20f: {  	v5 =	vld [tilespmem:s26+$0x60]  }
0x210: {  	v6 =	vld [tilespmem:s26+$0x70]  }
0x211: {  	v8 =	vld [tilespmem:s26+$0x0]  }
0x212: {  	s29 =	sadd.s32 s25, s28;
	s0 =	sadd.s32 $0x0, s24;
	v9 =	vld [tilespmem:s26+$0x10]  }
0x213: {  	v10 =	vld [tilespmem:s26+$0x20];
	v33 =	vimm.f32 $0.0e+00;
	v43 =	vimm.f32 $0.0e+00;
	s30 =	sand.u32 $0xB, s29;
	s15 =	sadd.s32 $0x20, s0  }
0x214: {  	v11 =	vld [tilespmem:s26+$0x30];
	v44 =	vimm.f32 $0.0e+00;
	v45 =	vimm.f32 $0.0e+00;
	v37 =	vimm.f32 $0.0e+00;
	s31 =	sadd.s32 $0x30, s0;
	s1 =	sor.u32 s0, s30;
	s0 =	sadd.s32 $0x10, s0  }
0x215: {  	v12 =	vld [tilespmem:s26+$0xFFFFFFC0];
	v38 =	vimm.f32 $0.0e+00;
	v40 =	vimm.f32 $0.0e+00;
	s31 =	sor.u32 s31, s30;
	v7 =	vmov s1;
	s1 =	sor.u32 s15, s30;
	s0 =	sor.u32 s0, s30  }
0x216: {  	v13 =	vld [tilespmem:s26+$0xFFFFFF80];
	v15 =	vmov s31;
	v18 =	vmov s1;
	v19 =	vmov s0  }
0x217: {  	v16 =	vld [tilespmem:s26+$0xFFFFFF90];
	v54 =	vunpack.i.u.bf16.f32 v2;
	v4 =	vunpack.i.l.bf16.f32 v2;
	v53 =	vunpack.i.u.bf16.f32 v3  }
0x218: {  	v17 =	vld [tilespmem:s26+$0xFFFFFFB0];
	v57 =	vunpack.i.l.bf16.f32 v3;
	v52 =	vunpack.i.u.bf16.f32 v5;
	v56 =	vunpack.i.l.bf16.f32 v5  }
0x219: {  	v2 =	vld [tilespmem:s26+$0xFFFFFFA0];
	v41 =	vunpack.i.u.bf16.f32 v6;
	v39 =	vunpack.i.l.bf16.f32 v6;
	v55 =	vunpack.i.u.bf16.f32 v8  }
0x21a: {  	v5 =	vunpack.i.l.bf16.f32 v8;
	v47 =	vunpack.i.u.bf16.f32 v9;
	v48 =	vunpack.i.l.bf16.f32 v9;
	v7 =	vld.idx.msk [tilespmem:v7+s19+$0x0], $0xffff  }
0x21b: {  	v46 =	vunpack.i.u.bf16.f32 v10;
	v3 =	vunpack.i.l.bf16.f32 v10;
	v6 =	vunpack.i.u.bf16.f32 v12  }
0x21c: {  	v14 =	vld [tilespmem:s26+$0xFFFFFFD0];
	v36 =	vunpack.i.u.bf16.f32 v11;
	v34 =	vunpack.i.l.bf16.f32 v11;
	v10 =	vunpack.i.u.bf16.f32 v13  }
0x21d: {  	v9 =	vunpack.i.l.bf16.f32 v13;
	v8 =	vunpack.i.l.bf16.f32 v12;
	v12 =	vunpack.i.u.bf16.f32 v16;
	v13 =	vld [tilespmem:s26+$0xFFFFFFF0]  }
0x21e: {  	v11 =	vunpack.i.l.bf16.f32 v16;
	v16 =	vunpack.i.u.bf16.f32 v17;
	v17 =	vunpack.i.l.bf16.f32 v17;
	v42 =	vld.idx.msk [tilespmem:v15+s19+$0x0], $0xffff  }
0x21f: {  	v15 =	vld [tilespmem:s26+$0xFFFFFFE0];
	v35 =	vunpack.i.u.bf16.f32 v2;
	v9 =	vmul.f32 v9, v7;
	v10 =	vmul.f32 v10, v7  }
0x220: {  	v49 =	vld.idx.msk [tilespmem:v19+s19+$0x0], $0xffff;
	v2 =	vunpack.i.l.bf16.f32 v2;
	v11 =	vmul.f32 v11, v7;
	v12 =	vmul.f32 v12, v7  }
0x221: {  	s31 =	simm.s32 $0x4;
	s0 =	smov.u32 s26;
	v50 =	vmul.f32 v2, v7;
	v51 =	vmul.f32 v35, v7;
	v2 =	vld.idx.msk [tilespmem:v18+s19+$0x0], $0xffff;
	v35 =	vimm.f32 $0.0e+00  }
.LBB2_5:
0x222: {  	p1 =	sne.s32 s31, $0x1C;
	v17 =	vmul.f32 v17, v7;
	v7 =	vmul.f32 v16, v7;
	v16 =	vunpack.i.u.bf16.f32 v14  }
0x223: {  	v14 =	vunpack.i.l.bf16.f32 v14;
	v4 =	vmul.f32 v4, v42;
	v18 =	vmul.f32 v54, v42  }
0x224: {  	v54 =	vmul.f32 v57, v42;
	v53 =	vmul.f32 v53, v42;
	v19 =	vunpack.i.u.bf16.f32 v15  }
0x225: {  	v56 =	vmul.f32 v56, v42;
	v52 =	vmul.f32 v52, v42;
	v15 =	vunpack.i.l.bf16.f32 v15  }
0x226: {  	v57 =	vunpack.i.u.bf16.f32 v13;
	v5 =	vmul.f32 v5, v2;
	v55 =	vmul.f32 v55, v2  }
0x227: {  	v13 =	vunpack.i.l.bf16.f32 v13;
	v8 =	vmul.f32 v8, v49;
	v6 =	vmul.f32 v6, v49  }
0x228: {  	v9 =	vadd.f32 v9, v33;
	v10 =	vadd.f32 v10, v43;
	v14 =	vmul.f32 v14, v49  }
0x229: {  	v11 =	vadd.f32 v11, v44;
	v12 =	vadd.f32 v12, v45;
	v16 =	vmul.f32 v16, v49  }
0x22a: {  	v8 =	vadd.f32 v8, v9;
	v6 =	vadd.f32 v6, v10;
	v9 =	vmul.f32 v48, v2  }
0x22b: {  	v10 =	vadd.f32 v14, v11;
	v11 =	vadd.f32 v16, v12;
	v12 =	vmul.f32 v47, v2  }
0x22c: {  	v3 =	vmul.f32 v3, v2;
	v5 =	vadd.f32 v5, v8;
	v6 =	vadd.f32 v55, v6  }
0x22d: {  	v8 =	vadd.f32 v9, v10;
	v9 =	vadd.f32 v12, v11;
	v10 =	vmul.f32 v46, v2  }
0x22e: {  	s0 =	sadd.s32 $0x100, s0;
	v11 =	vmul.f32 v15, v49;
	v33 =	vadd.f32 v4, v5;
	v43 =	vadd.f32 v18, v6  }
0x22f: {  	v5 =	vmul.f32 v19, v49;
	v44 =	vadd.f32 v54, v8;
	v45 =	vadd.f32 v53, v9;
	v4 =	vld [tilespmem:s0+$0x40]  }
0x230: {  	v12 =	vmul.f32 v13, v49;
	v8 =	vadd.f32 v50, v35;
	v9 =	vadd.f32 v51, v37;
	v6 =	vld [tilespmem:s0+$0x50]  }
0x231: {  	v7 =	vadd.f32 v7, v40;
	v14 =	vadd.f32 v17, v38;
	v15 =	vmul.f32 v57, v49;
	v13 =	vld [tilespmem:s0+$0x60]  }
0x232: {  	v8 =	vadd.f32 v11, v8;
	v5 =	vadd.f32 v5, v9;
	v9 =	vmul.f32 v34, v2;
	v16 =	vld [tilespmem:s0+$0x70]  }
0x233: {  	s1 =	sshll.u32 s31, $0x4;
	v12 =	vadd.f32 v12, v14;
	v7 =	vadd.f32 v15, v7;
	v2 =	vmul.f32 v36, v2;
	v11 =	vld [tilespmem:s0+$0x0]  }
0x234: {  	s1 =	sadd.s32 s24, s1;
	v3 =	vadd.f32 v3, v8;
	v5 =	vadd.f32 v10, v5;
	v8 =	vmul.f32 v39, v42;
	v14 =	vld [tilespmem:s0+$0x10]  }
0x235: {  	s15 =	sor.u32 s1, s30;
	v9 =	vadd.f32 v9, v12;
	v2 =	vadd.f32 v2, v7;
	v7 =	vmul.f32 v41, v42;
	v10 =	vld [tilespmem:s0+$0x20]  }
0x236: {  	s4 =	sadd.s32 $0x30, s1;
	v12 =	vmov s15;
	s15 =	sadd.s32 $0x20, s1;
	v35 =	vadd.f32 v56, v3;
	v37 =	vadd.f32 v52, v5;
	v15 =	vld [tilespmem:s0+$0x30]  }
0x237: {  	s4 =	sor.u32 s4, s30;
	s1 =	sadd.s32 $0x10, s1;
	s15 =	sor.u32 s15, s30;
	v38 =	vadd.f32 v8, v9;
	v40 =	vadd.f32 v7, v2;
	v17 =	vld [tilespmem:s0+$0xFFFFFFC0]  }
0x238: {  	s1 =	sor.u32 s1, s30;
	v18 =	vmov s15;
	v9 =	vmov s4;
	v2 =	vld [tilespmem:s0+$0xFFFFFF80]  }
0x239: {  	v49 =	vmov s1;
	v54 =	vunpack.i.u.bf16.f32 v4;
	v4 =	vunpack.i.l.bf16.f32 v4;
	v19 =	vld [tilespmem:s0+$0xFFFFFF90]  }
0x23a: {  	v53 =	vunpack.i.u.bf16.f32 v6;
	v57 =	vunpack.i.l.bf16.f32 v6;
	v52 =	vunpack.i.u.bf16.f32 v13;
	v50 =	vld [tilespmem:s0+$0xFFFFFFA0]  }
0x23b: {  	v56 =	vunpack.i.l.bf16.f32 v13;
	v41 =	vunpack.i.u.bf16.f32 v16;
	v39 =	vunpack.i.l.bf16.f32 v16;
	v7 =	vld.idx.msk [tilespmem:v12+s19+$0x0], $0xffff  }
0x23c: {  	v55 =	vunpack.i.u.bf16.f32 v11;
	v5 =	vunpack.i.l.bf16.f32 v11;
	v47 =	vunpack.i.u.bf16.f32 v14  }
0x23d: {  	v48 =	vunpack.i.l.bf16.f32 v14;
	v46 =	vunpack.i.u.bf16.f32 v10;
	v3 =	vunpack.i.l.bf16.f32 v10;
	v58 =	vld [tilespmem:s0+$0xFFFFFFB0]  }
0x23e: {  	v36 =	vunpack.i.u.bf16.f32 v15;
	v34 =	vunpack.i.l.bf16.f32 v15;
	v6 =	vunpack.i.u.bf16.f32 v17;
	v14 =	vld [tilespmem:s0+$0xFFFFFFD0]  }
.Ltmp2:
0x23f: {  	v8 =	vunpack.i.l.bf16.f32 v17;
	v10 =	vunpack.i.u.bf16.f32 v2;
	v2 =	vunpack.i.l.bf16.f32 v2;
	v42 =	vld.idx.msk [tilespmem:v9+s19+$0x0], $0xffff;
	(pc) =	sbr.rel @p1 .LBB2_5-.Ltmp2, $4  }
0x240: {  	v12 =	vunpack.i.u.bf16.f32 v19;
	v11 =	vunpack.i.l.bf16.f32 v19;
	v17 =	vunpack.i.u.bf16.f32 v50;
	v15 =	vld [tilespmem:s0+$0xFFFFFFE0]  }
0x241: {  	v19 =	vunpack.i.l.bf16.f32 v50;
	v9 =	vmul.f32 v2, v7;
	v10 =	vmul.f32 v10, v7;
	v13 =	vld [tilespmem:s0+$0xFFFFFFF0]  }
0x242: {  	v11 =	vmul.f32 v11, v7;
	v12 =	vmul.f32 v12, v7;
	v16 =	vunpack.i.u.bf16.f32 v58;
	v2 =	vld.idx.msk [tilespmem:v18+s19+$0x0], $0xffff  }
0x243: {  	s31 =	sadd.s32 $0x4, s31;
	v50 =	vmul.f32 v19, v7;
	v51 =	vmul.f32 v17, v7;
	v17 =	vunpack.i.l.bf16.f32 v58;
	v49 =	vld.idx.msk [tilespmem:v49+s19+$0x0], $0xffff  }
0x244: {  	v17 =	vmul.f32 v17, v7  }
0x245: {  	v7 =	vmul.f32 v16, v7;
	v63 =	vunpack.i.u.bf16.f32 v14;
	v4 =	vmul.f32 v4, v42  }
0x246: {  	v32 =	vunpack.i.l.bf16.f32 v14;
	v18 =	vmul.f32 v54, v42;
	v19 =	vmul.f32 v57, v42  }
0x247: {  	v53 =	vmul.f32 v53, v42;
	v56 =	vmul.f32 v56, v42;
	v9 =	vadd.f32 v9, v33  }
0x248: {  	v52 =	vmul.f32 v52, v42;
	v10 =	vadd.f32 v10, v43;
	v11 =	vadd.f32 v11, v44  }
0x249: {  	v12 =	vadd.f32 v12, v45;
	v58 =	vmul.f32 v39, v42;
	v54 =	vunpack.i.u.bf16.f32 v15  }
0x24a: {  	v15 =	vunpack.i.l.bf16.f32 v15;
	v57 =	vunpack.i.u.bf16.f32 v13;
	v5 =	vmul.f32 v5, v2  }
0x24b: {  	v60 =	vunpack.i.l.bf16.f32 v13;
	v55 =	vmul.f32 v55, v2;
	v61 =	vmul.f32 v48, v2  }
0x24c: {  	v7 =	vadd.f32 v7, v40;
	v43 =	vmul.f32 v46, v2;
	v8 =	vmul.f32 v8, v49  }
0x24d: {  	v46 =	vadd.f32 v50, v35;
	v6 =	vmul.f32 v6, v49;
	v14 =	vmul.f32 v32, v49  }
0x24e: {  	v48 =	vadd.f32 v17, v38;
	v16 =	vmul.f32 v63, v49;
	v44 =	vmul.f32 v15, v49  }
0x24f: {  	v45 =	vmul.f32 v54, v49;
	v13 =	vmul.f32 v60, v49;
	v8 =	vadd.f32 v8, v9  }
0x250: {  	v6 =	vadd.f32 v6, v10;
	v63 =	vadd.f32 v16, v12;
	v16 =	vmul.f32 v47, v2  }
0x251: {  	v49 =	vmul.f32 v57, v49;
	v62 =	vadd.f32 v14, v11;
	v47 =	vadd.f32 v51, v37  }
0x252: {  	v3 =	vmul.f32 v3, v2;
	v13 =	vadd.f32 v13, v48;
	v33 =	vadd.f32 v16, v63  }
0x253: {  	v50 =	vmul.f32 v34, v2;
	v7 =	vadd.f32 v49, v7;
	v5 =	vadd.f32 v5, v8  }
0x254: {  	v6 =	vadd.f32 v55, v6;
	v9 =	vadd.f32 v53, v33;
	v33 =	vmul.u32 $0x2, v0  }
0x255: {  	s0 =	sshll.u32 s29, $0x7;
	v2 =	vmul.f32 v36, v2;
	v32 =	vadd.f32 v61, v62;
	v11 =	vadd.f32 v45, v47  }
0x256: {  	v12 =	vadd.f32 v50, v13;
	v51 =	vor.u32 s0, v33;
	v34 =	vor.u32 $0x1, v33  }
0x257: {  	v4 =	vadd.f32 v4, v5;
	v35 =	vor.u32 $0x20, v33;
	v53 =	vor.u32 s0, v34  }
0x258: {  	v6 =	vadd.f32 v18, v6;
	v36 =	vor.u32 $0x21, v33;
	v54 =	vor.u32 s0, v35  }
0x259: {  	v5 =	vadd.f32 v44, v46;
	v37 =	vor.u32 $0x40, v33;
	v55 =	vor.u32 s0, v36  }
0x25a: {  	v8 =	vadd.f32 v19, v32;
	v38 =	vor.u32 $0x41, v33;
	v57 =	vor.u32 s0, v37  }
0x25b: {  	v3 =	vadd.f32 v3, v5;
	v39 =	vor.u32 $0x60, v33;
	v59 =	vor.u32 s0, v38;
	[tilespmem:v51+s20+$0x0] =	vst.idx.msk $0xffff, v4  }
0x25c: {  	s28 =	sadd.s32 $0x1, s28;
	v10 =	vadd.f32 v43, v11;
	v40 =	vor.u32 $0x61, v33;
	v60 =	vor.u32 s0, v39;
	[tilespmem:v53+s20+$0x0] =	vst.idx.msk $0xffff, v6  }
0x25d: {  	p1 =	sne.s32 s28, $0x4;
	v2 =	vadd.f32 v2, v7;
	v61 =	vor.u32 s0, v40;
	v3 =	vadd.f32 v56, v3;
	[tilespmem:v54+s20+$0x0] =	vst.idx.msk $0xffff, v8  }
.Ltmp3:
0x25e: {  	v62 =	vmul.f32 v41, v42;
	v10 =	vadd.f32 v52, v10;
	[tilespmem:v55+s20+$0x0] =	vst.idx.msk $0xffff, v9;
	(pc) =	sbr.rel @p1 .LBB2_4-.Ltmp3, $4  }
0x25f: {  	v63 =	vadd.f32 v58, v12;
	[tilespmem:v57+s20+$0x0] =	vst.idx.msk $0xffff, v3  }
0x260: {  	v2 =	vadd.f32 v62, v2;
	[tilespmem:v59+s20+$0x0] =	vst.idx.msk $0xffff, v10  }
0x261: {  	[tilespmem:v60+s20+$0x0] =	vst.idx.msk $0xffff, v63  }
0x262: {  	s26 =	sadd.s32 $0x800, s26;
	[tilespmem:v61+s20+$0x0] =	vst.idx.msk $0xffff, v2  }
0x263: {  	s26 =	sshll.u32 s23, $0xA;
	p1 =	seq.s32 s23, $0x27  }
0x264: {  	s0 =	sshrl.u32 @!p1 s26, $0x2  }
0x265: {  	s1 =	simm.s32 @!p1 $0x80;
	s4 =	simm.s32 @!p1 $0x7B40;
	s0 =	sadd.s32 @!p1 $0x100, s0  }
0x266: {  	[tilespmem:s4], [sflag:$0x1] =	stream.indirect.gather @!p1 [spmem:s2], $0x40, s0, s1, $0xb8;
	[tilespmem:$0x1FB40] =	vst v63  }
0x267: {  	v32 =	vmov v29;
	_ =	swait.ge [sflag:s21], $0x2000  }
0x268: {  	v31 =	vmovc v28;
	v30 =	vmovc v27;
	v29 =	vmov v26;
	v28 =	vmov v25;
	v27 =	vmov v24;
	s25 =	sor.u32 $0x4, s25;
	[sflag:s21] =	ssyncset.done $0x0  }
0x269: {  	v26 =	vmovc v23;
	v25 =	vmovc v22;
	v24 =	vmov v21;
	v23 =	vmov v20;
	v22 =	vmov v1;
	s28 =	simm.s32 $0x0;
	s1 =	simm.s32 $0x9BC0;
	[sflag:s21] =	ssyncadd.s32 $0xFFFFE000  }
.LBB2_8:
0x26a: {  	v2 =	vld [tilespmem:s1+$0x40]  }
0x26b: {  	v3 =	vld [tilespmem:s1+$0x50]  }
0x26c: {  	v4 =	vld [tilespmem:s1+$0x60]  }
0x26d: {  	v7 =	vld [tilespmem:s1+$0x70]  }
0x26e: {  	v8 =	vld [tilespmem:s1+$0x0]  }
0x26f: {  	s30 =	sadd.s32 s25, s28;
	v10 =	vld [tilespmem:s1+$0x10]  }
0x270: {  	s0 =	sadd.s32 $0x0, s24;
	v11 =	vld [tilespmem:s1+$0x20];
	s31 =	sand.u32 $0xF, s30  }
0x271: {  	v12 =	vld [tilespmem:s1+$0x30];
	v43 =	vimm.f32 $0.0e+00;
	v51 =	vimm.f32 $0.0e+00;
	s5 =	sadd.s32 $0x20, s0;
	s15 =	sadd.s32 $0x30, s0;
	s4 =	sor.u32 s0, s31  }
0x272: {  	v13 =	vld [tilespmem:s1+$0xFFFFFFC0];
	v52 =	vimm.f32 $0.0e+00;
	v53 =	vimm.f32 $0.0e+00;
	s0 =	sadd.s32 $0x10, s0;
	s15 =	sor.u32 s15, s31;
	v9 =	vmov s4;
	s4 =	sor.u32 s5, s31  }
0x273: {  	v14 =	vld [tilespmem:s1+$0xFFFFFF80];
	v50 =	vimm.f32 $0.0e+00;
	s0 =	sor.u32 s0, s31;
	v15 =	vmov s15;
	v47 =	vmov s4  }
0x274: {  	v17 =	vld [tilespmem:s1+$0xFFFFFF90];
	v48 =	vmov s0;
	v62 =	vunpack.i.u.bf16.f32 v2;
	v5 =	vunpack.i.l.bf16.f32 v2  }
0x275: {  	v19 =	vld [tilespmem:s1+$0xFFFFFFB0];
	v61 =	vunpack.i.u.bf16.f32 v3;
	v6 =	vunpack.i.l.bf16.f32 v3;
	v60 =	vunpack.i.u.bf16.f32 v4  }
0x276: {  	v2 =	vld [tilespmem:s1+$0xFFFFFFA0];
	v4 =	vunpack.i.l.bf16.f32 v4;
	v41 =	vunpack.i.u.bf16.f32 v7;
	v42 =	vunpack.i.l.bf16.f32 v7  }
0x277: {  	v63 =	vunpack.i.u.bf16.f32 v8;
	v7 =	vunpack.i.l.bf16.f32 v8;
	v55 =	vunpack.i.u.bf16.f32 v10;
	v9 =	vld.idx.msk [tilespmem:v9+s19+$0x0], $0xffff  }
0x278: {  	v56 =	vunpack.i.l.bf16.f32 v10;
	v54 =	vunpack.i.u.bf16.f32 v11;
	v3 =	vunpack.i.l.bf16.f32 v11  }
0x279: {  	v8 =	vunpack.i.u.bf16.f32 v13;
	v45 =	vunpack.i.u.bf16.f32 v12;
	v46 =	vunpack.i.l.bf16.f32 v12  }
0x27a: {  	v16 =	vld [tilespmem:s1+$0xFFFFFFD0];
	v12 =	vunpack.i.u.bf16.f32 v14;
	v11 =	vunpack.i.l.bf16.f32 v14;
	v10 =	vunpack.i.l.bf16.f32 v13  }
0x27b: {  	v13 =	vunpack.i.u.bf16.f32 v17;
	v14 =	vunpack.i.l.bf16.f32 v17;
	v17 =	vld [tilespmem:s1+$0xFFFFFFE0];
	v18 =	vunpack.i.u.bf16.f32 v19  }
0x27c: {  	v19 =	vunpack.i.l.bf16.f32 v19;
	v44 =	vld.idx.msk [tilespmem:v15+s19+$0x0], $0xffff;
	v49 =	vunpack.i.u.bf16.f32 v2;
	v11 =	vmul.f32 v11, v9  }
0x27d: {  	v57 =	vld.idx.msk [tilespmem:v48+s19+$0x0], $0xffff;
	v2 =	vunpack.i.l.bf16.f32 v2;
	v12 =	vmul.f32 v12, v9;
	v14 =	vmul.f32 v14, v9  }
0x27e: {  	v48 =	vimm.f32 $0.0e+00;
	v15 =	vmul.f32 v13, v9;
	v58 =	vmul.f32 v2, v9;
	v13 =	vld [tilespmem:s1+$0xFFFFFFF0]  }
0x27f: {  	s29 =	smov.u32 s1;
	s0 =	simm.s32 $0x4;
	v59 =	vmul.f32 v49, v9;
	v2 =	vld.idx.msk [tilespmem:v47+s19+$0x0], $0xffff;
	v47 =	vimm.f32 $0.0e+00;
	v49 =	vimm.f32 $0.0e+00  }
.LBB2_9:
0x280: {  	p2 =	sne.s32 s0, $0x1C;
	v19 =	vmul.f32 v19, v9;
	v9 =	vmul.f32 v18, v9;
	v18 =	vunpack.i.u.bf16.f32 v16  }
0x281: {  	v16 =	vunpack.i.l.bf16.f32 v16;
	v5 =	vmul.f32 v5, v44;
	v62 =	vmul.f32 v62, v44  }
0x282: {  	v6 =	vmul.f32 v6, v44;
	v61 =	vmul.f32 v61, v44;
	v1 =	vunpack.i.u.bf16.f32 v17  }
0x283: {  	v4 =	vmul.f32 v4, v44;
	v60 =	vmul.f32 v60, v44;
	v17 =	vunpack.i.l.bf16.f32 v17  }
0x284: {  	v20 =	vunpack.i.u.bf16.f32 v13;
	v7 =	vmul.f32 v7, v2;
	v63 =	vmul.f32 v63, v2  }
0x285: {  	v13 =	vunpack.i.l.bf16.f32 v13;
	v10 =	vmul.f32 v10, v57;
	v8 =	vmul.f32 v8, v57  }
0x286: {  	v11 =	vadd.f32 v11, v43;
	v12 =	vadd.f32 v12, v51;
	v16 =	vmul.f32 v16, v57  }
0x287: {  	v14 =	vadd.f32 v14, v52;
	v15 =	vadd.f32 v15, v53;
	v18 =	vmul.f32 v18, v57  }
0x288: {  	v10 =	vadd.f32 v10, v11;
	v8 =	vadd.f32 v8, v12;
	v11 =	vmul.f32 v56, v2  }
0x289: {  	v12 =	vadd.f32 v16, v14;
	v14 =	vadd.f32 v18, v15;
	v15 =	vmul.f32 v55, v2  }
0x28a: {  	v3 =	vmul.f32 v3, v2;
	v7 =	vadd.f32 v7, v10;
	v8 =	vadd.f32 v63, v8  }
0x28b: {  	v10 =	vadd.f32 v11, v12;
	v11 =	vadd.f32 v15, v14;
	v12 =	vmul.f32 v54, v2  }
0x28c: {  	s29 =	sadd.s32 $0x100, s29;
	v14 =	vmul.f32 v17, v57;
	v43 =	vadd.f32 v5, v7;
	v51 =	vadd.f32 v62, v8  }
0x28d: {  	v1 =	vmul.f32 v1, v57;
	v52 =	vadd.f32 v6, v10;
	v53 =	vadd.f32 v61, v11;
	v5 =	vld [tilespmem:s29+$0x40]  }
0x28e: {  	v7 =	vadd.f32 v58, v47;
	v8 =	vadd.f32 v59, v49;
	v10 =	vmul.f32 v13, v57;
	v6 =	vld [tilespmem:s29+$0x50]  }
0x28f: {  	v9 =	vadd.f32 v9, v48;
	v15 =	vmul.f32 v20, v57;
	v13 =	vadd.f32 v19, v50;
	v11 =	vld [tilespmem:s29+$0x60]  }
0x290: {  	v7 =	vadd.f32 v14, v7;
	v1 =	vadd.f32 v1, v8;
	v8 =	vmul.f32 v46, v2;
	v16 =	vld [tilespmem:s29+$0x70]  }
0x291: {  	s4 =	sshll.u32 s0, $0x4;
	v9 =	vadd.f32 v15, v9;
	v10 =	vadd.f32 v10, v13;
	v2 =	vmul.f32 v45, v2;
	v14 =	vld [tilespmem:s29+$0x0]  }
0x292: {  	s4 =	sadd.s32 s24, s4;
	v3 =	vadd.f32 v3, v7;
	v1 =	vadd.f32 v12, v1;
	v7 =	vmul.f32 v42, v44;
	v13 =	vld [tilespmem:s29+$0x10]  }
0x293: {  	s15 =	sor.u32 s4, s31;
	v8 =	vadd.f32 v8, v10;
	v2 =	vadd.f32 v2, v9;
	v9 =	vmul.f32 v41, v44;
	v12 =	vld [tilespmem:s29+$0x20]  }
0x294: {  	s5 =	sadd.s32 $0x30, s4;
	v10 =	vmov s15;
	s15 =	sadd.s32 $0x20, s4;
	v47 =	vadd.f32 v4, v3;
	v49 =	vadd.f32 v60, v1;
	v15 =	vld [tilespmem:s29+$0x30]  }
0x295: {  	s5 =	sor.u32 s5, s31;
	s4 =	sadd.s32 $0x10, s4;
	s15 =	sor.u32 s15, s31;
	v50 =	vadd.f32 v7, v8;
	v48 =	vadd.f32 v9, v2;
	v1 =	vld [tilespmem:s29+$0xFFFFFFC0]  }
0x296: {  	v17 =	vmov s5;
	s4 =	sor.u32 s4, s31;
	v19 =	vmov s15;
	v2 =	vld [tilespmem:s29+$0xFFFFFF80]  }
0x297: {  	v20 =	vmov s4;
	v62 =	vunpack.i.u.bf16.f32 v5;
	v5 =	vunpack.i.l.bf16.f32 v5;
	v18 =	vld [tilespmem:s29+$0xFFFFFF90]  }
0x298: {  	v61 =	vunpack.i.u.bf16.f32 v6;
	v6 =	vunpack.i.l.bf16.f32 v6;
	v60 =	vunpack.i.u.bf16.f32 v11;
	v57 =	vld [tilespmem:s29+$0xFFFFFFA0]  }
0x299: {  	v4 =	vunpack.i.l.bf16.f32 v11;
	v41 =	vunpack.i.u.bf16.f32 v16;
	v42 =	vunpack.i.l.bf16.f32 v16;
	v9 =	vld.idx.msk [tilespmem:v10+s19+$0x0], $0xffff  }
0x29a: {  	v63 =	vunpack.i.u.bf16.f32 v14;
	v7 =	vunpack.i.l.bf16.f32 v14;
	v55 =	vunpack.i.u.bf16.f32 v13  }
0x29b: {  	v56 =	vunpack.i.l.bf16.f32 v13;
	v54 =	vunpack.i.u.bf16.f32 v12;
	v3 =	vunpack.i.l.bf16.f32 v12;
	v21 =	vld [tilespmem:s29+$0xFFFFFFB0]  }
0x29c: {  	v45 =	vunpack.i.u.bf16.f32 v15;
	v46 =	vunpack.i.l.bf16.f32 v15;
	v8 =	vunpack.i.u.bf16.f32 v1;
	v16 =	vld [tilespmem:s29+$0xFFFFFFD0]  }
.Ltmp4:
0x29d: {  	v10 =	vunpack.i.l.bf16.f32 v1;
	v12 =	vunpack.i.u.bf16.f32 v2;
	v2 =	vunpack.i.l.bf16.f32 v2;
	v44 =	vld.idx.msk [tilespmem:v17+s19+$0x0], $0xffff;
	(pc) =	sbr.rel @p2 .LBB2_9-.Ltmp4, $4  }
0x29e: {  	v1 =	vunpack.i.u.bf16.f32 v18;
	v14 =	vunpack.i.l.bf16.f32 v18;
	v59 =	vunpack.i.u.bf16.f32 v57;
	v17 =	vld [tilespmem:s29+$0xFFFFFFE0]  }
0x29f: {  	v57 =	vunpack.i.l.bf16.f32 v57;
	v11 =	vmul.f32 v2, v9;
	v12 =	vmul.f32 v12, v9;
	v13 =	vld [tilespmem:s29+$0xFFFFFFF0]  }
0x2a0: {  	v14 =	vmul.f32 v14, v9;
	v15 =	vmul.f32 v1, v9;
	v18 =	vunpack.i.u.bf16.f32 v21;
	v2 =	vld.idx.msk [tilespmem:v19+s19+$0x0], $0xffff  }
0x2a1: {  	s0 =	sadd.s32 $0x4, s0;
	v58 =	vmul.f32 v57, v9;
	v59 =	vmul.f32 v59, v9;
	v19 =	vunpack.i.l.bf16.f32 v21;
	v57 =	vld.idx.msk [tilespmem:v20+s19+$0x0], $0xffff  }
0x2a2: {  	v1 =	vmul.f32 v19, v9;
	v9 =	vmul.f32 v18, v9  }
0x2a3: {  	v18 =	vunpack.i.u.bf16.f32 v16;
	v5 =	vmul.f32 v5, v44;
	v19 =	vmul.f32 v62, v44  }
0x2a4: {  	v16 =	vunpack.i.l.bf16.f32 v16;
	v6 =	vmul.f32 v6, v44;
	v20 =	vmul.f32 v61, v44  }
0x2a5: {  	v4 =	vmul.f32 v4, v44;
	v11 =	vadd.f32 v11, v43;
	v12 =	vadd.f32 v12, v51  }
0x2a6: {  	v60 =	vmul.f32 v60, v44;
	v14 =	vadd.f32 v14, v52;
	v15 =	vadd.f32 v15, v53  }
0x2a7: {  	v21 =	vunpack.i.u.bf16.f32 v17;
	v17 =	vunpack.i.l.bf16.f32 v17;
	v47 =	vadd.f32 v58, v47  }
0x2a8: {  	v49 =	vadd.f32 v59, v49;
	v59 =	vmul.f32 v42, v44;
	v62 =	vunpack.i.u.bf16.f32 v13  }
0x2a9: {  	v53 =	vunpack.i.l.bf16.f32 v13;
	v7 =	vmul.f32 v7, v2;
	v61 =	vmul.f32 v63, v2  }
0x2aa: {  	s0 =	sshll.u32 s30, $0x7;
	v1 =	vadd.f32 v1, v50;
	v63 =	vmul.f32 v56, v2;
	v52 =	vmul.f32 v55, v2  }
0x2ab: {  	v50 =	vor.u32 s0, v33;
	v3 =	vmul.f32 v3, v2;
	v10 =	vmul.f32 v10, v57  }
0x2ac: {  	v9 =	vadd.f32 v9, v48;
	v8 =	vmul.f32 v8, v57;
	v16 =	vmul.f32 v16, v57  }
0x2ad: {  	v18 =	vmul.f32 v18, v57;
	v13 =	vmul.f32 v53, v57;
	v10 =	vadd.f32 v10, v11  }
0x2ae: {  	v53 =	vor.u32 s0, v35;
	v8 =	vadd.f32 v8, v12;
	v43 =	vadd.f32 v16, v14  }
0x2af: {  	v51 =	vadd.f32 v18, v15;
	v12 =	vmul.f32 v54, v2;
	v1 =	vadd.f32 v13, v1  }
0x2b0: {  	v54 =	vmul.f32 v46, v2;
	v7 =	vadd.f32 v7, v10;
	v8 =	vadd.f32 v61, v8  }
0x2b1: {  	v2 =	vmul.f32 v45, v2;
	v55 =	vadd.f32 v63, v43;
	v56 =	vadd.f32 v52, v51  }
0x2b2: {  	v63 =	vmul.f32 v17, v57;
	v43 =	vmul.f32 v21, v57;
	v52 =	vor.u32 s0, v34  }
0x2b3: {  	v51 =	vmul.f32 v62, v57;
	v5 =	vadd.f32 v5, v7;
	v61 =	vadd.f32 v19, v8  }
0x2b4: {  	v6 =	vadd.f32 v6, v55;
	v8 =	vadd.f32 v63, v47;
	v55 =	vor.u32 s0, v36  }
0x2b5: {  	v10 =	vadd.f32 v20, v56;
	v11 =	vadd.f32 v43, v49;
	v56 =	vor.u32 s0, v37  }
0x2b6: {  	v58 =	vor.u32 s0, v38;
	v1 =	vadd.f32 v54, v1;
	v3 =	vadd.f32 v3, v8;
	[tilespmem:v50+s20+$0x0] =	vst.idx.msk $0xffff, v5  }
0x2b7: {  	s28 =	sadd.s32 $0x1, s28;
	v9 =	vadd.f32 v51, v9;
	v57 =	vadd.f32 v12, v11;
	[tilespmem:v52+s20+$0x0] =	vst.idx.msk $0xffff, v61;
	v61 =	vor.u32 s0, v39  }
0x2b8: {  	p2 =	sne.s32 s28, $0x4;
	v62 =	vor.u32 s0, v40;
	v63 =	vmul.f32 v41, v44;
	v3 =	vadd.f32 v4, v3;
	[tilespmem:v53+s20+$0x0] =	vst.idx.msk $0xffff, v6  }
.Ltmp5:
0x2b9: {  	v2 =	vadd.f32 v2, v9;
	v8 =	vadd.f32 v60, v57;
	[tilespmem:v55+s20+$0x0] =	vst.idx.msk $0xffff, v10;
	(pc) =	sbr.rel @p2 .LBB2_8-.Ltmp5, $4  }
0x2ba: {  	v1 =	vadd.f32 v59, v1;
	[tilespmem:v56+s20+$0x0] =	vst.idx.msk $0xffff, v3  }
0x2bb: {  	v2 =	vadd.f32 v63, v2;
	[tilespmem:v58+s20+$0x0] =	vst.idx.msk $0xffff, v8  }
0x2bc: {  	[tilespmem:v61+s20+$0x0] =	vst.idx.msk $0xffff, v1  }
0x2bd: {  	s1 =	sadd.s32 $0x800, s1;
	[tilespmem:v62+s20+$0x0] =	vst.idx.msk $0xffff, v2  }
.Ltmp6:
0x2be: {  	(pc) =	sbr.rel @!p1 .LBB2_12-.Ltmp6, $1  }
0x2bf: {  	_ =	sdelay $0x3  }
0x2c0: {  	s0 =	simm.s32 @p0 $0x0;
	s1 =	simm.s32 @p0 $0xBB40  }
0x2c1: {  	[hbm4b:s9+s0] =	stream.linear.scatter @p0 [tilespmem:s1], [sflag:$0x3], $0x2800, $0x38;
	[tilespmem:$0x1FB40] =	vst v63  }
0x2c2: {  	s0 =	simm.s32 @p0 $0x3  }
0x2c3: {  	_ =	swait.ge @p0 [sflag:s0], $0x2800  }
0x2c4: {  	[sflag:s0] =	ssyncset.done @p0 $0x0  }
0x2c5: {  	s1 =	simm.s32 @!p0 $0xBB40;
	[sflag:s0] =	ssyncadd.s32 @p0 $0xFFFFD800;
	s0 =	simm.s32 @!p0 $0x0  }
0x2c6: {  	[hbm4b:s8+s0] =	stream.linear.scatter @!p0 [tilespmem:s1], [sflag:$0x3], $0xA000, $0x38;
	[tilespmem:$0x1FB40] =	vst v63  }
0x2c7: {  	s0 =	simm.s32 @!p0 $0x3  }
0x2c8: {  	_ =	swait.ge @!p0 [sflag:s0], $0xA000  }
0x2c9: {  	v21 =	vmov v24;
	v24 =	vmov v27;
	v27 =	vmov v30;
	v30 =	vld [tilespmem:$0x1FEC0]  }
0x2ca: {  	v1 =	vmovc v22;
	v22 =	vmov v25;
	v25 =	vmov v28;
	v28 =	vmov v31;
	v31 =	vld [tilespmem:$0x1FED0]  }
0x2cb: {  	v20 =	vmovc v23;
	v23 =	vmov v26;
	v26 =	vmov v29;
	v29 =	vmov v32;
	v32 =	vld [tilespmem:$0x1FEE0]  }
0x2cc: {  	v5 =	vld [tilespmem:$0x1FEF0]  }
0x2cd: {  	v6 =	vld [tilespmem:$0x1FF00]  }
0x2ce: {  	v7 =	vld [tilespmem:$0x1FF10]  }
0x2cf: {  	v8 =	vld [tilespmem:$0x1FF20]  }
0x2d0: {  	v9 =	vld [tilespmem:$0x1FF30]  }
0x2d1: {  	v10 =	vld [tilespmem:$0x1FF40]  }
0x2d2: {  	v11 =	vld [tilespmem:$0x1FF50]  }
0x2d3: {  	v12 =	vld [tilespmem:$0x1FF60]  }
0x2d4: {  	v13 =	vld [tilespmem:$0x1FF70]  }
0x2d5: {  	v14 =	vld [tilespmem:$0x1FF80]  }
0x2d6: {  	s22 =	sadd.s32 $0x1, s22;
	v15 =	vld [tilespmem:$0x1FF90]  }
0x2d7: {  	p1 =	sne.s32 s22, s10;
	v16 =	vld [tilespmem:$0x1FFA0]  }
.Ltmp7:
0x2d8: {  	v17 =	vld [tilespmem:$0x1FFB0];
	(pc) =	sbr.rel @p1 .LBB2_1-.Ltmp7, $4  }
0x2d9: {  	v18 =	vld [tilespmem:$0x1FFC0]  }
0x2da: {  	v19 =	vld [tilespmem:$0x1FFD0]  }
0x2db: {  	[sflag:s0] =	ssyncset.done @!p0 $0x0;
	v62 =	vld [tilespmem:$0x1FFE0]  }
0x2dc: {  	v63 =	vld [tilespmem:$0x1FFF0];
	[sflag:s0] =	ssyncadd.s32 @!p0 $0xFFFF6000  }
0x2dd: {  	_ =	sfence.sel $0x180000  }
0x2de: {  	[bflag:$0x0] =	sbarrier.arrive $0xFFFF  }
0x2df: {  	_ =	strace $0x90000047  }
0x2e0: {  	s0 =	stileid.u32;
	[bflag:$0x2] =	sbarrier.arrive $0xFFFF  }
0x2e1: {  	p0 =	sne.s32 s0, $0x0;
	s0 =	rddreg [dreg:$0x3]  }
0x2e2: {  	s0 =	sadd.s32 @!p0 $0x100000, s0  }
0x2e3: {  	[sflag:s0] =	ssyncadd.tile.s32 @!p0 $0x1;
	_ =	shalt  }
.Lfunc_end2:
_tile_overlayer_lowered:
.L_overlay_start_2:
0x2e4: {  	(tag) =	ssettag $0x2  }
0x2e5: {  	s0 =	rddreg [dreg:$0x0];
	s2 =	stileid.u32  }
0x2e6: {  	s1 =	rddreg [dreg:$0x1];
	p0 =	sne.s32 s2, $0x0  }
0x2e7: {  	s3 =	rddreg [dreg:$0x2];
	[bflag:$0x3] =	sbarrier.arrive $0xFFFF;
	s2 =	simm.s32 @!p0 $0x1C03  }
0x2e8: {  	[timem:s3], [sflag:s2] =	dma.local @!p0 [hbm:s0], s1  }
0x2e9: {  	s0 =	simm.s32 @!p0 $0x3  }
0x2ea: {  	_ =	swait.ge @!p0 [sflag:s0], s1  }
0x2eb: {  	s1 =	ssub.s32 @!p0 $0x0, s1;
	[sflag:s0] =	ssyncset.done @!p0 $0x0  }
0x2ec: {  	[sflag:s0] =	ssyncadd.s32 @!p0 s1  }
0x2ed: {  	[bflag:$0x3] =	sbarrier.arrive $0xFFFF  }
0x2ee: {  	_ =	shalt  }

</sc_bundles>
